<compile_context>
chip_gen: v7x
topology: tpu7x:2x2x1
jax: 0.10.2.dev20260603
libtpu: 0.0.44.dev20260713+nightly
codegen_flags: <defaults>
</compile_context>

<pallas_src>
import functools

import jax
import jax.numpy as jnp
from jax import lax
from jax.experimental import pallas as pl
from jax.experimental.pallas import tpu as pltpu
from jax.experimental.pallas import tpu_sc as plsc

NC = 2
NS = 16
NW = NC * NS
CHUNK = 128


def _pad_rows(n):
    per_tile = -(-n // (NS * CHUNK)) * CHUNK
    return NS * per_tile


def _mesh():
    return plsc.VectorSubcoreMesh(core_axis_name="c", subcore_axis_name="s")


def _zero_rows(buf, rows, width):
    @pl.loop(0, rows)
    def _(i):
        for j in range(width // 16):
            buf[i, pl.ds(j * 16, 16)] = jnp.zeros((16,), jnp.float32)


def _copy_rows_spmem(src_buf, dst_sh, base, rows):
    for b in range(rows // CHUNK):
        pltpu.sync_copy(src_buf, dst_sh.at[pl.ds(base + b * CHUNK, CHUNK)])


def _copy_out_spmem(src_sh, out_hbm, cid, base, rows):
    for b in range(rows // CHUNK):
        pltpu.sync_copy(src_sh.at[pl.ds(base + b * CHUNK, CHUNK)],
                        out_hbm.at[cid, pl.ds(base + b * CHUNK, CHUNK)])


def _edge_chunks(e):
    per_tile = -(-e // (NW * CHUNK))
    return per_tile + (per_tile % 2)


@functools.lru_cache(maxsize=None)
def _make_degree_kernel(n, e):
    nch = _edge_chunks(e)
    npad = _pad_rows(n)

    @functools.partial(
        pl.kernel,
        mesh=_mesh(),
        compiler_params=pltpu.CompilerParams(needs_layout_passes=False),
        out_type=(jax.ShapeDtypeStruct((NW * npad,), jnp.float32),
                  jax.ShapeDtypeStruct((NW * npad,), jnp.float32)),
        scratch_types=[
            pltpu.VMEM((nch, CHUNK), jnp.int32),
            pltpu.VMEM((nch, CHUNK), jnp.int32),
            pltpu.VMEM((npad,), jnp.float32),
            pltpu.VMEM((npad,), jnp.float32),
        ],
    )
    def k(src_hbm, dst_hbm, outs_hbm, outd_hbm,
          src_i, dst_i, cnts_v, cntd_v):
        cid = lax.axis_index("c")
        sid = lax.axis_index("s")
        wid = sid * NC + cid

        pltpu.sync_copy(src_hbm.at[pl.ds(wid * nch, nch)], src_i)
        pltpu.sync_copy(dst_hbm.at[pl.ds(wid * nch, nch)], dst_i)

        @pl.loop(0, npad // 16)
        def _(i):
            cnts_v[pl.ds(i * 16, 16)] = jnp.zeros((16,), jnp.float32)
            cntd_v[pl.ds(i * 16, 16)] = jnp.zeros((16,), jnp.float32)

        ones16 = jnp.ones((16,), jnp.float32)

        @pl.loop(0, nch)
        def _(c):
            for j in range(CHUNK // 16):
                plsc.addupdate_scatter(
                    cnts_v, [src_i[c, pl.ds(j * 16, 16)]], ones16)
                plsc.addupdate_scatter(
                    cntd_v, [dst_i[c, pl.ds(j * 16, 16)]], ones16)

        pltpu.sync_copy(cnts_v, outs_hbm.at[pl.ds(wid * npad, npad)])
        pltpu.sync_copy(cntd_v, outd_hbm.at[pl.ds(wid * npad, npad)])

    return k


IW = 16


@functools.lru_cache(maxsize=None)
def _make_segsum_kernel(n, e, d):
    nch = _edge_chunks(e)
    npad = _pad_rows(n)
    rows_per_tile = npad // NS

    wch = nch // 2

    @functools.partial(
        pl.kernel,
        mesh=_mesh(),
        out_type=jax.ShapeDtypeStruct((NC, npad, d), jnp.float32),
        scratch_types=[
            pltpu.VMEM((wch, CHUNK), jnp.int32),
            pltpu.VMEM((wch, CHUNK), jnp.int32),
            pltpu.VMEM((CHUNK, d), jnp.float32),
            pltpu.VMEM((CHUNK, d), jnp.float32),
            pltpu.VMEM_SHARED((npad, d), jnp.float32),
            pltpu.SemaphoreType.DMA((2,)),
        ],
    )
    def k(z_hbm, src_hbm, dst_hbm, out_hbm,
          src_i, dst_i, bufa, bufb, acc_sh, gsems):
        cid = lax.axis_index("c")
        sid = lax.axis_index("s")
        wid = sid * NC + cid
        cb = wid * nch
        buf = [bufa, bufb]

        _zero_rows(bufa, CHUNK, d)
        base = sid * rows_per_tile
        _copy_rows_spmem(bufa, acc_sh, base, rows_per_tile)
        plsc.subcore_barrier()

        def gather(c, q):
            pltpu.async_copy(z_hbm.at[src_i.at[c]], buf[q], gsems.at[q])

        def gather_wait(q):
            pltpu.make_async_copy(z_hbm.at[src_i.at[0]], buf[q],
                                  gsems.at[q]).wait()

        for w in range(2):
            pltpu.sync_copy(src_hbm.at[pl.ds(cb + w * wch, wch)], src_i)
            pltpu.sync_copy(dst_hbm.at[pl.ds(cb + w * wch, wch)], dst_i)

            gather(0, 0)

            @pl.loop(0, wch // 2)
            def _(h):
                c0 = h * 2
                gather_wait(0)
                gather(c0 + 1, 1)
                pltpu.sync_copy(bufa, acc_sh.at[dst_i.at[c0]], add=True)
                gather_wait(1)

                @pl.when(c0 + 2 < wch)
                def _():
                    gather(c0 + 2, 0)

                pltpu.sync_copy(bufb, acc_sh.at[dst_i.at[c0 + 1]], add=True)

        plsc.subcore_barrier()
        _copy_out_spmem(acc_sh, out_hbm, cid, base, rows_per_tile)

    return k


def _norm_col(parts_ref):
    deg = jnp.sum(parts_ref[...], axis=1, keepdims=True)
    return lax.rsqrt(jnp.maximum(deg, 1.0))


def _tc_pre(x, degs_t, w1t):
    n, d = x.shape
    dh = d // NC
    r = 1000

    def body(x_ref, degs_ref, w_ref, z_ref):
        norm = _norm_col(degs_ref)
        h = x_ref[...] * norm
        z_ref[...] = jnp.dot(h, w_ref[...], preferred_element_type=jnp.float32)

    return pl.pallas_call(
        body,
        grid=(n // r,),
        in_specs=[
            pl.BlockSpec((r, d), lambda i: (i, 0)),
            pl.BlockSpec((r, NW), lambda i: (i, 0)),
            pl.BlockSpec((d, d), lambda i: (0, 0)),
        ],
        out_specs=pl.BlockSpec((r, d), lambda i: (i, 0)),
        out_shape=jax.ShapeDtypeStruct((n, d), jnp.float32),
    )(x, degs_t, w1t)


def _tc_mid(agg_parts, degd_t, degs_t, b1, gamma, beta, a, w2t, n):
    d = agg_parts.shape[-1]
    r = 1000

    def body(agg_ref, degd_ref, degs_ref, b_ref, g_ref, bt_ref, a_ref, w_ref,
             z_ref):
        nd = _norm_col(degd_ref)
        h = (agg_ref[0] + agg_ref[1] + b_ref[...]) * nd
        mean = jnp.mean(h, axis=1, keepdims=True)
        var = jnp.mean((h - mean) ** 2, axis=1, keepdims=True)
        hn = (h - mean) * lax.rsqrt(var + 1e-5) * g_ref[...] + bt_ref[...]
        hp = jnp.where(hn > 0, hn, a_ref[0, 0] * hn)
        ns = _norm_col(degs_ref)
        z_ref[...] = jnp.dot(hp * ns, w_ref[...],
                             preferred_element_type=jnp.float32)

    return pl.pallas_call(
        body,
        grid=(n // r,),
        in_specs=[
            pl.BlockSpec((NC, r, d), lambda i: (0, i, 0)),
            pl.BlockSpec((r, NW), lambda i: (i, 0)),
            pl.BlockSpec((r, NW), lambda i: (i, 0)),
            pl.BlockSpec((1, d), lambda i: (0, 0)),
            pl.BlockSpec((1, d), lambda i: (0, 0)),
            pl.BlockSpec((1, d), lambda i: (0, 0)),
            pl.BlockSpec((1, 1), lambda i: (0, 0), memory_space=pltpu.SMEM),
            pl.BlockSpec((d, d), lambda i: (0, 0)),
        ],
        out_specs=pl.BlockSpec((r, d), lambda i: (i, 0)),
        out_shape=jax.ShapeDtypeStruct((n, d), jnp.float32),
    )(agg_parts, degd_t, degs_t, b1, gamma, beta, a, w2t)


def _tc_post(agg_parts, degd_t, b2, n):
    d = agg_parts.shape[-1]
    r = 1000

    def body(agg_ref, degd_ref, b_ref, o_ref):
        nd = _norm_col(degd_ref)
        o_ref[...] = (agg_ref[0] + agg_ref[1] + b_ref[...]) * nd

    return pl.pallas_call(
        body,
        grid=(n // r,),
        in_specs=[
            pl.BlockSpec((NC, r, d), lambda i: (0, i, 0)),
            pl.BlockSpec((r, NW), lambda i: (i, 0)),
            pl.BlockSpec((1, d), lambda i: (0, 0)),
        ],
        out_specs=pl.BlockSpec((r, d), lambda i: (i, 0)),
        out_shape=jax.ShapeDtypeStruct((n, d), jnp.float32),
    )(agg_parts, degd_t, b2)


def kernel(x, edge_index, W1, b1, ln_gamma, ln_beta, prelu_a, W2, b2):
    n, d = x.shape
    e = edge_index.shape[1]
    src = edge_index[0]
    dst = edge_index[1]

    nch = _edge_chunks(e)
    pad = NW * nch * CHUNK - e
    dst_p = jnp.concatenate([dst, jnp.full((pad,), n, jnp.int32)])
    dst_p = dst_p.reshape(NW * nch, CHUNK)
    src_deg = jnp.concatenate([src, jnp.full((pad,), n, jnp.int32)])
    src_deg = src_deg.reshape(NW * nch, CHUNK)
    src_seg = jnp.concatenate([src, jnp.zeros((pad,), jnp.int32)])
    src_seg = src_seg.reshape(NW * nch, CHUNK)

    degs_parts, degd_parts = _make_degree_kernel(n, e)(src_deg, dst_p)
    npad = _pad_rows(n)
    degs_t = degs_parts.reshape(NW, npad)[:, :n].T
    degd_t = degd_parts.reshape(NW, npad)[:, :n].T

    segsum = _make_segsum_kernel(n, e, d)

    z1 = _tc_pre(x, degs_t, W1.T)
    agg1 = segsum(z1, src_seg, dst_p)
    z2 = _tc_mid(agg1, degd_t, degs_t,
                 b1.reshape(1, d), ln_gamma.reshape(1, d),
                 ln_beta.reshape(1, d), prelu_a.reshape(1, 1), W2.T, n)
    agg2 = segsum(z2, src_seg, dst_p)
    return _tc_post(agg2, degd_t, b2.reshape(1, d), n)

# --- scband reference (transcript-rebuilt; emitter-appended) ---
"""Pipeline reference for scband-gcn-18339510354234 (READ-ONLY COPY).

The authoritative reference and input builder live on the scoring server;
editing this copy changes nothing except your own understanding.
"""

import jax, jax.numpy as jnp
import numpy as np

N_NODES = 10000
N_EDGES = 320000
D = 128


def setup_inputs(seed: int = 0) -> dict:
    key = jax.random.key(seed)
    ks = jax.random.split(key, 6)
    x = jax.random.normal(ks[0], (N_NODES, D), dtype=jnp.float32)
    edge_index = jax.random.randint(ks[1], (2, N_EDGES), 0, N_NODES, dtype=jnp.int32)
    scale = 1.0 / np.sqrt(D)
    W1 = jax.random.uniform(ks[2], (D, D), dtype=jnp.float32, minval=-scale, maxval=scale)
    b1 = jnp.zeros((D,), dtype=jnp.float32)
    ln_gamma = jnp.ones((D,), dtype=jnp.float32)
    ln_beta = jnp.zeros((D,), dtype=jnp.float32)
    prelu_a = jnp.full((1,), 0.25, dtype=jnp.float32)
    W2 = jax.random.uniform(ks[3], (D, D), dtype=jnp.float32, minval=-scale, maxval=scale)
    b2 = jnp.zeros((D,), dtype=jnp.float32)
    return {"x": x, "edge_index": edge_index, "W1": W1, "b1": b1,
            "ln_gamma": ln_gamma, "ln_beta": ln_beta, "prelu_a": prelu_a,
            "W2": W2, "b2": b2}


def _gcn_layer(x, src, dst, W, b):
    n = x.shape[0]
    deg_out = jnp.maximum(jnp.bincount(src, length=n).astype(jnp.float32), 1.0)
    norm_src = deg_out ** -0.5
    h = x * norm_src[:, None]
    msgs = h[src]
    agg = jax.ops.segment_sum(msgs, dst, num_segments=n)
    rst = agg @ W.T + b
    deg_in = jnp.maximum(jnp.bincount(dst, length=n).astype(jnp.float32), 1.0)
    norm_dst = deg_in ** -0.5
    return rst * norm_dst[:, None]


def reference(x, edge_index, W1, b1, ln_gamma, ln_beta, prelu_a, W2, b2):
    src = edge_index[0]
    dst = edge_index[1]
    # layer 1: GraphConv + LayerNorm + PReLU (dropout p=0.0 is identity)
    h = _gcn_layer(x, src, dst, W1, b1)
    mean = jnp.mean(h, axis=-1, keepdims=True)
    var = jnp.var(h, axis=-1, keepdims=True)
    h = (h - mean) / jnp.sqrt(var + 1e-5) * ln_gamma + ln_beta
    h = jnp.where(h > 0, h, prelu_a * h)
    # layer 2: GraphConv (encoding=False -> no norm/activation on last layer)
    h = _gcn_layer(h, src, dst, W2, b2)
    return h

if __name__ == "__main__":
    import jax
    _d = setup_inputs()
    print(jax.jit(kernel)(*tuple(_d.values())))

</pallas_src>

<mosaic_0001>
#map = affine_map<(d0, d1) -> (0, 0)>
#map1 = affine_map<(d0, d1) -> (0)>
module attributes {stable_mosaic.version = 14 : i64} {
  func.func @k(%arg0: i32, %arg1: i32, %arg2: memref<2560x128xi32, #tpu.memory_space<hbm>>, %arg3: memref<2560x128xi32, #tpu.memory_space<hbm>>, %arg4: memref<327680xf32, #tpu.memory_space<hbm>>, %arg5: memref<327680xf32, #tpu.memory_space<hbm>>, %arg6: memref<80x128xi32, #tpu.memory_space<vmem>>, %arg7: memref<80x128xi32, #tpu.memory_space<vmem>>, %arg8: memref<10240xf32, #tpu.memory_space<vmem>>, %arg9: memref<10240xf32, #tpu.memory_space<vmem>>) attributes {dimension_semantics = [#tpu.dimension_semantics<core_parallel>, #tpu.dimension_semantics<subcore_parallel>], iteration_bounds = array<i64: 2, 16>, scalar_prefetch = 0 : i64, scratch_operands = 4 : i64, tpu.core_type = #tpu.core_type<sc_vector_subcore>, window_params = [{transform_indices = #map}, {transform_indices = #map}, {transform_indices = #map1}, {transform_indices = #map1}]} {
    %mul3A = arith.constant 2 : i32
    %mul3A_0 = arith.muli %arg1, %mul3A : i32
    %add3A = arith.addi %mul3A_0, %arg0 : i32
    %mul3A_1 = arith.constant 80 : i32
    %mul3A_2 = arith.muli %add3A, %mul3A_1 : i32
    "tpu.region"() ({
      %run_scoped3A = tpu.sem_alloc : memref<!tpu.dma_semaphore, #tpu.memory_space<semaphore_mem>>
      %dma_start3A = arith.constant 0 : i32
      %dma_start3A_19 = tpu.memref_slice %arg2[%mul3A_2, %dma_start3A] : memref<2560x128xi32, #tpu.memory_space<hbm>> -> memref<80x128xi32, #tpu.memory_space<hbm>>
      %dma_start3A_20 = arith.constant 0 : i32
      %dma_start3A_21 = tpu.memref_slice %arg2[%mul3A_2, %dma_start3A_20] : memref<2560x128xi32, #tpu.memory_space<hbm>> -> memref<80x128xi32, #tpu.memory_space<hbm>>
      tpu.enqueue_dma source(%dma_start3A_21 : memref<80x128xi32, #tpu.memory_space<hbm>>) target(%arg6 : memref<80x128xi32, #tpu.memory_space<vmem>>) target_semaphore(%run_scoped3A : memref<!tpu.dma_semaphore, #tpu.memory_space<semaphore_mem>>)
      %dma_wait3A = arith.constant 0 : i32
      %dma_wait3A_22 = tpu.memref_slice %arg2[%mul3A_2, %dma_wait3A] : memref<2560x128xi32, #tpu.memory_space<hbm>> -> memref<80x128xi32, #tpu.memory_space<hbm>>
      %dma_wait3A_23 = arith.constant 0 : i32
      %dma_wait3A_24 = tpu.memref_slice %arg2[%mul3A_2, %dma_wait3A_23] : memref<2560x128xi32, #tpu.memory_space<hbm>> -> memref<80x128xi32, #tpu.memory_space<hbm>>
      tpu.wait_dma2 semaphore(%run_scoped3A : memref<!tpu.dma_semaphore, #tpu.memory_space<semaphore_mem>>) src(%dma_wait3A_24 : memref<80x128xi32, #tpu.memory_space<hbm>>) dst(%arg6 : memref<80x128xi32, #tpu.memory_space<vmem>>)
      tpu.yield
    }) : () -> ()
    %mul3A_3 = arith.constant 80 : i32
    %mul3A_4 = arith.muli %add3A, %mul3A_3 : i32
    "tpu.region"() ({
      %run_scoped3A = tpu.sem_alloc : memref<!tpu.dma_semaphore, #tpu.memory_space<semaphore_mem>>
      %dma_start3A = arith.constant 0 : i32
      %dma_start3A_19 = tpu.memref_slice %arg3[%mul3A_4, %dma_start3A] : memref<2560x128xi32, #tpu.memory_space<hbm>> -> memref<80x128xi32, #tpu.memory_space<hbm>>
      %dma_start3A_20 = arith.constant 0 : i32
      %dma_start3A_21 = tpu.memref_slice %arg3[%mul3A_4, %dma_start3A_20] : memref<2560x128xi32, #tpu.memory_space<hbm>> -> memref<80x128xi32, #tpu.memory_space<hbm>>
      tpu.enqueue_dma source(%dma_start3A_21 : memref<80x128xi32, #tpu.memory_space<hbm>>) target(%arg7 : memref<80x128xi32, #tpu.memory_space<vmem>>) target_semaphore(%run_scoped3A : memref<!tpu.dma_semaphore, #tpu.memory_space<semaphore_mem>>)
      %dma_wait3A = arith.constant 0 : i32
      %dma_wait3A_22 = tpu.memref_slice %arg3[%mul3A_4, %dma_wait3A] : memref<2560x128xi32, #tpu.memory_space<hbm>> -> memref<80x128xi32, #tpu.memory_space<hbm>>
      %dma_wait3A_23 = arith.constant 0 : i32
      %dma_wait3A_24 = tpu.memref_slice %arg3[%mul3A_4, %dma_wait3A_23] : memref<2560x128xi32, #tpu.memory_space<hbm>> -> memref<80x128xi32, #tpu.memory_space<hbm>>
      tpu.wait_dma2 semaphore(%run_scoped3A : memref<!tpu.dma_semaphore, #tpu.memory_space<semaphore_mem>>) src(%dma_wait3A_24 : memref<80x128xi32, #tpu.memory_space<hbm>>) dst(%arg7 : memref<80x128xi32, #tpu.memory_space<vmem>>)
      tpu.yield
    }) : () -> ()
    %scan3A = arith.constant 0 : i32
    %scan3A_5 = arith.constant 640 : i32
    %scan3A_6 = arith.addi %scan3A, %scan3A_5 : i32
    %scan3A_7 = arith.constant 1 : i32
    scf.for %scan3A_19 = %scan3A to %scan3A_6 step %scan3A_7  : i32 {
      %mul3A_20 = arith.constant 1 : i32
      %mul3A_21 = arith.muli %scan3A_19, %mul3A_20 : i32
      %add3A_22 = arith.constant 0 : i32
      %add3A_23 = arith.addi %add3A_22, %mul3A_21 : i32
      %broadcast_in_dim3A_24 = arith.constant 0.000000e+00 : f32
      %broadcast_in_dim3A_25 = vector.broadcast %broadcast_in_dim3A_24 : f32 to vector<16xf32>
      %mul3A_26 = arith.constant 16 : i32
      %mul3A_27 = arith.muli %add3A_23, %mul3A_26 : i32
      %swap3A = arith.index_cast %mul3A_27 : i32 to index
      %swap3A_28 = tpu.vector_load %arg8[%swap3A] {strides = array<i32>} : memref<10240xf32, #tpu.memory_space<vmem>>, vector<16xf32>,
      tpu.vector_store %arg8[%swap3A], %broadcast_in_dim3A_25 {strides = array<i32>} : memref<10240xf32, #tpu.memory_space<vmem>>, vector<16xf32>,
      %broadcast_in_dim3A_29 = arith.constant 0.000000e+00 : f32
      %broadcast_in_dim3A_30 = vector.broadcast %broadcast_in_dim3A_29 : f32 to vector<16xf32>
      %mul3A_31 = arith.constant 16 : i32
      %mul3A_32 = arith.muli %add3A_23, %mul3A_31 : i32
      %swap3A_33 = arith.index_cast %mul3A_32 : i32 to index
      %swap3A_34 = tpu.vector_load %arg9[%swap3A_33] {strides = array<i32>} : memref<10240xf32, #tpu.memory_space<vmem>>, vector<16xf32>,
      tpu.vector_store %arg9[%swap3A_33], %broadcast_in_dim3A_30 {strides = array<i32>} : memref<10240xf32, #tpu.memory_space<vmem>>, vector<16xf32>,
    }
    %scan3A_8 = arith.constant 640 : i32
    %broadcast_in_dim3A = arith.constant 1.000000e+00 : f32
    %broadcast_in_dim3A_9 = vector.broadcast %broadcast_in_dim3A : f32 to vector<16xf32>
    %scan3A_10 = arith.constant 0 : i32
    %scan3A_11 = arith.constant 80 : i32
    %scan3A_12 = arith.addi %scan3A_10, %scan3A_11 : i32
    %scan3A_13 = arith.constant 1 : i32
    scf.for %scan3A_19 = %scan3A_10 to %scan3A_12 step %scan3A_13  : i32 {
      %mul3A_20 = arith.constant 1 : i32
      %mul3A_21 = arith.muli %scan3A_19, %mul3A_20 : i32
      %add3A_22 = arith.constant 0 : i32
      %add3A_23 = arith.addi %add3A_22, %mul3A_21 : i32
      %get3A = arith.index_cast %add3A_23 : i32 to index
      %get3A_24 = arith.constant 0 : index
      %get3A_25 = tpu.vector_load %arg6[%get3A, %get3A_24] {strides = array<i32>} : memref<80x128xi32, #tpu.memory_space<vmem>>, vector<16xi32>,
      tpu.vector_store_idx %arg8[%get3A_25], %broadcast_in_dim3A_9 {add = true} : memref<10240xf32, #tpu.memory_space<vmem>>[vector<16xi32>], vector<16xf32>,
      %get3A_26 = arith.index_cast %add3A_23 : i32 to index
      %get3A_27 = arith.constant 0 : index
      %get3A_28 = tpu.vector_load %arg7[%get3A_26, %get3A_27] {strides = array<i32>} : memref<80x128xi32, #tpu.memory_space<vmem>>, vector<16xi32>,
      tpu.vector_store_idx %arg9[%get3A_28], %broadcast_in_dim3A_9 {add = true} : memref<10240xf32, #tpu.memory_space<vmem>>[vector<16xi32>], vector<16xf32>,
      %get3A_29 = arith.index_cast %add3A_23 : i32 to index
      %get3A_30 = arith.constant 16 : index
      %get3A_31 = tpu.vector_load %arg6[%get3A_29, %get3A_30] {strides = array<i32>} : memref<80x128xi32, #tpu.memory_space<vmem>>, vector<16xi32>,
      tpu.vector_store_idx %arg8[%get3A_31], %broadcast_in_dim3A_9 {add = true} : memref<10240xf32, #tpu.memory_space<vmem>>[vector<16xi32>], vector<16xf32>,
      %get3A_32 = arith.index_cast %add3A_23 : i32 to index
      %get3A_33 = arith.constant 16 : index
      %get3A_34 = tpu.vector_load %arg7[%get3A_32, %get3A_33] {strides = array<i32>} : memref<80x128xi32, #tpu.memory_space<vmem>>, vector<16xi32>,
      tpu.vector_store_idx %arg9[%get3A_34], %broadcast_in_dim3A_9 {add = true} : memref<10240xf32, #tpu.memory_space<vmem>>[vector<16xi32>], vector<16xf32>,
      %get3A_35 = arith.index_cast %add3A_23 : i32 to index
      %get3A_36 = arith.constant 32 : index
      %get3A_37 = tpu.vector_load %arg6[%get3A_35, %get3A_36] {strides = array<i32>} : memref<80x128xi32, #tpu.memory_space<vmem>>, vector<16xi32>,
      tpu.vector_store_idx %arg8[%get3A_37], %broadcast_in_dim3A_9 {add = true} : memref<10240xf32, #tpu.memory_space<vmem>>[vector<16xi32>], vector<16xf32>,
      %get3A_38 = arith.index_cast %add3A_23 : i32 to index
      %get3A_39 = arith.constant 32 : index
      %get3A_40 = tpu.vector_load %arg7[%get3A_38, %get3A_39] {strides = array<i32>} : memref<80x128xi32, #tpu.memory_space<vmem>>, vector<16xi32>,
      tpu.vector_store_idx %arg9[%get3A_40], %broadcast_in_dim3A_9 {add = true} : memref<10240xf32, #tpu.memory_space<vmem>>[vector<16xi32>], vector<16xf32>,
      %get3A_41 = arith.index_cast %add3A_23 : i32 to index
      %get3A_42 = arith.constant 48 : index
      %get3A_43 = tpu.vector_load %arg6[%get3A_41, %get3A_42] {strides = array<i32>} : memref<80x128xi32, #tpu.memory_space<vmem>>, vector<16xi32>,
      tpu.vector_store_idx %arg8[%get3A_43], %broadcast_in_dim3A_9 {add = true} : memref<10240xf32, #tpu.memory_space<vmem>>[vector<16xi32>], vector<16xf32>,
      %get3A_44 = arith.index_cast %add3A_23 : i32 to index
      %get3A_45 = arith.constant 48 : index
      %get3A_46 = tpu.vector_load %arg7[%get3A_44, %get3A_45] {strides = array<i32>} : memref<80x128xi32, #tpu.memory_space<vmem>>, vector<16xi32>,
      tpu.vector_store_idx %arg9[%get3A_46], %broadcast_in_dim3A_9 {add = true} : memref<10240xf32, #tpu.memory_space<vmem>>[vector<16xi32>], vector<16xf32>,
      %get3A_47 = arith.index_cast %add3A_23 : i32 to index
      %get3A_48 = arith.constant 64 : index
      %get3A_49 = tpu.vector_load %arg6[%get3A_47, %get3A_48] {strides = array<i32>} : memref<80x128xi32, #tpu.memory_space<vmem>>, vector<16xi32>,
      tpu.vector_store_idx %arg8[%get3A_49], %broadcast_in_dim3A_9 {add = true} : memref<10240xf32, #tpu.memory_space<vmem>>[vector<16xi32>], vector<16xf32>,
      %get3A_50 = arith.index_cast %add3A_23 : i32 to index
      %get3A_51 = arith.constant 64 : index
      %get3A_52 = tpu.vector_load %arg7[%get3A_50, %get3A_51] {strides = array<i32>} : memref<80x128xi32, #tpu.memory_space<vmem>>, vector<16xi32>,
      tpu.vector_store_idx %arg9[%get3A_52], %broadcast_in_dim3A_9 {add = true} : memref<10240xf32, #tpu.memory_space<vmem>>[vector<16xi32>], vector<16xf32>,
      %get3A_53 = arith.index_cast %add3A_23 : i32 to index
      %get3A_54 = arith.constant 80 : index
      %get3A_55 = tpu.vector_load %arg6[%get3A_53, %get3A_54] {strides = array<i32>} : memref<80x128xi32, #tpu.memory_space<vmem>>, vector<16xi32>,
      tpu.vector_store_idx %arg8[%get3A_55], %broadcast_in_dim3A_9 {add = true} : memref<10240xf32, #tpu.memory_space<vmem>>[vector<16xi32>], vector<16xf32>,
      %get3A_56 = arith.index_cast %add3A_23 : i32 to index
      %get3A_57 = arith.constant 80 : index
      %get3A_58 = tpu.vector_load %arg7[%get3A_56, %get3A_57] {strides = array<i32>} : memref<80x128xi32, #tpu.memory_space<vmem>>, vector<16xi32>,
      tpu.vector_store_idx %arg9[%get3A_58], %broadcast_in_dim3A_9 {add = true} : memref<10240xf32, #tpu.memory_space<vmem>>[vector<16xi32>], vector<16xf32>,
      %get3A_59 = arith.index_cast %add3A_23 : i32 to index
      %get3A_60 = arith.constant 96 : index
      %get3A_61 = tpu.vector_load %arg6[%get3A_59, %get3A_60] {strides = array<i32>} : memref<80x128xi32, #tpu.memory_space<vmem>>, vector<16xi32>,
      tpu.vector_store_idx %arg8[%get3A_61], %broadcast_in_dim3A_9 {add = true} : memref<10240xf32, #tpu.memory_space<vmem>>[vector<16xi32>], vector<16xf32>,
      %get3A_62 = arith.index_cast %add3A_23 : i32 to index
      %get3A_63 = arith.constant 96 : index
      %get3A_64 = tpu.vector_load %arg7[%get3A_62, %get3A_63] {strides = array<i32>} : memref<80x128xi32, #tpu.memory_space<vmem>>, vector<16xi32>,
      tpu.vector_store_idx %arg9[%get3A_64], %broadcast_in_dim3A_9 {add = true} : memref<10240xf32, #tpu.memory_space<vmem>>[vector<16xi32>], vector<16xf32>,
      %get3A_65 = arith.index_cast %add3A_23 : i32 to index
      %get3A_66 = arith.constant 112 : index
      %get3A_67 = tpu.vector_load %arg6[%get3A_65, %get3A_66] {strides = array<i32>} : memref<80x128xi32, #tpu.memory_space<vmem>>, vector<16xi32>,
      tpu.vector_store_idx %arg8[%get3A_67], %broadcast_in_dim3A_9 {add = true} : memref<10240xf32, #tpu.memory_space<vmem>>[vector<16xi32>], vector<16xf32>,
      %get3A_68 = arith.index_cast %add3A_23 : i32 to index
      %get3A_69 = arith.constant 112 : index
      %get3A_70 = tpu.vector_load %arg7[%get3A_68, %get3A_69] {strides = array<i32>} : memref<80x128xi32, #tpu.memory_space<vmem>>, vector<16xi32>,
      tpu.vector_store_idx %arg9[%get3A_70], %broadcast_in_dim3A_9 {add = true} : memref<10240xf32, #tpu.memory_space<vmem>>[vector<16xi32>], vector<16xf32>,
    }
    %scan3A_14 = arith.constant 80 : i32
    %mul3A_15 = arith.constant 10240 : i32
    %mul3A_16 = arith.muli %add3A, %mul3A_15 : i32
    "tpu.region"() ({
      %run_scoped3A = tpu.sem_alloc : memref<!tpu.dma_semaphore, #tpu.memory_space<semaphore_mem>>
      %dma_start3A = tpu.memref_slice %arg4[%mul3A_16] : memref<327680xf32, #tpu.memory_space<hbm>> -> memref<10240xf32, #tpu.memory_space<hbm>>
      %dma_start3A_19 = tpu.memref_slice %arg4[%mul3A_16] : memref<327680xf32, #tpu.memory_space<hbm>> -> memref<10240xf32, #tpu.memory_space<hbm>>
      tpu.enqueue_dma source(%arg8 : memref<10240xf32, #tpu.memory_space<vmem>>) target(%dma_start3A_19 : memref<10240xf32, #tpu.memory_space<hbm>>) target_semaphore(%run_scoped3A : memref<!tpu.dma_semaphore, #tpu.memory_space<semaphore_mem>>)
      %dma_wait3A = tpu.memref_slice %arg4[%mul3A_16] : memref<327680xf32, #tpu.memory_space<hbm>> -> memref<10240xf32, #tpu.memory_space<hbm>>
      %dma_wait3A_20 = tpu.memref_slice %arg4[%mul3A_16] : memref<327680xf32, #tpu.memory_space<hbm>> -> memref<10240xf32, #tpu.memory_space<hbm>>
      tpu.wait_dma2 semaphore(%run_scoped3A : memref<!tpu.dma_semaphore, #tpu.memory_space<semaphore_mem>>) src(%arg8 : memref<10240xf32, #tpu.memory_space<vmem>>) dst(%dma_wait3A_20 : memref<10240xf32, #tpu.memory_space<hbm>>)
      tpu.yield
    }) : () -> ()
    %mul3A_17 = arith.constant 10240 : i32
    %mul3A_18 = arith.muli %add3A, %mul3A_17 : i32
    "tpu.region"() ({
      %run_scoped3A = tpu.sem_alloc : memref<!tpu.dma_semaphore, #tpu.memory_space<semaphore_mem>>
      %dma_start3A = tpu.memref_slice %arg5[%mul3A_18] : memref<327680xf32, #tpu.memory_space<hbm>> -> memref<10240xf32, #tpu.memory_space<hbm>>
      %dma_start3A_19 = tpu.memref_slice %arg5[%mul3A_18] : memref<327680xf32, #tpu.memory_space<hbm>> -> memref<10240xf32, #tpu.memory_space<hbm>>
      tpu.enqueue_dma source(%arg9 : memref<10240xf32, #tpu.memory_space<vmem>>) target(%dma_start3A_19 : memref<10240xf32, #tpu.memory_space<hbm>>) target_semaphore(%run_scoped3A : memref<!tpu.dma_semaphore, #tpu.memory_space<semaphore_mem>>)
      %dma_wait3A = tpu.memref_slice %arg5[%mul3A_18] : memref<327680xf32, #tpu.memory_space<hbm>> -> memref<10240xf32, #tpu.memory_space<hbm>>
      %dma_wait3A_20 = tpu.memref_slice %arg5[%mul3A_18] : memref<327680xf32, #tpu.memory_space<hbm>> -> memref<10240xf32, #tpu.memory_space<hbm>>
      tpu.wait_dma2 semaphore(%run_scoped3A : memref<!tpu.dma_semaphore, #tpu.memory_space<semaphore_mem>>) src(%arg9 : memref<10240xf32, #tpu.memory_space<vmem>>) dst(%dma_wait3A_20 : memref<10240xf32, #tpu.memory_space<hbm>>)
      tpu.yield
    }) : () -> ()
    return
  }
}

#map = affine_map<(d0, d1) -> (0, 0)>
#map1 = affine_map<(d0, d1) -> (0, 0, 0)>
module attributes {stable_mosaic.version = 14 : i64} {
  func.func @k(%arg0: i32, %arg1: i32, %arg2: memref<10000x128xf32, #tpu.memory_space<hbm>>, %arg3: memref<2560x128xi32, #tpu.memory_space<hbm>>, %arg4: memref<2560x128xi32, #tpu.memory_space<hbm>>, %arg5: memref<2x10240x128xf32, #tpu.memory_space<hbm>>, %arg6: memref<40x128xi32, #tpu.memory_space<vmem>>, %arg7: memref<40x128xi32, #tpu.memory_space<vmem>>, %arg8: memref<128x128xf32, #tpu.memory_space<vmem>>, %arg9: memref<128x128xf32, #tpu.memory_space<vmem>>, %arg10: memref<10240x128xf32, #tpu.memory_space<vmem_shared>>, %arg11: memref<2x!tpu.dma_semaphore, #tpu.memory_space<semaphore_mem>>) attributes {dimension_semantics = [#tpu.dimension_semantics<core_parallel>, #tpu.dimension_semantics<subcore_parallel>], iteration_bounds = array<i64: 2, 16>, scalar_prefetch = 0 : i64, scratch_operands = 6 : i64, tpu.core_type = #tpu.core_type<sc_vector_subcore>, window_params = [{transform_indices = #map}, {transform_indices = #map}, {transform_indices = #map}, {transform_indices = #map1}]} {
    %mul3A = arith.constant 2 : i32
    %mul3A_0 = arith.muli %arg1, %mul3A : i32
    %add3A = arith.addi %mul3A_0, %arg0 : i32
    %mul3A_1 = arith.constant 80 : i32
    %mul3A_2 = arith.muli %add3A, %mul3A_1 : i32
    %scan3A = arith.constant 0 : i32
    %scan3A_3 = arith.constant 128 : i32
    %scan3A_4 = arith.addi %scan3A, %scan3A_3 : i32
    %scan3A_5 = arith.constant 1 : i32
    scf.for %scan3A_77 = %scan3A to %scan3A_4 step %scan3A_5  : i32 {
      %mul3A_78 = arith.constant 1 : i32
      %mul3A_79 = arith.muli %scan3A_77, %mul3A_78 : i32
      %add3A_80 = arith.constant 0 : i32
      %add3A_81 = arith.addi %add3A_80, %mul3A_79 : i32
      %broadcast_in_dim3A = arith.constant 0.000000e+00 : f32
      %broadcast_in_dim3A_82 = vector.broadcast %broadcast_in_dim3A : f32 to vector<16xf32>
      %swap3A = arith.index_cast %add3A_81 : i32 to index
      %swap3A_83 = arith.constant 0 : index
      %swap3A_84 = tpu.vector_load %arg8[%swap3A, %swap3A_83] {strides = array<i32>} : memref<128x128xf32, #tpu.memory_space<vmem>>, vector<1x16xf32>,
      %swap3A_85 = vector.shape_cast %swap3A_84 : vector<1x16xf32> to vector<16xf32>
      %swap3A_86 = vector.shape_cast %broadcast_in_dim3A_82 : vector<16xf32> to vector<1x16xf32>
      tpu.vector_store %arg8[%swap3A, %swap3A_83], %swap3A_86 {strides = array<i32>} : memref<128x128xf32, #tpu.memory_space<vmem>>, vector<1x16xf32>,
      %broadcast_in_dim3A_87 = arith.constant 0.000000e+00 : f32
      %broadcast_in_dim3A_88 = vector.broadcast %broadcast_in_dim3A_87 : f32 to vector<16xf32>
      %swap3A_89 = arith.index_cast %add3A_81 : i32 to index
      %swap3A_90 = arith.constant 16 : index
      %swap3A_91 = tpu.vector_load %arg8[%swap3A_89, %swap3A_90] {strides = array<i32>} : memref<128x128xf32, #tpu.memory_space<vmem>>, vector<1x16xf32>,
      %swap3A_92 = vector.shape_cast %swap3A_91 : vector<1x16xf32> to vector<16xf32>
      %swap3A_93 = vector.shape_cast %broadcast_in_dim3A_88 : vector<16xf32> to vector<1x16xf32>
      tpu.vector_store %arg8[%swap3A_89, %swap3A_90], %swap3A_93 {strides = array<i32>} : memref<128x128xf32, #tpu.memory_space<vmem>>, vector<1x16xf32>,
      %broadcast_in_dim3A_94 = arith.constant 0.000000e+00 : f32
      %broadcast_in_dim3A_95 = vector.broadcast %broadcast_in_dim3A_94 : f32 to vector<16xf32>
      %swap3A_96 = arith.index_cast %add3A_81 : i32 to index
      %swap3A_97 = arith.constant 32 : index
      %swap3A_98 = tpu.vector_load %arg8[%swap3A_96, %swap3A_97] {strides = array<i32>} : memref<128x128xf32, #tpu.memory_space<vmem>>, vector<1x16xf32>,
      %swap3A_99 = vector.shape_cast %swap3A_98 : vector<1x16xf32> to vector<16xf32>
      %swap3A_100 = vector.shape_cast %broadcast_in_dim3A_95 : vector<16xf32> to vector<1x16xf32>
      tpu.vector_store %arg8[%swap3A_96, %swap3A_97], %swap3A_100 {strides = array<i32>} : memref<128x128xf32, #tpu.memory_space<vmem>>, vector<1x16xf32>,
      %broadcast_in_dim3A_101 = arith.constant 0.000000e+00 : f32
      %broadcast_in_dim3A_102 = vector.broadcast %broadcast_in_dim3A_101 : f32 to vector<16xf32>
      %swap3A_103 = arith.index_cast %add3A_81 : i32 to index
      %swap3A_104 = arith.constant 48 : index
      %swap3A_105 = tpu.vector_load %arg8[%swap3A_103, %swap3A_104] {strides = array<i32>} : memref<128x128xf32, #tpu.memory_space<vmem>>, vector<1x16xf32>,
      %swap3A_106 = vector.shape_cast %swap3A_105 : vector<1x16xf32> to vector<16xf32>
      %swap3A_107 = vector.shape_cast %broadcast_in_dim3A_102 : vector<16xf32> to vector<1x16xf32>
      tpu.vector_store %arg8[%swap3A_103, %swap3A_104], %swap3A_107 {strides = array<i32>} : memref<128x128xf32, #tpu.memory_space<vmem>>, vector<1x16xf32>,
      %broadcast_in_dim3A_108 = arith.constant 0.000000e+00 : f32
      %broadcast_in_dim3A_109 = vector.broadcast %broadcast_in_dim3A_108 : f32 to vector<16xf32>
      %swap3A_110 = arith.index_cast %add3A_81 : i32 to index
      %swap3A_111 = arith.constant 64 : index
      %swap3A_112 = tpu.vector_load %arg8[%swap3A_110, %swap3A_111] {strides = array<i32>} : memref<128x128xf32, #tpu.memory_space<vmem>>, vector<1x16xf32>,
      %swap3A_113 = vector.shape_cast %swap3A_112 : vector<1x16xf32> to vector<16xf32>
      %swap3A_114 = vector.shape_cast %broadcast_in_dim3A_109 : vector<16xf32> to vector<1x16xf32>
      tpu.vector_store %arg8[%swap3A_110, %swap3A_111], %swap3A_114 {strides = array<i32>} : memref<128x128xf32, #tpu.memory_space<vmem>>, vector<1x16xf32>,
      %broadcast_in_dim3A_115 = arith.constant 0.000000e+00 : f32
      %broadcast_in_dim3A_116 = vector.broadcast %broadcast_in_dim3A_115 : f32 to vector<16xf32>
      %swap3A_117 = arith.index_cast %add3A_81 : i32 to index
      %swap3A_118 = arith.constant 80 : index
      %swap3A_119 = tpu.vector_load %arg8[%swap3A_117, %swap3A_118] {strides = array<i32>} : memref<128x128xf32, #tpu.memory_space<vmem>>, vector<1x16xf32>,
      %swap3A_120 = vector.shape_cast %swap3A_119 : vector<1x16xf32> to vector<16xf32>
      %swap3A_121 = vector.shape_cast %broadcast_in_dim3A_116 : vector<16xf32> to vector<1x16xf32>
      tpu.vector_store %arg8[%swap3A_117, %swap3A_118], %swap3A_121 {strides = array<i32>} : memref<128x128xf32, #tpu.memory_space<vmem>>, vector<1x16xf32>,
      %broadcast_in_dim3A_122 = arith.constant 0.000000e+00 : f32
      %broadcast_in_dim3A_123 = vector.broadcast %broadcast_in_dim3A_122 : f32 to vector<16xf32>
      %swap3A_124 = arith.index_cast %add3A_81 : i32 to index
      %swap3A_125 = arith.constant 96 : index
      %swap3A_126 = tpu.vector_load %arg8[%swap3A_124, %swap3A_125] {strides = array<i32>} : memref<128x128xf32, #tpu.memory_space<vmem>>, vector<1x16xf32>,
      %swap3A_127 = vector.shape_cast %swap3A_126 : vector<1x16xf32> to vector<16xf32>
      %swap3A_128 = vector.shape_cast %broadcast_in_dim3A_123 : vector<16xf32> to vector<1x16xf32>
      tpu.vector_store %arg8[%swap3A_124, %swap3A_125], %swap3A_128 {strides = array<i32>} : memref<128x128xf32, #tpu.memory_space<vmem>>, vector<1x16xf32>,
      %broadcast_in_dim3A_129 = arith.constant 0.000000e+00 : f32
      %broadcast_in_dim3A_130 = vector.broadcast %broadcast_in_dim3A_129 : f32 to vector<16xf32>
      %swap3A_131 = arith.index_cast %add3A_81 : i32 to index
      %swap3A_132 = arith.constant 112 : index
      %swap3A_133 = tpu.vector_load %arg8[%swap3A_131, %swap3A_132] {strides = array<i32>} : memref<128x128xf32, #tpu.memory_space<vmem>>, vector<1x16xf32>,
      %swap3A_134 = vector.shape_cast %swap3A_133 : vector<1x16xf32> to vector<16xf32>
      %swap3A_135 = vector.shape_cast %broadcast_in_dim3A_130 : vector<16xf32> to vector<1x16xf32>
      tpu.vector_store %arg8[%swap3A_131, %swap3A_132], %swap3A_135 {strides = array<i32>} : memref<128x128xf32, #tpu.memory_space<vmem>>, vector<1x16xf32>,
    }
    %scan3A_6 = arith.constant 128 : i32
    %mul3A_7 = arith.constant 640 : i32
    %mul3A_8 = arith.muli %arg1, %mul3A_7 : i32
    %add3A_9 = arith.constant 0 : i32
    %add3A_10 = arith.addi %mul3A_8, %add3A_9 : i32
    "tpu.region"() ({
      %run_scoped3A = tpu.sem_alloc : memref<!tpu.dma_semaphore, #tpu.memory_space<semaphore_mem>>
      %dma_start3A_77 = arith.constant 0 : i32
      %dma_start3A_78 = tpu.memref_slice %arg10[%add3A_10, %dma_start3A_77] : memref<10240x128xf32, #tpu.memory_space<vmem_shared>> -> memref<128x128xf32, #tpu.memory_space<vmem_shared>>
      %dma_start3A_79 = arith.constant 0 : i32
      %dma_start3A_80 = tpu.memref_slice %arg10[%add3A_10, %dma_start3A_79] : memref<10240x128xf32, #tpu.memory_space<vmem_shared>> -> memref<128x128xf32, #tpu.memory_space<vmem_shared>>
      tpu.enqueue_dma source(%arg8 : memref<128x128xf32, #tpu.memory_space<vmem>>) target(%dma_start3A_80 : memref<128x128xf32, #tpu.memory_space<vmem_shared>>) target_semaphore(%run_scoped3A : memref<!tpu.dma_semaphore, #tpu.memory_space<semaphore_mem>>)
      %dma_wait3A = arith.constant 0 : i32
      %dma_wait3A_81 = tpu.memref_slice %arg10[%add3A_10, %dma_wait3A] : memref<10240x128xf32, #tpu.memory_space<vmem_shared>> -> memref<128x128xf32, #tpu.memory_space<vmem_shared>>
      %dma_wait3A_82 = arith.constant 0 : i32
      %dma_wait3A_83 = tpu.memref_slice %arg10[%add3A_10, %dma_wait3A_82] : memref<10240x128xf32, #tpu.memory_space<vmem_shared>> -> memref<128x128xf32, #tpu.memory_space<vmem_shared>>
      tpu.wait_dma2 semaphore(%run_scoped3A : memref<!tpu.dma_semaphore, #tpu.memory_space<semaphore_mem>>) src(%arg8 : memref<128x128xf32, #tpu.memory_space<vmem>>) dst(%dma_wait3A_83 : memref<128x128xf32, #tpu.memory_space<vmem_shared>>)
      tpu.yield
    }) : () -> ()
    %add3A_11 = arith.constant 128 : i32
    %add3A_12 = arith.addi %mul3A_8, %add3A_11 : i32
    "tpu.region"() ({
      %run_scoped3A = tpu.sem_alloc : memref<!tpu.dma_semaphore, #tpu.memory_space<semaphore_mem>>
      %dma_start3A_77 = arith.constant 0 : i32
      %dma_start3A_78 = tpu.memref_slice %arg10[%add3A_12, %dma_start3A_77] : memref<10240x128xf32, #tpu.memory_space<vmem_shared>> -> memref<128x128xf32, #tpu.memory_space<vmem_shared>>
      %dma_start3A_79 = arith.constant 0 : i32
      %dma_start3A_80 = tpu.memref_slice %arg10[%add3A_12, %dma_start3A_79] : memref<10240x128xf32, #tpu.memory_space<vmem_shared>> -> memref<128x128xf32, #tpu.memory_space<vmem_shared>>
      tpu.enqueue_dma source(%arg8 : memref<128x128xf32, #tpu.memory_space<vmem>>) target(%dma_start3A_80 : memref<128x128xf32, #tpu.memory_space<vmem_shared>>) target_semaphore(%run_scoped3A : memref<!tpu.dma_semaphore, #tpu.memory_space<semaphore_mem>>)
      %dma_wait3A = arith.constant 0 : i32
      %dma_wait3A_81 = tpu.memref_slice %arg10[%add3A_12, %dma_wait3A] : memref<10240x128xf32, #tpu.memory_space<vmem_shared>> -> memref<128x128xf32, #tpu.memory_space<vmem_shared>>
      %dma_wait3A_82 = arith.constant 0 : i32
      %dma_wait3A_83 = tpu.memref_slice %arg10[%add3A_12, %dma_wait3A_82] : memref<10240x128xf32, #tpu.memory_space<vmem_shared>> -> memref<128x128xf32, #tpu.memory_space<vmem_shared>>
      tpu.wait_dma2 semaphore(%run_scoped3A : memref<!tpu.dma_semaphore, #tpu.memory_space<semaphore_mem>>) src(%arg8 : memref<128x128xf32, #tpu.memory_space<vmem>>) dst(%dma_wait3A_83 : memref<128x128xf32, #tpu.memory_space<vmem_shared>>)
      tpu.yield
    }) : () -> ()
    %add3A_13 = arith.constant 256 : i32
    %add3A_14 = arith.addi %mul3A_8, %add3A_13 : i32
    "tpu.region"() ({
      %run_scoped3A = tpu.sem_alloc : memref<!tpu.dma_semaphore, #tpu.memory_space<semaphore_mem>>
      %dma_start3A_77 = arith.constant 0 : i32
      %dma_start3A_78 = tpu.memref_slice %arg10[%add3A_14, %dma_start3A_77] : memref<10240x128xf32, #tpu.memory_space<vmem_shared>> -> memref<128x128xf32, #tpu.memory_space<vmem_shared>>
      %dma_start3A_79 = arith.constant 0 : i32
      %dma_start3A_80 = tpu.memref_slice %arg10[%add3A_14, %dma_start3A_79] : memref<10240x128xf32, #tpu.memory_space<vmem_shared>> -> memref<128x128xf32, #tpu.memory_space<vmem_shared>>
      tpu.enqueue_dma source(%arg8 : memref<128x128xf32, #tpu.memory_space<vmem>>) target(%dma_start3A_80 : memref<128x128xf32, #tpu.memory_space<vmem_shared>>) target_semaphore(%run_scoped3A : memref<!tpu.dma_semaphore, #tpu.memory_space<semaphore_mem>>)
      %dma_wait3A = arith.constant 0 : i32
      %dma_wait3A_81 = tpu.memref_slice %arg10[%add3A_14, %dma_wait3A] : memref<10240x128xf32, #tpu.memory_space<vmem_shared>> -> memref<128x128xf32, #tpu.memory_space<vmem_shared>>
      %dma_wait3A_82 = arith.constant 0 : i32
      %dma_wait3A_83 = tpu.memref_slice %arg10[%add3A_14, %dma_wait3A_82] : memref<10240x128xf32, #tpu.memory_space<vmem_shared>> -> memref<128x128xf32, #tpu.memory_space<vmem_shared>>
      tpu.wait_dma2 semaphore(%run_scoped3A : memref<!tpu.dma_semaphore, #tpu.memory_space<semaphore_mem>>) src(%arg8 : memref<128x128xf32, #tpu.memory_space<vmem>>) dst(%dma_wait3A_83 : memref<128x128xf32, #tpu.memory_space<vmem_shared>>)
      tpu.yield
    }) : () -> ()
    %add3A_15 = arith.constant 384 : i32
    %add3A_16 = arith.addi %mul3A_8, %add3A_15 : i32
    "tpu.region"() ({
      %run_scoped3A = tpu.sem_alloc : memref<!tpu.dma_semaphore, #tpu.memory_space<semaphore_mem>>
      %dma_start3A_77 = arith.constant 0 : i32
      %dma_start3A_78 = tpu.memref_slice %arg10[%add3A_16, %dma_start3A_77] : memref<10240x128xf32, #tpu.memory_space<vmem_shared>> -> memref<128x128xf32, #tpu.memory_space<vmem_shared>>
      %dma_start3A_79 = arith.constant 0 : i32
      %dma_start3A_80 = tpu.memref_slice %arg10[%add3A_16, %dma_start3A_79] : memref<10240x128xf32, #tpu.memory_space<vmem_shared>> -> memref<128x128xf32, #tpu.memory_space<vmem_shared>>
      tpu.enqueue_dma source(%arg8 : memref<128x128xf32, #tpu.memory_space<vmem>>) target(%dma_start3A_80 : memref<128x128xf32, #tpu.memory_space<vmem_shared>>) target_semaphore(%run_scoped3A : memref<!tpu.dma_semaphore, #tpu.memory_space<semaphore_mem>>)
      %dma_wait3A = arith.constant 0 : i32
      %dma_wait3A_81 = tpu.memref_slice %arg10[%add3A_16, %dma_wait3A] : memref<10240x128xf32, #tpu.memory_space<vmem_shared>> -> memref<128x128xf32, #tpu.memory_space<vmem_shared>>
      %dma_wait3A_82 = arith.constant 0 : i32
      %dma_wait3A_83 = tpu.memref_slice %arg10[%add3A_16, %dma_wait3A_82] : memref<10240x128xf32, #tpu.memory_space<vmem_shared>> -> memref<128x128xf32, #tpu.memory_space<vmem_shared>>
      tpu.wait_dma2 semaphore(%run_scoped3A : memref<!tpu.dma_semaphore, #tpu.memory_space<semaphore_mem>>) src(%arg8 : memref<128x128xf32, #tpu.memory_space<vmem>>) dst(%dma_wait3A_83 : memref<128x128xf32, #tpu.memory_space<vmem_shared>>)
      tpu.yield
    }) : () -> ()
    %add3A_17 = arith.constant 512 : i32
    %add3A_18 = arith.addi %mul3A_8, %add3A_17 : i32
    "tpu.region"() ({
      %run_scoped3A = tpu.sem_alloc : memref<!tpu.dma_semaphore, #tpu.memory_space<semaphore_mem>>
      %dma_start3A_77 = arith.constant 0 : i32
      %dma_start3A_78 = tpu.memref_slice %arg10[%add3A_18, %dma_start3A_77] : memref<10240x128xf32, #tpu.memory_space<vmem_shared>> -> memref<128x128xf32, #tpu.memory_space<vmem_shared>>
      %dma_start3A_79 = arith.constant 0 : i32
      %dma_start3A_80 = tpu.memref_slice %arg10[%add3A_18, %dma_start3A_79] : memref<10240x128xf32, #tpu.memory_space<vmem_shared>> -> memref<128x128xf32, #tpu.memory_space<vmem_shared>>
      tpu.enqueue_dma source(%arg8 : memref<128x128xf32, #tpu.memory_space<vmem>>) target(%dma_start3A_80 : memref<128x128xf32, #tpu.memory_space<vmem_shared>>) target_semaphore(%run_scoped3A : memref<!tpu.dma_semaphore, #tpu.memory_space<semaphore_mem>>)
      %dma_wait3A = arith.constant 0 : i32
      %dma_wait3A_81 = tpu.memref_slice %arg10[%add3A_18, %dma_wait3A] : memref<10240x128xf32, #tpu.memory_space<vmem_shared>> -> memref<128x128xf32, #tpu.memory_space<vmem_shared>>
      %dma_wait3A_82 = arith.constant 0 : i32
      %dma_wait3A_83 = tpu.memref_slice %arg10[%add3A_18, %dma_wait3A_82] : memref<10240x128xf32, #tpu.memory_space<vmem_shared>> -> memref<128x128xf32, #tpu.memory_space<vmem_shared>>
      tpu.wait_dma2 semaphore(%run_scoped3A : memref<!tpu.dma_semaphore, #tpu.memory_space<semaphore_mem>>) src(%arg8 : memref<128x128xf32, #tpu.memory_space<vmem>>) dst(%dma_wait3A_83 : memref<128x128xf32, #tpu.memory_space<vmem_shared>>)
      tpu.yield
    }) : () -> ()
    %barrier3A = arith.constant 0 : index
    tpu.barrier barrier_id(%barrier3A)
    %add3A_19 = arith.constant 0 : i32
    %add3A_20 = arith.addi %mul3A_2, %add3A_19 : i32
    "tpu.region"() ({
      %run_scoped3A = tpu.sem_alloc : memref<!tpu.dma_semaphore, #tpu.memory_space<semaphore_mem>>
      %dma_start3A_77 = arith.constant 0 : i32
      %dma_start3A_78 = tpu.memref_slice %arg3[%add3A_20, %dma_start3A_77] : memref<2560x128xi32, #tpu.memory_space<hbm>> -> memref<40x128xi32, #tpu.memory_space<hbm>>
      %dma_start3A_79 = arith.constant 0 : i32
      %dma_start3A_80 = tpu.memref_slice %arg3[%add3A_20, %dma_start3A_79] : memref<2560x128xi32, #tpu.memory_space<hbm>> -> memref<40x128xi32, #tpu.memory_space<hbm>>
      tpu.enqueue_dma source(%dma_start3A_80 : memref<40x128xi32, #tpu.memory_space<hbm>>) target(%arg6 : memref<40x128xi32, #tpu.memory_space<vmem>>) target_semaphore(%run_scoped3A : memref<!tpu.dma_semaphore, #tpu.memory_space<semaphore_mem>>)
      %dma_wait3A = arith.constant 0 : i32
      %dma_wait3A_81 = tpu.memref_slice %arg3[%add3A_20, %dma_wait3A] : memref<2560x128xi32, #tpu.memory_space<hbm>> -> memref<40x128xi32, #tpu.memory_space<hbm>>
      %dma_wait3A_82 = arith.constant 0 : i32
      %dma_wait3A_83 = tpu.memref_slice %arg3[%add3A_20, %dma_wait3A_82] : memref<2560x128xi32, #tpu.memory_space<hbm>> -> memref<40x128xi32, #tpu.memory_space<hbm>>
      tpu.wait_dma2 semaphore(%run_scoped3A : memref<!tpu.dma_semaphore, #tpu.memory_space<semaphore_mem>>) src(%dma_wait3A_83 : memref<40x128xi32, #tpu.memory_space<hbm>>) dst(%arg6 : memref<40x128xi32, #tpu.memory_space<vmem>>)
      tpu.yield
    }) : () -> ()
    %add3A_21 = arith.constant 0 : i32
    %add3A_22 = arith.addi %mul3A_2, %add3A_21 : i32
    "tpu.region"() ({
      %run_scoped3A = tpu.sem_alloc : memref<!tpu.dma_semaphore, #tpu.memory_space<semaphore_mem>>
      %dma_start3A_77 = arith.constant 0 : i32
      %dma_start3A_78 = tpu.memref_slice %arg4[%add3A_22, %dma_start3A_77] : memref<2560x128xi32, #tpu.memory_space<hbm>> -> memref<40x128xi32, #tpu.memory_space<hbm>>
      %dma_start3A_79 = arith.constant 0 : i32
      %dma_start3A_80 = tpu.memref_slice %arg4[%add3A_22, %dma_start3A_79] : memref<2560x128xi32, #tpu.memory_space<hbm>> -> memref<40x128xi32, #tpu.memory_space<hbm>>
      tpu.enqueue_dma source(%dma_start3A_80 : memref<40x128xi32, #tpu.memory_space<hbm>>) target(%arg7 : memref<40x128xi32, #tpu.memory_space<vmem>>) target_semaphore(%run_scoped3A : memref<!tpu.dma_semaphore, #tpu.memory_space<semaphore_mem>>)
      %dma_wait3A = arith.constant 0 : i32
      %dma_wait3A_81 = tpu.memref_slice %arg4[%add3A_22, %dma_wait3A] : memref<2560x128xi32, #tpu.memory_space<hbm>> -> memref<40x128xi32, #tpu.memory_space<hbm>>
      %dma_wait3A_82 = arith.constant 0 : i32
      %dma_wait3A_83 = tpu.memref_slice %arg4[%add3A_22, %dma_wait3A_82] : memref<2560x128xi32, #tpu.memory_space<hbm>> -> memref<40x128xi32, #tpu.memory_space<hbm>>
      tpu.wait_dma2 semaphore(%run_scoped3A : memref<!tpu.dma_semaphore, #tpu.memory_space<semaphore_mem>>) src(%dma_wait3A_83 : memref<40x128xi32, #tpu.memory_space<hbm>>) dst(%arg7 : memref<40x128xi32, #tpu.memory_space<vmem>>)
      tpu.yield
    }) : () -> ()
    %dma_start3A = arith.constant 0 : i32
    %dma_start3A_23 = arith.constant 0 : i32
    %dma_start3A_24 = arith.constant 0 : i32
    %dma_start3A_25 = tpu.memref_slice %arg6[%dma_start3A, %dma_start3A_24] : memref<40x128xi32, #tpu.memory_space<vmem>> -> memref<1x128xi32, #tpu.memory_space<vmem>>
    %dma_start3A_26 = tpu.memref_squeeze %dma_start3A_25 : memref<1x128xi32, #tpu.memory_space<vmem>> -> memref<128xi32, #tpu.memory_space<vmem>>
    %dma_start3A_27 = arith.constant 0 : i32
    %dma_start3A_28 = arith.constant 0 : i32
    %dma_start3A_29 = tpu.memref_slice %arg2[%dma_start3A_27, %dma_start3A_28] : memref<10000x128xf32, #tpu.memory_space<hbm>> -> memref<10000x128xf32, #tpu.memory_space<hbm>>
    %dma_start3A_30 = tpu.memref_slice %arg11[%dma_start3A_23] : memref<2x!tpu.dma_semaphore, #tpu.memory_space<semaphore_mem>> -> memref<1x!tpu.dma_semaphore, #tpu.memory_space<semaphore_mem>>
    %dma_start3A_31 = tpu.memref_squeeze %dma_start3A_30 : memref<1x!tpu.dma_semaphore, #tpu.memory_space<semaphore_mem>> -> memref<!tpu.dma_semaphore, #tpu.memory_space<semaphore_mem>>
    tpu.enqueue_indirect_dma source(%dma_start3A_29 : memref<10000x128xf32, #tpu.memory_space<hbm>>) target(%arg8 : memref<128x128xf32, #tpu.memory_space<vmem>>) offsets(%dma_start3A_26 : memref<128xi32, #tpu.memory_space<vmem>>) semaphore(%dma_start3A_31 : memref<!tpu.dma_semaphore, #tpu.memory_space<semaphore_mem>>)
    %scan3A_32 = arith.constant 0 : i32
    %scan3A_33 = arith.constant 20 : i32
    %scan3A_34 = arith.addi %scan3A_32, %scan3A_33 : i32
    %scan3A_35 = arith.constant 1 : i32
    scf.for %scan3A_77 = %scan3A_32 to %scan3A_34 step %scan3A_35  : i32 {
      %mul3A_78 = arith.constant 1 : i32
      %mul3A_79 = arith.muli %scan3A_77, %mul3A_78 : i32
      %add3A_80 = arith.constant 0 : i32
      %add3A_81 = arith.addi %add3A_80, %mul3A_79 : i32
      %mul3A_82 = arith.constant 2 : i32
      %mul3A_83 = arith.muli %add3A_81, %mul3A_82 : i32
      %dma_wait3A = arith.constant 0 : i32
      %dma_wait3A_84 = arith.constant 0 : i32
      %dma_wait3A_85 = arith.constant 0 : i32
      %dma_wait3A_86 = tpu.memref_slice %arg6[%dma_wait3A, %dma_wait3A_85] : memref<40x128xi32, #tpu.memory_space<vmem>> -> memref<1x128xi32, #tpu.memory_space<vmem>>
      %dma_wait3A_87 = tpu.memref_squeeze %dma_wait3A_86 : memref<1x128xi32, #tpu.memory_space<vmem>> -> memref<128xi32, #tpu.memory_space<vmem>>
      %dma_wait3A_88 = arith.constant 0 : i32
      %dma_wait3A_89 = arith.constant 0 : i32
      %dma_wait3A_90 = tpu.memref_slice %arg2[%dma_wait3A_88, %dma_wait3A_89] : memref<10000x128xf32, #tpu.memory_space<hbm>> -> memref<10000x128xf32, #tpu.memory_space<hbm>>
      %dma_wait3A_91 = tpu.memref_slice %arg11[%dma_wait3A_84] : memref<2x!tpu.dma_semaphore, #tpu.memory_space<semaphore_mem>> -> memref<1x!tpu.dma_semaphore, #tpu.memory_space<semaphore_mem>>
      %dma_wait3A_92 = tpu.memref_squeeze %dma_wait3A_91 : memref<1x!tpu.dma_semaphore, #tpu.memory_space<semaphore_mem>> -> memref<!tpu.dma_semaphore, #tpu.memory_space<semaphore_mem>>
      tpu.wait_indirect_dma semaphore(%dma_wait3A_92 : memref<!tpu.dma_semaphore, #tpu.memory_space<semaphore_mem>>) src(%dma_wait3A_90 : memref<10000x128xf32, #tpu.memory_space<hbm>>) dst(%arg8 : memref<128x128xf32, #tpu.memory_space<vmem>>)
      %add3A_93 = arith.constant 1 : i32
      %add3A_94 = arith.addi %mul3A_83, %add3A_93 : i32
      %dma_start3A_95 = arith.constant 1 : i32
      %dma_start3A_96 = arith.constant 0 : i32
      %dma_start3A_97 = tpu.memref_slice %arg6[%add3A_94, %dma_start3A_96] : memref<40x128xi32, #tpu.memory_space<vmem>> -> memref<1x128xi32, #tpu.memory_space<vmem>>
      %dma_start3A_98 = tpu.memref_squeeze %dma_start3A_97 : memref<1x128xi32, #tpu.memory_space<vmem>> -> memref<128xi32, #tpu.memory_space<vmem>>
      %dma_start3A_99 = arith.constant 0 : i32
      %dma_start3A_100 = arith.constant 0 : i32
      %dma_start3A_101 = tpu.memref_slice %arg2[%dma_start3A_99, %dma_start3A_100] : memref<10000x128xf32, #tpu.memory_space<hbm>> -> memref<10000x128xf32, #tpu.memory_space<hbm>>
      %dma_start3A_102 = tpu.memref_slice %arg11[%dma_start3A_95] : memref<2x!tpu.dma_semaphore, #tpu.memory_space<semaphore_mem>> -> memref<1x!tpu.dma_semaphore, #tpu.memory_space<semaphore_mem>>
      %dma_start3A_103 = tpu.memref_squeeze %dma_start3A_102 : memref<1x!tpu.dma_semaphore, #tpu.memory_space<semaphore_mem>> -> memref<!tpu.dma_semaphore, #tpu.memory_space<semaphore_mem>>
      tpu.enqueue_indirect_dma source(%dma_start3A_101 : memref<10000x128xf32, #tpu.memory_space<hbm>>) target(%arg9 : memref<128x128xf32, #tpu.memory_space<vmem>>) offsets(%dma_start3A_98 : memref<128xi32, #tpu.memory_space<vmem>>) semaphore(%dma_start3A_103 : memref<!tpu.dma_semaphore, #tpu.memory_space<semaphore_mem>>)
      "tpu.region"() ({
        %run_scoped3A = tpu.sem_alloc : memref<!tpu.dma_semaphore, #tpu.memory_space<semaphore_mem>>
        %dma_start3A_120 = arith.constant 0 : i32
        %dma_start3A_121 = tpu.memref_slice %arg7[%mul3A_83, %dma_start3A_120] : memref<40x128xi32, #tpu.memory_space<vmem>> -> memref<1x128xi32, #tpu.memory_space<vmem>>
        %dma_start3A_122 = tpu.memref_squeeze %dma_start3A_121 : memref<1x128xi32, #tpu.memory_space<vmem>> -> memref<128xi32, #tpu.memory_space<vmem>>
        %dma_start3A_123 = arith.constant 0 : i32
        %dma_start3A_124 = arith.constant 0 : i32
        %dma_start3A_125 = tpu.memref_slice %arg10[%dma_start3A_123, %dma_start3A_124] : memref<10240x128xf32, #tpu.memory_space<vmem_shared>> -> memref<10240x128xf32, #tpu.memory_space<vmem_shared>>
        tpu.enqueue_indirect_dma source(%arg8 : memref<128x128xf32, #tpu.memory_space<vmem>>) target(%dma_start3A_125 : memref<10240x128xf32, #tpu.memory_space<vmem_shared>>) offsets(%dma_start3A_122 : memref<128xi32, #tpu.memory_space<vmem>>) semaphore(%run_scoped3A : memref<!tpu.dma_semaphore, #tpu.memory_space<semaphore_mem>>) {add = true}
        %dma_wait3A_126 = arith.constant 0 : i32
        %dma_wait3A_127 = tpu.memref_slice %arg7[%mul3A_83, %dma_wait3A_126] : memref<40x128xi32, #tpu.memory_space<vmem>> -> memref<1x128xi32, #tpu.memory_space<vmem>>
        %dma_wait3A_128 = tpu.memref_squeeze %dma_wait3A_127 : memref<1x128xi32, #tpu.memory_space<vmem>> -> memref<128xi32, #tpu.memory_space<vmem>>
        %dma_wait3A_129 = arith.constant 0 : i32
        %dma_wait3A_130 = arith.constant 0 : i32
        %dma_wait3A_131 = tpu.memref_slice %arg10[%dma_wait3A_129, %dma_wait3A_130] : memref<10240x128xf32, #tpu.memory_space<vmem_shared>> -> memref<10240x128xf32, #tpu.memory_space<vmem_shared>>
        tpu.wait_indirect_dma semaphore(%run_scoped3A : memref<!tpu.dma_semaphore, #tpu.memory_space<semaphore_mem>>) src(%arg8 : memref<128x128xf32, #tpu.memory_space<vmem>>) dst(%dma_wait3A_131 : memref<10240x128xf32, #tpu.memory_space<vmem_shared>>)
        tpu.yield
      }) : () -> ()
      %dma_wait3A_104 = arith.constant 0 : i32
      %dma_wait3A_105 = arith.constant 1 : i32
      %dma_wait3A_106 = arith.constant 0 : i32
      %dma_wait3A_107 = tpu.memref_slice %arg6[%dma_wait3A_104, %dma_wait3A_106] : memref<40x128xi32, #tpu.memory_space<vmem>> -> memref<1x128xi32, #tpu.memory_space<vmem>>
      %dma_wait3A_108 = tpu.memref_squeeze %dma_wait3A_107 : memref<1x128xi32, #tpu.memory_space<vmem>> -> memref<128xi32, #tpu.memory_space<vmem>>
      %dma_wait3A_109 = arith.constant 0 : i32
      %dma_wait3A_110 = arith.constant 0 : i32
      %dma_wait3A_111 = tpu.memref_slice %arg2[%dma_wait3A_109, %dma_wait3A_110] : memref<10000x128xf32, #tpu.memory_space<hbm>> -> memref<10000x128xf32, #tpu.memory_space<hbm>>
      %dma_wait3A_112 = tpu.memref_slice %arg11[%dma_wait3A_105] : memref<2x!tpu.dma_semaphore, #tpu.memory_space<semaphore_mem>> -> memref<1x!tpu.dma_semaphore, #tpu.memory_space<semaphore_mem>>
      %dma_wait3A_113 = tpu.memref_squeeze %dma_wait3A_112 : memref<1x!tpu.dma_semaphore, #tpu.memory_space<semaphore_mem>> -> memref<!tpu.dma_semaphore, #tpu.memory_space<semaphore_mem>>
      tpu.wait_indirect_dma semaphore(%dma_wait3A_113 : memref<!tpu.dma_semaphore, #tpu.memory_space<semaphore_mem>>) src(%dma_wait3A_111 : memref<10000x128xf32, #tpu.memory_space<hbm>>) dst(%arg9 : memref<128x128xf32, #tpu.memory_space<vmem>>)
      %add3A_114 = arith.constant 2 : i32
      %add3A_115 = arith.addi %mul3A_83, %add3A_114 : i32
      %lt3A = arith.constant 40 : i32
      %lt3A_116 = arith.cmpi slt, %add3A_115, %lt3A : i32
      %convert_element_type3A = arith.extui %lt3A_116 : i1 to i32
      %cond3A = arith.constant 0 : i32
      %cond3A_117 = arith.cmpi ne, %convert_element_type3A, %cond3A : i32
      scf.if %cond3A_117 {
        %add3A_120 = arith.constant 2 : i32
        %add3A_121 = arith.addi %mul3A_83, %add3A_120 : i32
        %dma_start3A_122 = arith.constant 0 : i32
        %dma_start3A_123 = arith.constant 0 : i32
        %dma_start3A_124 = tpu.memref_slice %arg6[%add3A_121, %dma_start3A_123] : memref<40x128xi32, #tpu.memory_space<vmem>> -> memref<1x128xi32, #tpu.memory_space<vmem>>
        %dma_start3A_125 = tpu.memref_squeeze %dma_start3A_124 : memref<1x128xi32, #tpu.memory_space<vmem>> -> memref<128xi32, #tpu.memory_space<vmem>>
        %dma_start3A_126 = arith.constant 0 : i32
        %dma_start3A_127 = arith.constant 0 : i32
        %dma_start3A_128 = tpu.memref_slice %arg2[%dma_start3A_126, %dma_start3A_127] : memref<10000x128xf32, #tpu.memory_space<hbm>> -> memref<10000x128xf32, #tpu.memory_space<hbm>>
        %dma_start3A_129 = tpu.memref_slice %arg11[%dma_start3A_122] : memref<2x!tpu.dma_semaphore, #tpu.memory_space<semaphore_mem>> -> memref<1x!tpu.dma_semaphore, #tpu.memory_space<semaphore_mem>>
        %dma_start3A_130 = tpu.memref_squeeze %dma_start3A_129 : memref<1x!tpu.dma_semaphore, #tpu.memory_space<semaphore_mem>> -> memref<!tpu.dma_semaphore, #tpu.memory_space<semaphore_mem>>
        tpu.enqueue_indirect_dma source(%dma_start3A_128 : memref<10000x128xf32, #tpu.memory_space<hbm>>) target(%arg8 : memref<128x128xf32, #tpu.memory_space<vmem>>) offsets(%dma_start3A_125 : memref<128xi32, #tpu.memory_space<vmem>>) semaphore(%dma_start3A_130 : memref<!tpu.dma_semaphore, #tpu.memory_space<semaphore_mem>>)
      } else {
      }
      %add3A_118 = arith.constant 1 : i32
      %add3A_119 = arith.addi %mul3A_83, %add3A_118 : i32
      "tpu.region"() ({
        %run_scoped3A = tpu.sem_alloc : memref<!tpu.dma_semaphore, #tpu.memory_space<semaphore_mem>>
        %dma_start3A_120 = arith.constant 0 : i32
        %dma_start3A_121 = tpu.memref_slice %arg7[%add3A_119, %dma_start3A_120] : memref<40x128xi32, #tpu.memory_space<vmem>> -> memref<1x128xi32, #tpu.memory_space<vmem>>
        %dma_start3A_122 = tpu.memref_squeeze %dma_start3A_121 : memref<1x128xi32, #tpu.memory_space<vmem>> -> memref<128xi32, #tpu.memory_space<vmem>>
        %dma_start3A_123 = arith.constant 0 : i32
        %dma_start3A_124 = arith.constant 0 : i32
        %dma_start3A_125 = tpu.memref_slice %arg10[%dma_start3A_123, %dma_start3A_124] : memref<10240x128xf32, #tpu.memory_space<vmem_shared>> -> memref<10240x128xf32, #tpu.memory_space<vmem_shared>>
        tpu.enqueue_indirect_dma source(%arg9 : memref<128x128xf32, #tpu.memory_space<vmem>>) target(%dma_start3A_125 : memref<10240x128xf32, #tpu.memory_space<vmem_shared>>) offsets(%dma_start3A_122 : memref<128xi32, #tpu.memory_space<vmem>>) semaphore(%run_scoped3A : memref<!tpu.dma_semaphore, #tpu.memory_space<semaphore_mem>>) {add = true}
        %dma_wait3A_126 = arith.constant 0 : i32
        %dma_wait3A_127 = tpu.memref_slice %arg7[%add3A_119, %dma_wait3A_126] : memref<40x128xi32, #tpu.memory_space<vmem>> -> memref<1x128xi32, #tpu.memory_space<vmem>>
        %dma_wait3A_128 = tpu.memref_squeeze %dma_wait3A_127 : memref<1x128xi32, #tpu.memory_space<vmem>> -> memref<128xi32, #tpu.memory_space<vmem>>
        %dma_wait3A_129 = arith.constant 0 : i32
        %dma_wait3A_130 = arith.constant 0 : i32
        %dma_wait3A_131 = tpu.memref_slice %arg10[%dma_wait3A_129, %dma_wait3A_130] : memref<10240x128xf32, #tpu.memory_space<vmem_shared>> -> memref<10240x128xf32, #tpu.memory_space<vmem_shared>>
        tpu.wait_indirect_dma semaphore(%run_scoped3A : memref<!tpu.dma_semaphore, #tpu.memory_space<semaphore_mem>>) src(%arg9 : memref<128x128xf32, #tpu.memory_space<vmem>>) dst(%dma_wait3A_131 : memref<10240x128xf32, #tpu.memory_space<vmem_shared>>)
        tpu.yield
      }) : () -> ()
    }
    %scan3A_36 = arith.constant 20 : i32
    %add3A_37 = arith.constant 40 : i32
    %add3A_38 = arith.addi %mul3A_2, %add3A_37 : i32
    "tpu.region"() ({
      %run_scoped3A = tpu.sem_alloc : memref<!tpu.dma_semaphore, #tpu.memory_space<semaphore_mem>>
      %dma_start3A_77 = arith.constant 0 : i32
      %dma_start3A_78 = tpu.memref_slice %arg3[%add3A_38, %dma_start3A_77] : memref<2560x128xi32, #tpu.memory_space<hbm>> -> memref<40x128xi32, #tpu.memory_space<hbm>>
      %dma_start3A_79 = arith.constant 0 : i32
      %dma_start3A_80 = tpu.memref_slice %arg3[%add3A_38, %dma_start3A_79] : memref<2560x128xi32, #tpu.memory_space<hbm>> -> memref<40x128xi32, #tpu.memory_space<hbm>>
      tpu.enqueue_dma source(%dma_start3A_80 : memref<40x128xi32, #tpu.memory_space<hbm>>) target(%arg6 : memref<40x128xi32, #tpu.memory_space<vmem>>) target_semaphore(%run_scoped3A : memref<!tpu.dma_semaphore, #tpu.memory_space<semaphore_mem>>)
      %dma_wait3A = arith.constant 0 : i32
      %dma_wait3A_81 = tpu.memref_slice %arg3[%add3A_38, %dma_wait3A] : memref<2560x128xi32, #tpu.memory_space<hbm>> -> memref<40x128xi32, #tpu.memory_space<hbm>>
      %dma_wait3A_82 = arith.constant 0 : i32
      %dma_wait3A_83 = tpu.memref_slice %arg3[%add3A_38, %dma_wait3A_82] : memref<2560x128xi32, #tpu.memory_space<hbm>> -> memref<40x128xi32, #tpu.memory_space<hbm>>
      tpu.wait_dma2 semaphore(%run_scoped3A : memref<!tpu.dma_semaphore, #tpu.memory_space<semaphore_mem>>) src(%dma_wait3A_83 : memref<40x128xi32, #tpu.memory_space<hbm>>) dst(%arg6 : memref<40x128xi32, #tpu.memory_space<vmem>>)
      tpu.yield
    }) : () -> ()
    %add3A_39 = arith.constant 40 : i32
    %add3A_40 = arith.addi %mul3A_2, %add3A_39 : i32
    "tpu.region"() ({
      %run_scoped3A = tpu.sem_alloc : memref<!tpu.dma_semaphore, #tpu.memory_space<semaphore_mem>>
      %dma_start3A_77 = arith.constant 0 : i32
      %dma_start3A_78 = tpu.memref_slice %arg4[%add3A_40, %dma_start3A_77] : memref<2560x128xi32, #tpu.memory_space<hbm>> -> memref<40x128xi32, #tpu.memory_space<hbm>>
      %dma_start3A_79 = arith.constant 0 : i32
      %dma_start3A_80 = tpu.memref_slice %arg4[%add3A_40, %dma_start3A_79] : memref<2560x128xi32, #tpu.memory_space<hbm>> -> memref<40x128xi32, #tpu.memory_space<hbm>>
      tpu.enqueue_dma source(%dma_start3A_80 : memref<40x128xi32, #tpu.memory_space<hbm>>) target(%arg7 : memref<40x128xi32, #tpu.memory_space<vmem>>) target_semaphore(%run_scoped3A : memref<!tpu.dma_semaphore, #tpu.memory_space<semaphore_mem>>)
      %dma_wait3A = arith.constant 0 : i32
      %dma_wait3A_81 = tpu.memref_slice %arg4[%add3A_40, %dma_wait3A] : memref<2560x128xi32, #tpu.memory_space<hbm>> -> memref<40x128xi32, #tpu.memory_space<hbm>>
      %dma_wait3A_82 = arith.constant 0 : i32
      %dma_wait3A_83 = tpu.memref_slice %arg4[%add3A_40, %dma_wait3A_82] : memref<2560x128xi32, #tpu.memory_space<hbm>> -> memref<40x128xi32, #tpu.memory_space<hbm>>
      tpu.wait_dma2 semaphore(%run_scoped3A : memref<!tpu.dma_semaphore, #tpu.memory_space<semaphore_mem>>) src(%dma_wait3A_83 : memref<40x128xi32, #tpu.memory_space<hbm>>) dst(%arg7 : memref<40x128xi32, #tpu.memory_space<vmem>>)
      tpu.yield
    }) : () -> ()
    %dma_start3A_41 = arith.constant 0 : i32
    %dma_start3A_42 = arith.constant 0 : i32
    %dma_start3A_43 = arith.constant 0 : i32
    %dma_start3A_44 = tpu.memref_slice %arg6[%dma_start3A_41, %dma_start3A_43] : memref<40x128xi32, #tpu.memory_space<vmem>> -> memref<1x128xi32, #tpu.memory_space<vmem>>
    %dma_start3A_45 = tpu.memref_squeeze %dma_start3A_44 : memref<1x128xi32, #tpu.memory_space<vmem>> -> memref<128xi32, #tpu.memory_space<vmem>>
    %dma_start3A_46 = arith.constant 0 : i32
    %dma_start3A_47 = arith.constant 0 : i32
    %dma_start3A_48 = tpu.memref_slice %arg2[%dma_start3A_46, %dma_start3A_47] : memref<10000x128xf32, #tpu.memory_space<hbm>> -> memref<10000x128xf32, #tpu.memory_space<hbm>>
    %dma_start3A_49 = tpu.memref_slice %arg11[%dma_start3A_42] : memref<2x!tpu.dma_semaphore, #tpu.memory_space<semaphore_mem>> -> memref<1x!tpu.dma_semaphore, #tpu.memory_space<semaphore_mem>>
    %dma_start3A_50 = tpu.memref_squeeze %dma_start3A_49 : memref<1x!tpu.dma_semaphore, #tpu.memory_space<semaphore_mem>> -> memref<!tpu.dma_semaphore, #tpu.memory_space<semaphore_mem>>
    tpu.enqueue_indirect_dma source(%dma_start3A_48 : memref<10000x128xf32, #tpu.memory_space<hbm>>) target(%arg8 : memref<128x128xf32, #tpu.memory_space<vmem>>) offsets(%dma_start3A_45 : memref<128xi32, #tpu.memory_space<vmem>>) semaphore(%dma_start3A_50 : memref<!tpu.dma_semaphore, #tpu.memory_space<semaphore_mem>>)
    %scan3A_51 = arith.constant 0 : i32
    %scan3A_52 = arith.constant 20 : i32
    %scan3A_53 = arith.addi %scan3A_51, %scan3A_52 : i32
    %scan3A_54 = arith.constant 1 : i32
    scf.for %scan3A_77 = %scan3A_51 to %scan3A_53 step %scan3A_54  : i32 {
      %mul3A_78 = arith.constant 1 : i32
      %mul3A_79 = arith.muli %scan3A_77, %mul3A_78 : i32
      %add3A_80 = arith.constant 0 : i32
      %add3A_81 = arith.addi %add3A_80, %mul3A_79 : i32
      %mul3A_82 = arith.constant 2 : i32
      %mul3A_83 = arith.muli %add3A_81, %mul3A_82 : i32
      %dma_wait3A = arith.constant 0 : i32
      %dma_wait3A_84 = arith.constant 0 : i32
      %dma_wait3A_85 = arith.constant 0 : i32
      %dma_wait3A_86 = tpu.memref_slice %arg6[%dma_wait3A, %dma_wait3A_85] : memref<40x128xi32, #tpu.memory_space<vmem>> -> memref<1x128xi32, #tpu.memory_space<vmem>>
      %dma_wait3A_87 = tpu.memref_squeeze %dma_wait3A_86 : memref<1x128xi32, #tpu.memory_space<vmem>> -> memref<128xi32, #tpu.memory_space<vmem>>
      %dma_wait3A_88 = arith.constant 0 : i32
      %dma_wait3A_89 = arith.constant 0 : i32
      %dma_wait3A_90 = tpu.memref_slice %arg2[%dma_wait3A_88, %dma_wait3A_89] : memref<10000x128xf32, #tpu.memory_space<hbm>> -> memref<10000x128xf32, #tpu.memory_space<hbm>>
      %dma_wait3A_91 = tpu.memref_slice %arg11[%dma_wait3A_84] : memref<2x!tpu.dma_semaphore, #tpu.memory_space<semaphore_mem>> -> memref<1x!tpu.dma_semaphore, #tpu.memory_space<semaphore_mem>>
      %dma_wait3A_92 = tpu.memref_squeeze %dma_wait3A_91 : memref<1x!tpu.dma_semaphore, #tpu.memory_space<semaphore_mem>> -> memref<!tpu.dma_semaphore, #tpu.memory_space<semaphore_mem>>
      tpu.wait_indirect_dma semaphore(%dma_wait3A_92 : memref<!tpu.dma_semaphore, #tpu.memory_space<semaphore_mem>>) src(%dma_wait3A_90 : memref<10000x128xf32, #tpu.memory_space<hbm>>) dst(%arg8 : memref<128x128xf32, #tpu.memory_space<vmem>>)
      %add3A_93 = arith.constant 1 : i32
      %add3A_94 = arith.addi %mul3A_83, %add3A_93 : i32
      %dma_start3A_95 = arith.constant 1 : i32
      %dma_start3A_96 = arith.constant 0 : i32
      %dma_start3A_97 = tpu.memref_slice %arg6[%add3A_94, %dma_start3A_96] : memref<40x128xi32, #tpu.memory_space<vmem>> -> memref<1x128xi32, #tpu.memory_space<vmem>>
      %dma_start3A_98 = tpu.memref_squeeze %dma_start3A_97 : memref<1x128xi32, #tpu.memory_space<vmem>> -> memref<128xi32, #tpu.memory_space<vmem>>
      %dma_start3A_99 = arith.constant 0 : i32
      %dma_start3A_100 = arith.constant 0 : i32
      %dma_start3A_101 = tpu.memref_slice %arg2[%dma_start3A_99, %dma_start3A_100] : memref<10000x128xf32, #tpu.memory_space<hbm>> -> memref<10000x128xf32, #tpu.memory_space<hbm>>
      %dma_start3A_102 = tpu.memref_slice %arg11[%dma_start3A_95] : memref<2x!tpu.dma_semaphore, #tpu.memory_space<semaphore_mem>> -> memref<1x!tpu.dma_semaphore, #tpu.memory_space<semaphore_mem>>
      %dma_start3A_103 = tpu.memref_squeeze %dma_start3A_102 : memref<1x!tpu.dma_semaphore, #tpu.memory_space<semaphore_mem>> -> memref<!tpu.dma_semaphore, #tpu.memory_space<semaphore_mem>>
      tpu.enqueue_indirect_dma source(%dma_start3A_101 : memref<10000x128xf32, #tpu.memory_space<hbm>>) target(%arg9 : memref<128x128xf32, #tpu.memory_space<vmem>>) offsets(%dma_start3A_98 : memref<128xi32, #tpu.memory_space<vmem>>) semaphore(%dma_start3A_103 : memref<!tpu.dma_semaphore, #tpu.memory_space<semaphore_mem>>)
      "tpu.region"() ({
        %run_scoped3A = tpu.sem_alloc : memref<!tpu.dma_semaphore, #tpu.memory_space<semaphore_mem>>
        %dma_start3A_120 = arith.constant 0 : i32
        %dma_start3A_121 = tpu.memref_slice %arg7[%mul3A_83, %dma_start3A_120] : memref<40x128xi32, #tpu.memory_space<vmem>> -> memref<1x128xi32, #tpu.memory_space<vmem>>
        %dma_start3A_122 = tpu.memref_squeeze %dma_start3A_121 : memref<1x128xi32, #tpu.memory_space<vmem>> -> memref<128xi32, #tpu.memory_space<vmem>>
        %dma_start3A_123 = arith.constant 0 : i32
        %dma_start3A_124 = arith.constant 0 : i32
        %dma_start3A_125 = tpu.memref_slice %arg10[%dma_start3A_123, %dma_start3A_124] : memref<10240x128xf32, #tpu.memory_space<vmem_shared>> -> memref<10240x128xf32, #tpu.memory_space<vmem_shared>>
        tpu.enqueue_indirect_dma source(%arg8 : memref<128x128xf32, #tpu.memory_space<vmem>>) target(%dma_start3A_125 : memref<10240x128xf32, #tpu.memory_space<vmem_shared>>) offsets(%dma_start3A_122 : memref<128xi32, #tpu.memory_space<vmem>>) semaphore(%run_scoped3A : memref<!tpu.dma_semaphore, #tpu.memory_space<semaphore_mem>>) {add = true}
        %dma_wait3A_126 = arith.constant 0 : i32
        %dma_wait3A_127 = tpu.memref_slice %arg7[%mul3A_83, %dma_wait3A_126] : memref<40x128xi32, #tpu.memory_space<vmem>> -> memref<1x128xi32, #tpu.memory_space<vmem>>
        %dma_wait3A_128 = tpu.memref_squeeze %dma_wait3A_127 : memref<1x128xi32, #tpu.memory_space<vmem>> -> memref<128xi32, #tpu.memory_space<vmem>>
        %dma_wait3A_129 = arith.constant 0 : i32
        %dma_wait3A_130 = arith.constant 0 : i32
        %dma_wait3A_131 = tpu.memref_slice %arg10[%dma_wait3A_129, %dma_wait3A_130] : memref<10240x128xf32, #tpu.memory_space<vmem_shared>> -> memref<10240x128xf32, #tpu.memory_space<vmem_shared>>
        tpu.wait_indirect_dma semaphore(%run_scoped3A : memref<!tpu.dma_semaphore, #tpu.memory_space<semaphore_mem>>) src(%arg8 : memref<128x128xf32, #tpu.memory_space<vmem>>) dst(%dma_wait3A_131 : memref<10240x128xf32, #tpu.memory_space<vmem_shared>>)
        tpu.yield
      }) : () -> ()
      %dma_wait3A_104 = arith.constant 0 : i32
      %dma_wait3A_105 = arith.constant 1 : i32
      %dma_wait3A_106 = arith.constant 0 : i32
      %dma_wait3A_107 = tpu.memref_slice %arg6[%dma_wait3A_104, %dma_wait3A_106] : memref<40x128xi32, #tpu.memory_space<vmem>> -> memref<1x128xi32, #tpu.memory_space<vmem>>
      %dma_wait3A_108 = tpu.memref_squeeze %dma_wait3A_107 : memref<1x128xi32, #tpu.memory_space<vmem>> -> memref<128xi32, #tpu.memory_space<vmem>>
      %dma_wait3A_109 = arith.constant 0 : i32
      %dma_wait3A_110 = arith.constant 0 : i32
      %dma_wait3A_111 = tpu.memref_slice %arg2[%dma_wait3A_109, %dma_wait3A_110] : memref<10000x128xf32, #tpu.memory_space<hbm>> -> memref<10000x128xf32, #tpu.memory_space<hbm>>
      %dma_wait3A_112 = tpu.memref_slice %arg11[%dma_wait3A_105] : memref<2x!tpu.dma_semaphore, #tpu.memory_space<semaphore_mem>> -> memref<1x!tpu.dma_semaphore, #tpu.memory_space<semaphore_mem>>
      %dma_wait3A_113 = tpu.memref_squeeze %dma_wait3A_112 : memref<1x!tpu.dma_semaphore, #tpu.memory_space<semaphore_mem>> -> memref<!tpu.dma_semaphore, #tpu.memory_space<semaphore_mem>>
      tpu.wait_indirect_dma semaphore(%dma_wait3A_113 : memref<!tpu.dma_semaphore, #tpu.memory_space<semaphore_mem>>) src(%dma_wait3A_111 : memref<10000x128xf32, #tpu.memory_space<hbm>>) dst(%arg9 : memref<128x128xf32, #tpu.memory_space<vmem>>)
      %add3A_114 = arith.constant 2 : i32
      %add3A_115 = arith.addi %mul3A_83, %add3A_114 : i32
      %lt3A = arith.constant 40 : i32
      %lt3A_116 = arith.cmpi slt, %add3A_115, %lt3A : i32
      %convert_element_type3A = arith.extui %lt3A_116 : i1 to i32
      %cond3A = arith.constant 0 : i32
      %cond3A_117 = arith.cmpi ne, %convert_element_type3A, %cond3A : i32
      scf.if %cond3A_117 {
        %add3A_120 = arith.constant 2 : i32
        %add3A_121 = arith.addi %mul3A_83, %add3A_120 : i32
        %dma_start3A_122 = arith.constant 0 : i32
        %dma_start3A_123 = arith.constant 0 : i32
        %dma_start3A_124 = tpu.memref_slice %arg6[%add3A_121, %dma_start3A_123] : memref<40x128xi32, #tpu.memory_space<vmem>> -> memref<1x128xi32, #tpu.memory_space<vmem>>
        %dma_start3A_125 = tpu.memref_squeeze %dma_start3A_124 : memref<1x128xi32, #tpu.memory_space<vmem>> -> memref<128xi32, #tpu.memory_space<vmem>>
        %dma_start3A_126 = arith.constant 0 : i32
        %dma_start3A_127 = arith.constant 0 : i32
        %dma_start3A_128 = tpu.memref_slice %arg2[%dma_start3A_126, %dma_start3A_127] : memref<10000x128xf32, #tpu.memory_space<hbm>> -> memref<10000x128xf32, #tpu.memory_space<hbm>>
        %dma_start3A_129 = tpu.memref_slice %arg11[%dma_start3A_122] : memref<2x!tpu.dma_semaphore, #tpu.memory_space<semaphore_mem>> -> memref<1x!tpu.dma_semaphore, #tpu.memory_space<semaphore_mem>>
        %dma_start3A_130 = tpu.memref_squeeze %dma_start3A_129 : memref<1x!tpu.dma_semaphore, #tpu.memory_space<semaphore_mem>> -> memref<!tpu.dma_semaphore, #tpu.memory_space<semaphore_mem>>
        tpu.enqueue_indirect_dma source(%dma_start3A_128 : memref<10000x128xf32, #tpu.memory_space<hbm>>) target(%arg8 : memref<128x128xf32, #tpu.memory_space<vmem>>) offsets(%dma_start3A_125 : memref<128xi32, #tpu.memory_space<vmem>>) semaphore(%dma_start3A_130 : memref<!tpu.dma_semaphore, #tpu.memory_space<semaphore_mem>>)
      } else {
      }
      %add3A_118 = arith.constant 1 : i32
      %add3A_119 = arith.addi %mul3A_83, %add3A_118 : i32
      "tpu.region"() ({
        %run_scoped3A = tpu.sem_alloc : memref<!tpu.dma_semaphore, #tpu.memory_space<semaphore_mem>>
        %dma_start3A_120 = arith.constant 0 : i32
        %dma_start3A_121 = tpu.memref_slice %arg7[%add3A_119, %dma_start3A_120] : memref<40x128xi32, #tpu.memory_space<vmem>> -> memref<1x128xi32, #tpu.memory_space<vmem>>
        %dma_start3A_122 = tpu.memref_squeeze %dma_start3A_121 : memref<1x128xi32, #tpu.memory_space<vmem>> -> memref<128xi32, #tpu.memory_space<vmem>>
        %dma_start3A_123 = arith.constant 0 : i32
        %dma_start3A_124 = arith.constant 0 : i32
        %dma_start3A_125 = tpu.memref_slice %arg10[%dma_start3A_123, %dma_start3A_124] : memref<10240x128xf32, #tpu.memory_space<vmem_shared>> -> memref<10240x128xf32, #tpu.memory_space<vmem_shared>>
        tpu.enqueue_indirect_dma source(%arg9 : memref<128x128xf32, #tpu.memory_space<vmem>>) target(%dma_start3A_125 : memref<10240x128xf32, #tpu.memory_space<vmem_shared>>) offsets(%dma_start3A_122 : memref<128xi32, #tpu.memory_space<vmem>>) semaphore(%run_scoped3A : memref<!tpu.dma_semaphore, #tpu.memory_space<semaphore_mem>>) {add = true}
        %dma_wait3A_126 = arith.constant 0 : i32
        %dma_wait3A_127 = tpu.memref_slice %arg7[%add3A_119, %dma_wait3A_126] : memref<40x128xi32, #tpu.memory_space<vmem>> -> memref<1x128xi32, #tpu.memory_space<vmem>>
        %dma_wait3A_128 = tpu.memref_squeeze %dma_wait3A_127 : memref<1x128xi32, #tpu.memory_space<vmem>> -> memref<128xi32, #tpu.memory_space<vmem>>
        %dma_wait3A_129 = arith.constant 0 : i32
        %dma_wait3A_130 = arith.constant 0 : i32
        %dma_wait3A_131 = tpu.memref_slice %arg10[%dma_wait3A_129, %dma_wait3A_130] : memref<10240x128xf32, #tpu.memory_space<vmem_shared>> -> memref<10240x128xf32, #tpu.memory_space<vmem_shared>>
        tpu.wait_indirect_dma semaphore(%run_scoped3A : memref<!tpu.dma_semaphore, #tpu.memory_space<semaphore_mem>>) src(%arg9 : memref<128x128xf32, #tpu.memory_space<vmem>>) dst(%dma_wait3A_131 : memref<10240x128xf32, #tpu.memory_space<vmem_shared>>)
        tpu.yield
      }) : () -> ()
    }
    %scan3A_55 = arith.constant 20 : i32
    %barrier3A_56 = arith.constant 0 : index
    tpu.barrier barrier_id(%barrier3A_56)
    %add3A_57 = arith.constant 0 : i32
    %add3A_58 = arith.addi %mul3A_8, %add3A_57 : i32
    %add3A_59 = arith.constant 0 : i32
    %add3A_60 = arith.addi %mul3A_8, %add3A_59 : i32
    "tpu.region"() ({
      %run_scoped3A = tpu.sem_alloc : memref<!tpu.dma_semaphore, #tpu.memory_space<semaphore_mem>>
      %dma_start3A_77 = arith.constant 0 : i32
      %dma_start3A_78 = tpu.memref_slice %arg5[%arg0, %add3A_60, %dma_start3A_77] : memref<2x10240x128xf32, #tpu.memory_space<hbm>> -> memref<1x128x128xf32, #tpu.memory_space<hbm>>
      %dma_start3A_79 = tpu.memref_squeeze %dma_start3A_78 : memref<1x128x128xf32, #tpu.memory_space<hbm>> -> memref<128x128xf32, #tpu.memory_space<hbm>>
      %dma_start3A_80 = arith.constant 0 : i32
      %dma_start3A_81 = tpu.memref_slice %arg10[%add3A_58, %dma_start3A_80] : memref<10240x128xf32, #tpu.memory_space<vmem_shared>> -> memref<128x128xf32, #tpu.memory_space<vmem_shared>>
      tpu.enqueue_dma source(%dma_start3A_81 : memref<128x128xf32, #tpu.memory_space<vmem_shared>>) target(%dma_start3A_79 : memref<128x128xf32, #tpu.memory_space<hbm>>) target_semaphore(%run_scoped3A : memref<!tpu.dma_semaphore, #tpu.memory_space<semaphore_mem>>)
      %dma_wait3A = arith.constant 0 : i32
      %dma_wait3A_82 = tpu.memref_slice %arg5[%arg0, %add3A_60, %dma_wait3A] : memref<2x10240x128xf32, #tpu.memory_space<hbm>> -> memref<1x128x128xf32, #tpu.memory_space<hbm>>
      %dma_wait3A_83 = tpu.memref_squeeze %dma_wait3A_82 : memref<1x128x128xf32, #tpu.memory_space<hbm>> -> memref<128x128xf32, #tpu.memory_space<hbm>>
      %dma_wait3A_84 = arith.constant 0 : i32
      %dma_wait3A_85 = tpu.memref_slice %arg10[%add3A_58, %dma_wait3A_84] : memref<10240x128xf32, #tpu.memory_space<vmem_shared>> -> memref<128x128xf32, #tpu.memory_space<vmem_shared>>
      tpu.wait_dma2 semaphore(%run_scoped3A : memref<!tpu.dma_semaphore, #tpu.memory_space<semaphore_mem>>) src(%dma_wait3A_85 : memref<128x128xf32, #tpu.memory_space<vmem_shared>>) dst(%dma_wait3A_83 : memref<128x128xf32, #tpu.memory_space<hbm>>)
      tpu.yield
    }) : () -> ()
    %add3A_61 = arith.constant 128 : i32
    %add3A_62 = arith.addi %mul3A_8, %add3A_61 : i32
    %add3A_63 = arith.constant 128 : i32
    %add3A_64 = arith.addi %mul3A_8, %add3A_63 : i32
    "tpu.region"() ({
      %run_scoped3A = tpu.sem_alloc : memref<!tpu.dma_semaphore, #tpu.memory_space<semaphore_mem>>
      %dma_start3A_77 = arith.constant 0 : i32
      %dma_start3A_78 = tpu.memref_slice %arg5[%arg0, %add3A_64, %dma_start3A_77] : memref<2x10240x128xf32, #tpu.memory_space<hbm>> -> memref<1x128x128xf32, #tpu.memory_space<hbm>>
      %dma_start3A_79 = tpu.memref_squeeze %dma_start3A_78 : memref<1x128x128xf32, #tpu.memory_space<hbm>> -> memref<128x128xf32, #tpu.memory_space<hbm>>
      %dma_start3A_80 = arith.constant 0 : i32
      %dma_start3A_81 = tpu.memref_slice %arg10[%add3A_62, %dma_start3A_80] : memref<10240x128xf32, #tpu.memory_space<vmem_shared>> -> memref<128x128xf32, #tpu.memory_space<vmem_shared>>
      tpu.enqueue_dma source(%dma_start3A_81 : memref<128x128xf32, #tpu.memory_space<vmem_shared>>) target(%dma_start3A_79 : memref<128x128xf32, #tpu.memory_space<hbm>>) target_semaphore(%run_scoped3A : memref<!tpu.dma_semaphore, #tpu.memory_space<semaphore_mem>>)
      %dma_wait3A = arith.constant 0 : i32
      %dma_wait3A_82 = tpu.memref_slice %arg5[%arg0, %add3A_64, %dma_wait3A] : memref<2x10240x128xf32, #tpu.memory_space<hbm>> -> memref<1x128x128xf32, #tpu.memory_space<hbm>>
      %dma_wait3A_83 = tpu.memref_squeeze %dma_wait3A_82 : memref<1x128x128xf32, #tpu.memory_space<hbm>> -> memref<128x128xf32, #tpu.memory_space<hbm>>
      %dma_wait3A_84 = arith.constant 0 : i32
      %dma_wait3A_85 = tpu.memref_slice %arg10[%add3A_62, %dma_wait3A_84] : memref<10240x128xf32, #tpu.memory_space<vmem_shared>> -> memref<128x128xf32, #tpu.memory_space<vmem_shared>>
      tpu.wait_dma2 semaphore(%run_scoped3A : memref<!tpu.dma_semaphore, #tpu.memory_space<semaphore_mem>>) src(%dma_wait3A_85 : memref<128x128xf32, #tpu.memory_space<vmem_shared>>) dst(%dma_wait3A_83 : memref<128x128xf32, #tpu.memory_space<hbm>>)
      tpu.yield
    }) : () -> ()
    %add3A_65 = arith.constant 256 : i32
    %add3A_66 = arith.addi %mul3A_8, %add3A_65 : i32
    %add3A_67 = arith.constant 256 : i32
    %add3A_68 = arith.addi %mul3A_8, %add3A_67 : i32
    "tpu.region"() ({
      %run_scoped3A = tpu.sem_alloc : memref<!tpu.dma_semaphore, #tpu.memory_space<semaphore_mem>>
      %dma_start3A_77 = arith.constant 0 : i32
      %dma_start3A_78 = tpu.memref_slice %arg5[%arg0, %add3A_68, %dma_start3A_77] : memref<2x10240x128xf32, #tpu.memory_space<hbm>> -> memref<1x128x128xf32, #tpu.memory_space<hbm>>
      %dma_start3A_79 = tpu.memref_squeeze %dma_start3A_78 : memref<1x128x128xf32, #tpu.memory_space<hbm>> -> memref<128x128xf32, #tpu.memory_space<hbm>>
      %dma_start3A_80 = arith.constant 0 : i32
      %dma_start3A_81 = tpu.memref_slice %arg10[%add3A_66, %dma_start3A_80] : memref<10240x128xf32, #tpu.memory_space<vmem_shared>> -> memref<128x128xf32, #tpu.memory_space<vmem_shared>>
      tpu.enqueue_dma source(%dma_start3A_81 : memref<128x128xf32, #tpu.memory_space<vmem_shared>>) target(%dma_start3A_79 : memref<128x128xf32, #tpu.memory_space<hbm>>) target_semaphore(%run_scoped3A : memref<!tpu.dma_semaphore, #tpu.memory_space<semaphore_mem>>)
      %dma_wait3A = arith.constant 0 : i32
      %dma_wait3A_82 = tpu.memref_slice %arg5[%arg0, %add3A_68, %dma_wait3A] : memref<2x10240x128xf32, #tpu.memory_space<hbm>> -> memref<1x128x128xf32, #tpu.memory_space<hbm>>
      %dma_wait3A_83 = tpu.memref_squeeze %dma_wait3A_82 : memref<1x128x128xf32, #tpu.memory_space<hbm>> -> memref<128x128xf32, #tpu.memory_space<hbm>>
      %dma_wait3A_84 = arith.constant 0 : i32
      %dma_wait3A_85 = tpu.memref_slice %arg10[%add3A_66, %dma_wait3A_84] : memref<10240x128xf32, #tpu.memory_space<vmem_shared>> -> memref<128x128xf32, #tpu.memory_space<vmem_shared>>
      tpu.wait_dma2 semaphore(%run_scoped3A : memref<!tpu.dma_semaphore, #tpu.memory_space<semaphore_mem>>) src(%dma_wait3A_85 : memref<128x128xf32, #tpu.memory_space<vmem_shared>>) dst(%dma_wait3A_83 : memref<128x128xf32, #tpu.memory_space<hbm>>)
      tpu.yield
    }) : () -> ()
    %add3A_69 = arith.constant 384 : i32
    %add3A_70 = arith.addi %mul3A_8, %add3A_69 : i32
    %add3A_71 = arith.constant 384 : i32
    %add3A_72 = arith.addi %mul3A_8, %add3A_71 : i32
    "tpu.region"() ({
      %run_scoped3A = tpu.sem_alloc : memref<!tpu.dma_semaphore, #tpu.memory_space<semaphore_mem>>
      %dma_start3A_77 = arith.constant 0 : i32
      %dma_start3A_78 = tpu.memref_slice %arg5[%arg0, %add3A_72, %dma_start3A_77] : memref<2x10240x128xf32, #tpu.memory_space<hbm>> -> memref<1x128x128xf32, #tpu.memory_space<hbm>>
      %dma_start3A_79 = tpu.memref_squeeze %dma_start3A_78 : memref<1x128x128xf32, #tpu.memory_space<hbm>> -> memref<128x128xf32, #tpu.memory_space<hbm>>
      %dma_start3A_80 = arith.constant 0 : i32
      %dma_start3A_81 = tpu.memref_slice %arg10[%add3A_70, %dma_start3A_80] : memref<10240x128xf32, #tpu.memory_space<vmem_shared>> -> memref<128x128xf32, #tpu.memory_space<vmem_shared>>
      tpu.enqueue_dma source(%dma_start3A_81 : memref<128x128xf32, #tpu.memory_space<vmem_shared>>) target(%dma_start3A_79 : memref<128x128xf32, #tpu.memory_space<hbm>>) target_semaphore(%run_scoped3A : memref<!tpu.dma_semaphore, #tpu.memory_space<semaphore_mem>>)
      %dma_wait3A = arith.constant 0 : i32
      %dma_wait3A_82 = tpu.memref_slice %arg5[%arg0, %add3A_72, %dma_wait3A] : memref<2x10240x128xf32, #tpu.memory_space<hbm>> -> memref<1x128x128xf32, #tpu.memory_space<hbm>>
      %dma_wait3A_83 = tpu.memref_squeeze %dma_wait3A_82 : memref<1x128x128xf32, #tpu.memory_space<hbm>> -> memref<128x128xf32, #tpu.memory_space<hbm>>
      %dma_wait3A_84 = arith.constant 0 : i32
      %dma_wait3A_85 = tpu.memref_slice %arg10[%add3A_70, %dma_wait3A_84] : memref<10240x128xf32, #tpu.memory_space<vmem_shared>> -> memref<128x128xf32, #tpu.memory_space<vmem_shared>>
      tpu.wait_dma2 semaphore(%run_scoped3A : memref<!tpu.dma_semaphore, #tpu.memory_space<semaphore_mem>>) src(%dma_wait3A_85 : memref<128x128xf32, #tpu.memory_space<vmem_shared>>) dst(%dma_wait3A_83 : memref<128x128xf32, #tpu.memory_space<hbm>>)
      tpu.yield
    }) : () -> ()
    %add3A_73 = arith.constant 512 : i32
    %add3A_74 = arith.addi %mul3A_8, %add3A_73 : i32
    %add3A_75 = arith.constant 512 : i32
    %add3A_76 = arith.addi %mul3A_8, %add3A_75 : i32
    "tpu.region"() ({
      %run_scoped3A = tpu.sem_alloc : memref<!tpu.dma_semaphore, #tpu.memory_space<semaphore_mem>>
      %dma_start3A_77 = arith.constant 0 : i32
      %dma_start3A_78 = tpu.memref_slice %arg5[%arg0, %add3A_76, %dma_start3A_77] : memref<2x10240x128xf32, #tpu.memory_space<hbm>> -> memref<1x128x128xf32, #tpu.memory_space<hbm>>
      %dma_start3A_79 = tpu.memref_squeeze %dma_start3A_78 : memref<1x128x128xf32, #tpu.memory_space<hbm>> -> memref<128x128xf32, #tpu.memory_space<hbm>>
      %dma_start3A_80 = arith.constant 0 : i32
      %dma_start3A_81 = tpu.memref_slice %arg10[%add3A_74, %dma_start3A_80] : memref<10240x128xf32, #tpu.memory_space<vmem_shared>> -> memref<128x128xf32, #tpu.memory_space<vmem_shared>>
      tpu.enqueue_dma source(%dma_start3A_81 : memref<128x128xf32, #tpu.memory_space<vmem_shared>>) target(%dma_start3A_79 : memref<128x128xf32, #tpu.memory_space<hbm>>) target_semaphore(%run_scoped3A : memref<!tpu.dma_semaphore, #tpu.memory_space<semaphore_mem>>)
      %dma_wait3A = arith.constant 0 : i32
      %dma_wait3A_82 = tpu.memref_slice %arg5[%arg0, %add3A_76, %dma_wait3A] : memref<2x10240x128xf32, #tpu.memory_space<hbm>> -> memref<1x128x128xf32, #tpu.memory_space<hbm>>
      %dma_wait3A_83 = tpu.memref_squeeze %dma_wait3A_82 : memref<1x128x128xf32, #tpu.memory_space<hbm>> -> memref<128x128xf32, #tpu.memory_space<hbm>>
      %dma_wait3A_84 = arith.constant 0 : i32
      %dma_wait3A_85 = tpu.memref_slice %arg10[%add3A_74, %dma_wait3A_84] : memref<10240x128xf32, #tpu.memory_space<vmem_shared>> -> memref<128x128xf32, #tpu.memory_space<vmem_shared>>
      tpu.wait_dma2 semaphore(%run_scoped3A : memref<!tpu.dma_semaphore, #tpu.memory_space<semaphore_mem>>) src(%dma_wait3A_85 : memref<128x128xf32, #tpu.memory_space<vmem_shared>>) dst(%dma_wait3A_83 : memref<128x128xf32, #tpu.memory_space<hbm>>)
      tpu.yield
    }) : () -> ()
    return
  }
}

#map = affine_map<(d0, d1) -> (0, 0)>
#map1 = affine_map<(d0, d1) -> (0, 0, 0)>
module attributes {stable_mosaic.version = 14 : i64} {
  func.func @k(%arg0: i32, %arg1: i32, %arg2: memref<10000x128xf32, #tpu.memory_space<hbm>>, %arg3: memref<2560x128xi32, #tpu.memory_space<hbm>>, %arg4: memref<2560x128xi32, #tpu.memory_space<hbm>>, %arg5: memref<2x10240x128xf32, #tpu.memory_space<hbm>>, %arg6: memref<40x128xi32, #tpu.memory_space<vmem>>, %arg7: memref<40x128xi32, #tpu.memory_space<vmem>>, %arg8: memref<128x128xf32, #tpu.memory_space<vmem>>, %arg9: memref<128x128xf32, #tpu.memory_space<vmem>>, %arg10: memref<10240x128xf32, #tpu.memory_space<vmem_shared>>, %arg11: memref<2x!tpu.dma_semaphore, #tpu.memory_space<semaphore_mem>>) attributes {dimension_semantics = [#tpu.dimension_semantics<core_parallel>, #tpu.dimension_semantics<subcore_parallel>], iteration_bounds = array<i64: 2, 16>, scalar_prefetch = 0 : i64, scratch_operands = 6 : i64, tpu.core_type = #tpu.core_type<sc_vector_subcore>, window_params = [{transform_indices = #map}, {transform_indices = #map}, {transform_indices = #map}, {transform_indices = #map1}]} {
    %mul3A = arith.constant 2 : i32
    %mul3A_0 = arith.muli %arg1, %mul3A : i32
    %add3A = arith.addi %mul3A_0, %arg0 : i32
    %mul3A_1 = arith.constant 80 : i32
    %mul3A_2 = arith.muli %add3A, %mul3A_1 : i32
    %scan3A = arith.constant 0 : i32
    %scan3A_3 = arith.constant 128 : i32
    %scan3A_4 = arith.addi %scan3A, %scan3A_3 : i32
    %scan3A_5 = arith.constant 1 : i32
    scf.for %scan3A_77 = %scan3A to %scan3A_4 step %scan3A_5  : i32 {
      %mul3A_78 = arith.constant 1 : i32
      %mul3A_79 = arith.muli %scan3A_77, %mul3A_78 : i32
      %add3A_80 = arith.constant 0 : i32
      %add3A_81 = arith.addi %add3A_80, %mul3A_79 : i32
      %broadcast_in_dim3A = arith.constant 0.000000e+00 : f32
      %broadcast_in_dim3A_82 = vector.broadcast %broadcast_in_dim3A : f32 to vector<16xf32>
      %swap3A = arith.index_cast %add3A_81 : i32 to index
      %swap3A_83 = arith.constant 0 : index
      %swap3A_84 = tpu.vector_load %arg8[%swap3A, %swap3A_83] {strides = array<i32>} : memref<128x128xf32, #tpu.memory_space<vmem>>, vector<1x16xf32>,
      %swap3A_85 = vector.shape_cast %swap3A_84 : vector<1x16xf32> to vector<16xf32>
      %swap3A_86 = vector.shape_cast %broadcast_in_dim3A_82 : vector<16xf32> to vector<1x16xf32>
      tpu.vector_store %arg8[%swap3A, %swap3A_83], %swap3A_86 {strides = array<i32>} : memref<128x128xf32, #tpu.memory_space<vmem>>, vector<1x16xf32>,
      %broadcast_in_dim3A_87 = arith.constant 0.000000e+00 : f32
      %broadcast_in_dim3A_88 = vector.broadcast %broadcast_in_dim3A_87 : f32 to vector<16xf32>
      %swap3A_89 = arith.index_cast %add3A_81 : i32 to index
      %swap3A_90 = arith.constant 16 : index
      %swap3A_91 = tpu.vector_load %arg8[%swap3A_89, %swap3A_90] {strides = array<i32>} : memref<128x128xf32, #tpu.memory_space<vmem>>, vector<1x16xf32>,
      %swap3A_92 = vector.shape_cast %swap3A_91 : vector<1x16xf32> to vector<16xf32>
      %swap3A_93 = vector.shape_cast %broadcast_in_dim3A_88 : vector<16xf32> to vector<1x16xf32>
      tpu.vector_store %arg8[%swap3A_89, %swap3A_90], %swap3A_93 {strides = array<i32>} : memref<128x128xf32, #tpu.memory_space<vmem>>, vector<1x16xf32>,
      %broadcast_in_dim3A_94 = arith.constant 0.000000e+00 : f32
      %broadcast_in_dim3A_95 = vector.broadcast %broadcast_in_dim3A_94 : f32 to vector<16xf32>
      %swap3A_96 = arith.index_cast %add3A_81 : i32 to index
      %swap3A_97 = arith.constant 32 : index
      %swap3A_98 = tpu.vector_load %arg8[%swap3A_96, %swap3A_97] {strides = array<i32>} : memref<128x128xf32, #tpu.memory_space<vmem>>, vector<1x16xf32>,
      %swap3A_99 = vector.shape_cast %swap3A_98 : vector<1x16xf32> to vector<16xf32>
      %swap3A_100 = vector.shape_cast %broadcast_in_dim3A_95 : vector<16xf32> to vector<1x16xf32>
      tpu.vector_store %arg8[%swap3A_96, %swap3A_97], %swap3A_100 {strides = array<i32>} : memref<128x128xf32, #tpu.memory_space<vmem>>, vector<1x16xf32>,
      %broadcast_in_dim3A_101 = arith.constant 0.000000e+00 : f32
      %broadcast_in_dim3A_102 = vector.broadcast %broadcast_in_dim3A_101 : f32 to vector<16xf32>
      %swap3A_103 = arith.index_cast %add3A_81 : i32 to index
      %swap3A_104 = arith.constant 48 : index
      %swap3A_105 = tpu.vector_load %arg8[%swap3A_103, %swap3A_104] {strides = array<i32>} : memref<128x128xf32, #tpu.memory_space<vmem>>, vector<1x16xf32>,
      %swap3A_106 = vector.shape_cast %swap3A_105 : vector<1x16xf32> to vector<16xf32>
      %swap3A_107 = vector.shape_cast %broadcast_in_dim3A_102 : vector<16xf32> to vector<1x16xf32>
      tpu.vector_store %arg8[%swap3A_103, %swap3A_104], %swap3A_107 {strides = array<i32>} : memref<128x128xf32, #tpu.memory_space<vmem>>, vector<1x16xf32>,
      %broadcast_in_dim3A_108 = arith.constant 0.000000e+00 : f32
      %broadcast_in_dim3A_109 = vector.broadcast %broadcast_in_dim3A_108 : f32 to vector<16xf32>
      %swap3A_110 = arith.index_cast %add3A_81 : i32 to index
      %swap3A_111 = arith.constant 64 : index
      %swap3A_112 = tpu.vector_load %arg8[%swap3A_110, %swap3A_111] {strides = array<i32>} : memref<128x128xf32, #tpu.memory_space<vmem>>, vector<1x16xf32>,
      %swap3A_113 = vector.shape_cast %swap3A_112 : vector<1x16xf32> to vector<16xf32>
      %swap3A_114 = vector.shape_cast %broadcast_in_dim3A_109 : vector<16xf32> to vector<1x16xf32>
      tpu.vector_store %arg8[%swap3A_110, %swap3A_111], %swap3A_114 {strides = array<i32>} : memref<128x128xf32, #tpu.memory_space<vmem>>, vector<1x16xf32>,
      %broadcast_in_dim3A_115 = arith.constant 0.000000e+00 : f32
      %broadcast_in_dim3A_116 = vector.broadcast %broadcast_in_dim3A_115 : f32 to vector<16xf32>
      %swap3A_117 = arith.index_cast %add3A_81 : i32 to index
      %swap3A_118 = arith.constant 80 : index
      %swap3A_119 = tpu.vector_load %arg8[%swap3A_117, %swap3A_118] {strides = array<i32>} : memref<128x128xf32, #tpu.memory_space<vmem>>, vector<1x16xf32>,
      %swap3A_120 = vector.shape_cast %swap3A_119 : vector<1x16xf32> to vector<16xf32>
      %swap3A_121 = vector.shape_cast %broadcast_in_dim3A_116 : vector<16xf32> to vector<1x16xf32>
      tpu.vector_store %arg8[%swap3A_117, %swap3A_118], %swap3A_121 {strides = array<i32>} : memref<128x128xf32, #tpu.memory_space<vmem>>, vector<1x16xf32>,
      %broadcast_in_dim3A_122 = arith.constant 0.000000e+00 : f32
      %broadcast_in_dim3A_123 = vector.broadcast %broadcast_in_dim3A_122 : f32 to vector<16xf32>
      %swap3A_124 = arith.index_cast %add3A_81 : i32 to index
      %swap3A_125 = arith.constant 96 : index
      %swap3A_126 = tpu.vector_load %arg8[%swap3A_124, %swap3A_125] {strides = array<i32>} : memref<128x128xf32, #tpu.memory_space<vmem>>, vector<1x16xf32>,
      %swap3A_127 = vector.shape_cast %swap3A_126 : vector<1x16xf32> to vector<16xf32>
      %swap3A_128 = vector.shape_cast %broadcast_in_dim3A_123 : vector<16xf32> to vector<1x16xf32>
      tpu.vector_store %arg8[%swap3A_124, %swap3A_125], %swap3A_128 {strides = array<i32>} : memref<128x128xf32, #tpu.memory_space<vmem>>, vector<1x16xf32>,
      %broadcast_in_dim3A_129 = arith.constant 0.000000e+00 : f32
      %broadcast_in_dim3A_130 = vector.broadcast %broadcast_in_dim3A_129 : f32 to vector<16xf32>
      %swap3A_131 = arith.index_cast %add3A_81 : i32 to index
      %swap3A_132 = arith.constant 112 : index
      %swap3A_133 = tpu.vector_load %arg8[%swap3A_131, %swap3A_132] {strides = array<i32>} : memref<128x128xf32, #tpu.memory_space<vmem>>, vector<1x16xf32>,
      %swap3A_134 = vector.shape_cast %swap3A_133 : vector<1x16xf32> to vector<16xf32>
      %swap3A_135 = vector.shape_cast %broadcast_in_dim3A_130 : vector<16xf32> to vector<1x16xf32>
      tpu.vector_store %arg8[%swap3A_131, %swap3A_132], %swap3A_135 {strides = array<i32>} : memref<128x128xf32, #tpu.memory_space<vmem>>, vector<1x16xf32>,
    }
    %scan3A_6 = arith.constant 128 : i32
    %mul3A_7 = arith.constant 640 : i32
    %mul3A_8 = arith.muli %arg1, %mul3A_7 : i32
    %add3A_9 = arith.constant 0 : i32
    %add3A_10 = arith.addi %mul3A_8, %add3A_9 : i32
    "tpu.region"() ({
      %run_scoped3A = tpu.sem_alloc : memref<!tpu.dma_semaphore, #tpu.memory_space<semaphore_mem>>
      %dma_start3A_77 = arith.constant 0 : i32
      %dma_start3A_78 = tpu.memref_slice %arg10[%add3A_10, %dma_start3A_77] : memref<10240x128xf32, #tpu.memory_space<vmem_shared>> -> memref<128x128xf32, #tpu.memory_space<vmem_shared>>
      %dma_start3A_79 = arith.constant 0 : i32
      %dma_start3A_80 = tpu.memref_slice %arg10[%add3A_10, %dma_start3A_79] : memref<10240x128xf32, #tpu.memory_space<vmem_shared>> -> memref<128x128xf32, #tpu.memory_space<vmem_shared>>
      tpu.enqueue_dma source(%arg8 : memref<128x128xf32, #tpu.memory_space<vmem>>) target(%dma_start3A_80 : memref<128x128xf32, #tpu.memory_space<vmem_shared>>) target_semaphore(%run_scoped3A : memref<!tpu.dma_semaphore, #tpu.memory_space<semaphore_mem>>)
      %dma_wait3A = arith.constant 0 : i32
      %dma_wait3A_81 = tpu.memref_slice %arg10[%add3A_10, %dma_wait3A] : memref<10240x128xf32, #tpu.memory_space<vmem_shared>> -> memref<128x128xf32, #tpu.memory_space<vmem_shared>>
      %dma_wait3A_82 = arith.constant 0 : i32
      %dma_wait3A_83 = tpu.memref_slice %arg10[%add3A_10, %dma_wait3A_82] : memref<10240x128xf32, #tpu.memory_space<vmem_shared>> -> memref<128x128xf32, #tpu.memory_space<vmem_shared>>
      tpu.wait_dma2 semaphore(%run_scoped3A : memref<!tpu.dma_semaphore, #tpu.memory_space<semaphore_mem>>) src(%arg8 : memref<128x128xf32, #tpu.memory_space<vmem>>) dst(%dma_wait3A_83 : memref<128x128xf32, #tpu.memory_space<vmem_shared>>)
      tpu.yield
    }) : () -> ()
    %add3A_11 = arith.constant 128 : i32
    %add3A_12 = arith.addi %mul3A_8, %add3A_11 : i32
    "tpu.region"() ({
      %run_scoped3A = tpu.sem_alloc : memref<!tpu.dma_semaphore, #tpu.memory_space<semaphore_mem>>
      %dma_start3A_77 = arith.constant 0 : i32
      %dma_start3A_78 = tpu.memref_slice %arg10[%add3A_12, %dma_start3A_77] : memref<10240x128xf32, #tpu.memory_space<vmem_shared>> -> memref<128x128xf32, #tpu.memory_space<vmem_shared>>
      %dma_start3A_79 = arith.constant 0 : i32
      %dma_start3A_80 = tpu.memref_slice %arg10[%add3A_12, %dma_start3A_79] : memref<10240x128xf32, #tpu.memory_space<vmem_shared>> -> memref<128x128xf32, #tpu.memory_space<vmem_shared>>
      tpu.enqueue_dma source(%arg8 : memref<128x128xf32, #tpu.memory_space<vmem>>) target(%dma_start3A_80 : memref<128x128xf32, #tpu.memory_space<vmem_shared>>) target_semaphore(%run_scoped3A : memref<!tpu.dma_semaphore, #tpu.memory_space<semaphore_mem>>)
      %dma_wait3A = arith.constant 0 : i32
      %dma_wait3A_81 = tpu.memref_slice %arg10[%add3A_12, %dma_wait3A] : memref<10240x128xf32, #tpu.memory_space<vmem_shared>> -> memref<128x128xf32, #tpu.memory_space<vmem_shared>>
      %dma_wait3A_82 = arith.constant 0 : i32
      %dma_wait3A_83 = tpu.memref_slice %arg10[%add3A_12, %dma_wait3A_82] : memref<10240x128xf32, #tpu.memory_space<vmem_shared>> -> memref<128x128xf32, #tpu.memory_space<vmem_shared>>
      tpu.wait_dma2 semaphore(%run_scoped3A : memref<!tpu.dma_semaphore, #tpu.memory_space<semaphore_mem>>) src(%arg8 : memref<128x128xf32, #tpu.memory_space<vmem>>) dst(%dma_wait3A_83 : memref<128x128xf32, #tpu.memory_space<vmem_shared>>)
      tpu.yield
    }) : () -> ()
    %add3A_13 = arith.constant 256 : i32
    %add3A_14 = arith.addi %mul3A_8, %add3A_13 : i32
    "tpu.region"() ({
      %run_scoped3A = tpu.sem_alloc : memref<!tpu.dma_semaphore, #tpu.memory_space<semaphore_mem>>
      %dma_start3A_77 = arith.constant 0 : i32
      %dma_start3A_78 = tpu.memref_slice %arg10[%add3A_14, %dma_start3A_77] : memref<10240x128xf32, #tpu.memory_space<vmem_shared>> -> memref<128x128xf32, #tpu.memory_space<vmem_shared>>
      %dma_start3A_79 = arith.constant 0 : i32
      %dma_start3A_80 = tpu.memref_slice %arg10[%add3A_14, %dma_start3A_79] : memref<10240x128xf32, #tpu.memory_space<vmem_shared>> -> memref<128x128xf32, #tpu.memory_space<vmem_shared>>
      tpu.enqueue_dma source(%arg8 : memref<128x128xf32, #tpu.memory_space<vmem>>) target(%dma_start3A_80 : memref<128x128xf32, #tpu.memory_space<vmem_shared>>) target_semaphore(%run_scoped3A : memref<!tpu.dma_semaphore, #tpu.memory_space<semaphore_mem>>)
      %dma_wait3A = arith.constant 0 : i32
      %dma_wait3A_81 = tpu.memref_slice %arg10[%add3A_14, %dma_wait3A] : memref<10240x128xf32, #tpu.memory_space<vmem_shared>> -> memref<128x128xf32, #tpu.memory_space<vmem_shared>>
      %dma_wait3A_82 = arith.constant 0 : i32
      %dma_wait3A_83 = tpu.memref_slice %arg10[%add3A_14, %dma_wait3A_82] : memref<10240x128xf32, #tpu.memory_space<vmem_shared>> -> memref<128x128xf32, #tpu.memory_space<vmem_shared>>
      tpu.wait_dma2 semaphore(%run_scoped3A : memref<!tpu.dma_semaphore, #tpu.memory_space<semaphore_mem>>) src(%arg8 : memref<128x128xf32, #tpu.memory_space<vmem>>) dst(%dma_wait3A_83 : memref<128x128xf32, #tpu.memory_space<vmem_shared>>)
      tpu.yield
    }) : () -> ()
    %add3A_15 = arith.constant 384 : i32
    %add3A_16 = arith.addi %mul3A_8, %add3A_15 : i32
    "tpu.region"() ({
      %run_scoped3A = tpu.sem_alloc : memref<!tpu.dma_semaphore, #tpu.memory_space<semaphore_mem>>
      %dma_start3A_77 = arith.constant 0 : i32
      %dma_start3A_78 = tpu.memref_slice %arg10[%add3A_16, %dma_start3A_77] : memref<10240x128xf32, #tpu.memory_space<vmem_shared>> -> memref<128x128xf32, #tpu.memory_space<vmem_shared>>
      %dma_start3A_79 = arith.constant 0 : i32
      %dma_start3A_80 = tpu.memref_slice %arg10[%add3A_16, %dma_start3A_79] : memref<10240x128xf32, #tpu.memory_space<vmem_shared>> -> memref<128x128xf32, #tpu.memory_space<vmem_shared>>
      tpu.enqueue_dma source(%arg8 : memref<128x128xf32, #tpu.memory_space<vmem>>) target(%dma_start3A_80 : memref<128x128xf32, #tpu.memory_space<vmem_shared>>) target_semaphore(%run_scoped3A : memref<!tpu.dma_semaphore, #tpu.memory_space<semaphore_mem>>)
      %dma_wait3A = arith.constant 0 : i32
      %dma_wait3A_81 = tpu.memref_slice %arg10[%add3A_16, %dma_wait3A] : memref<10240x128xf32, #tpu.memory_space<vmem_shared>> -> memref<128x128xf32, #tpu.memory_space<vmem_shared>>
      %dma_wait3A_82 = arith.constant 0 : i32
      %dma_wait3A_83 = tpu.memref_slice %arg10[%add3A_16, %dma_wait3A_82] : memref<10240x128xf32, #tpu.memory_space<vmem_shared>> -> memref<128x128xf32, #tpu.memory_space<vmem_shared>>
      tpu.wait_dma2 semaphore(%run_scoped3A : memref<!tpu.dma_semaphore, #tpu.memory_space<semaphore_mem>>) src(%arg8 : memref<128x128xf32, #tpu.memory_space<vmem>>) dst(%dma_wait3A_83 : memref<128x128xf32, #tpu.memory_space<vmem_shared>>)
      tpu.yield
    }) : () -> ()
    %add3A_17 = arith.constant 512 : i32
    %add3A_18 = arith.addi %mul3A_8, %add3A_17 : i32
    "tpu.region"() ({
      %run_scoped3A = tpu.sem_alloc : memref<!tpu.dma_semaphore, #tpu.memory_space<semaphore_mem>>
      %dma_start3A_77 = arith.constant 0 : i32
      %dma_start3A_78 = tpu.memref_slice %arg10[%add3A_18, %dma_start3A_77] : memref<10240x128xf32, #tpu.memory_space<vmem_shared>> -> memref<128x128xf32, #tpu.memory_space<vmem_shared>>
      %dma_start3A_79 = arith.constant 0 : i32
      %dma_start3A_80 = tpu.memref_slice %arg10[%add3A_18, %dma_start3A_79] : memref<10240x128xf32, #tpu.memory_space<vmem_shared>> -> memref<128x128xf32, #tpu.memory_space<vmem_shared>>
      tpu.enqueue_dma source(%arg8 : memref<128x128xf32, #tpu.memory_space<vmem>>) target(%dma_start3A_80 : memref<128x128xf32, #tpu.memory_space<vmem_shared>>) target_semaphore(%run_scoped3A : memref<!tpu.dma_semaphore, #tpu.memory_space<semaphore_mem>>)
      %dma_wait3A = arith.constant 0 : i32
      %dma_wait3A_81 = tpu.memref_slice %arg10[%add3A_18, %dma_wait3A] : memref<10240x128xf32, #tpu.memory_space<vmem_shared>> -> memref<128x128xf32, #tpu.memory_space<vmem_shared>>
      %dma_wait3A_82 = arith.constant 0 : i32
      %dma_wait3A_83 = tpu.memref_slice %arg10[%add3A_18, %dma_wait3A_82] : memref<10240x128xf32, #tpu.memory_space<vmem_shared>> -> memref<128x128xf32, #tpu.memory_space<vmem_shared>>
      tpu.wait_dma2 semaphore(%run_scoped3A : memref<!tpu.dma_semaphore, #tpu.memory_space<semaphore_mem>>) src(%arg8 : memref<128x128xf32, #tpu.memory_space<vmem>>) dst(%dma_wait3A_83 : memref<128x128xf32, #tpu.memory_space<vmem_shared>>)
      tpu.yield
    }) : () -> ()
    %barrier3A = arith.constant 0 : index
    tpu.barrier barrier_id(%barrier3A)
    %add3A_19 = arith.constant 0 : i32
    %add3A_20 = arith.addi %mul3A_2, %add3A_19 : i32
    "tpu.region"() ({
      %run_scoped3A = tpu.sem_alloc : memref<!tpu.dma_semaphore, #tpu.memory_space<semaphore_mem>>
      %dma_start3A_77 = arith.constant 0 : i32
      %dma_start3A_78 = tpu.memref_slice %arg3[%add3A_20, %dma_start3A_77] : memref<2560x128xi32, #tpu.memory_space<hbm>> -> memref<40x128xi32, #tpu.memory_space<hbm>>
      %dma_start3A_79 = arith.constant 0 : i32
      %dma_start3A_80 = tpu.memref_slice %arg3[%add3A_20, %dma_start3A_79] : memref<2560x128xi32, #tpu.memory_space<hbm>> -> memref<40x128xi32, #tpu.memory_space<hbm>>
      tpu.enqueue_dma source(%dma_start3A_80 : memref<40x128xi32, #tpu.memory_space<hbm>>) target(%arg6 : memref<40x128xi32, #tpu.memory_space<vmem>>) target_semaphore(%run_scoped3A : memref<!tpu.dma_semaphore, #tpu.memory_space<semaphore_mem>>)
      %dma_wait3A = arith.constant 0 : i32
      %dma_wait3A_81 = tpu.memref_slice %arg3[%add3A_20, %dma_wait3A] : memref<2560x128xi32, #tpu.memory_space<hbm>> -> memref<40x128xi32, #tpu.memory_space<hbm>>
      %dma_wait3A_82 = arith.constant 0 : i32
      %dma_wait3A_83 = tpu.memref_slice %arg3[%add3A_20, %dma_wait3A_82] : memref<2560x128xi32, #tpu.memory_space<hbm>> -> memref<40x128xi32, #tpu.memory_space<hbm>>
      tpu.wait_dma2 semaphore(%run_scoped3A : memref<!tpu.dma_semaphore, #tpu.memory_space<semaphore_mem>>) src(%dma_wait3A_83 : memref<40x128xi32, #tpu.memory_space<hbm>>) dst(%arg6 : memref<40x128xi32, #tpu.memory_space<vmem>>)
      tpu.yield
    }) : () -> ()
    %add3A_21 = arith.constant 0 : i32
    %add3A_22 = arith.addi %mul3A_2, %add3A_21 : i32
    "tpu.region"() ({
      %run_scoped3A = tpu.sem_alloc : memref<!tpu.dma_semaphore, #tpu.memory_space<semaphore_mem>>
      %dma_start3A_77 = arith.constant 0 : i32
      %dma_start3A_78 = tpu.memref_slice %arg4[%add3A_22, %dma_start3A_77] : memref<2560x128xi32, #tpu.memory_space<hbm>> -> memref<40x128xi32, #tpu.memory_space<hbm>>
      %dma_start3A_79 = arith.constant 0 : i32
      %dma_start3A_80 = tpu.memref_slice %arg4[%add3A_22, %dma_start3A_79] : memref<2560x128xi32, #tpu.memory_space<hbm>> -> memref<40x128xi32, #tpu.memory_space<hbm>>
      tpu.enqueue_dma source(%dma_start3A_80 : memref<40x128xi32, #tpu.memory_space<hbm>>) target(%arg7 : memref<40x128xi32, #tpu.memory_space<vmem>>) target_semaphore(%run_scoped3A : memref<!tpu.dma_semaphore, #tpu.memory_space<semaphore_mem>>)
      %dma_wait3A = arith.constant 0 : i32
      %dma_wait3A_81 = tpu.memref_slice %arg4[%add3A_22, %dma_wait3A] : memref<2560x128xi32, #tpu.memory_space<hbm>> -> memref<40x128xi32, #tpu.memory_space<hbm>>
      %dma_wait3A_82 = arith.constant 0 : i32
      %dma_wait3A_83 = tpu.memref_slice %arg4[%add3A_22, %dma_wait3A_82] : memref<2560x128xi32, #tpu.memory_space<hbm>> -> memref<40x128xi32, #tpu.memory_space<hbm>>
      tpu.wait_dma2 semaphore(%run_scoped3A : memref<!tpu.dma_semaphore, #tpu.memory_space<semaphore_mem>>) src(%dma_wait3A_83 : memref<40x128xi32, #tpu.memory_space<hbm>>) dst(%arg7 : memref<40x128xi32, #tpu.memory_space<vmem>>)
      tpu.yield
    }) : () -> ()
    %dma_start3A = arith.constant 0 : i32
    %dma_start3A_23 = arith.constant 0 : i32
    %dma_start3A_24 = arith.constant 0 : i32
    %dma_start3A_25 = tpu.memref_slice %arg6[%dma_start3A, %dma_start3A_24] : memref<40x128xi32, #tpu.memory_space<vmem>> -> memref<1x128xi32, #tpu.memory_space<vmem>>
    %dma_start3A_26 = tpu.memref_squeeze %dma_start3A_25 : memref<1x128xi32, #tpu.memory_space<vmem>> -> memref<128xi32, #tpu.memory_space<vmem>>
    %dma_start3A_27 = arith.constant 0 : i32
    %dma_start3A_28 = arith.constant 0 : i32
    %dma_start3A_29 = tpu.memref_slice %arg2[%dma_start3A_27, %dma_start3A_28] : memref<10000x128xf32, #tpu.memory_space<hbm>> -> memref<10000x128xf32, #tpu.memory_space<hbm>>
    %dma_start3A_30 = tpu.memref_slice %arg11[%dma_start3A_23] : memref<2x!tpu.dma_semaphore, #tpu.memory_space<semaphore_mem>> -> memref<1x!tpu.dma_semaphore, #tpu.memory_space<semaphore_mem>>
    %dma_start3A_31 = tpu.memref_squeeze %dma_start3A_30 : memref<1x!tpu.dma_semaphore, #tpu.memory_space<semaphore_mem>> -> memref<!tpu.dma_semaphore, #tpu.memory_space<semaphore_mem>>
    tpu.enqueue_indirect_dma source(%dma_start3A_29 : memref<10000x128xf32, #tpu.memory_space<hbm>>) target(%arg8 : memref<128x128xf32, #tpu.memory_space<vmem>>) offsets(%dma_start3A_26 : memref<128xi32, #tpu.memory_space<vmem>>) semaphore(%dma_start3A_31 : memref<!tpu.dma_semaphore, #tpu.memory_space<semaphore_mem>>)
    %scan3A_32 = arith.constant 0 : i32
    %scan3A_33 = arith.constant 20 : i32
    %scan3A_34 = arith.addi %scan3A_32, %scan3A_33 : i32
    %scan3A_35 = arith.constant 1 : i32
    scf.for %scan3A_77 = %scan3A_32 to %scan3A_34 step %scan3A_35  : i32 {
      %mul3A_78 = arith.constant 1 : i32
      %mul3A_79 = arith.muli %scan3A_77, %mul3A_78 : i32
      %add3A_80 = arith.constant 0 : i32
      %add3A_81 = arith.addi %add3A_80, %mul3A_79 : i32
      %mul3A_82 = arith.constant 2 : i32
      %mul3A_83 = arith.muli %add3A_81, %mul3A_82 : i32
      %dma_wait3A = arith.constant 0 : i32
      %dma_wait3A_84 = arith.constant 0 : i32
      %dma_wait3A_85 = arith.constant 0 : i32
      %dma_wait3A_86 = tpu.memref_slice %arg6[%dma_wait3A, %dma_wait3A_85] : memref<40x128xi32, #tpu.memory_space<vmem>> -> memref<1x128xi32, #tpu.memory_space<vmem>>
      %dma_wait3A_87 = tpu.memref_squeeze %dma_wait3A_86 : memref<1x128xi32, #tpu.memory_space<vmem>> -> memref<128xi32, #tpu.memory_space<vmem>>
      %dma_wait3A_88 = arith.constant 0 : i32
      %dma_wait3A_89 = arith.constant 0 : i32
      %dma_wait3A_90 = tpu.memref_slice %arg2[%dma_wait3A_88, %dma_wait3A_89] : memref<10000x128xf32, #tpu.memory_space<hbm>> -> memref<10000x128xf32, #tpu.memory_space<hbm>>
      %dma_wait3A_91 = tpu.memref_slice %arg11[%dma_wait3A_84] : memref<2x!tpu.dma_semaphore, #tpu.memory_space<semaphore_mem>> -> memref<1x!tpu.dma_semaphore, #tpu.memory_space<semaphore_mem>>
      %dma_wait3A_92 = tpu.memref_squeeze %dma_wait3A_91 : memref<1x!tpu.dma_semaphore, #tpu.memory_space<semaphore_mem>> -> memref<!tpu.dma_semaphore, #tpu.memory_space<semaphore_mem>>
      tpu.wait_indirect_dma semaphore(%dma_wait3A_92 : memref<!tpu.dma_semaphore, #tpu.memory_space<semaphore_mem>>) src(%dma_wait3A_90 : memref<10000x128xf32, #tpu.memory_space<hbm>>) dst(%arg8 : memref<128x128xf32, #tpu.memory_space<vmem>>)
      %add3A_93 = arith.constant 1 : i32
      %add3A_94 = arith.addi %mul3A_83, %add3A_93 : i32
      %dma_start3A_95 = arith.constant 1 : i32
      %dma_start3A_96 = arith.constant 0 : i32
      %dma_start3A_97 = tpu.memref_slice %arg6[%add3A_94, %dma_start3A_96] : memref<40x128xi32, #tpu.memory_space<vmem>> -> memref<1x128xi32, #tpu.memory_space<vmem>>
      %dma_start3A_98 = tpu.memref_squeeze %dma_start3A_97 : memref<1x128xi32, #tpu.memory_space<vmem>> -> memref<128xi32, #tpu.memory_space<vmem>>
      %dma_start3A_99 = arith.constant 0 : i32
      %dma_start3A_100 = arith.constant 0 : i32
      %dma_start3A_101 = tpu.memref_slice %arg2[%dma_start3A_99, %dma_start3A_100] : memref<10000x128xf32, #tpu.memory_space<hbm>> -> memref<10000x128xf32, #tpu.memory_space<hbm>>
      %dma_start3A_102 = tpu.memref_slice %arg11[%dma_start3A_95] : memref<2x!tpu.dma_semaphore, #tpu.memory_space<semaphore_mem>> -> memref<1x!tpu.dma_semaphore, #tpu.memory_space<semaphore_mem>>
      %dma_start3A_103 = tpu.memref_squeeze %dma_start3A_102 : memref<1x!tpu.dma_semaphore, #tpu.memory_space<semaphore_mem>> -> memref<!tpu.dma_semaphore, #tpu.memory_space<semaphore_mem>>
      tpu.enqueue_indirect_dma source(%dma_start3A_101 : memref<10000x128xf32, #tpu.memory_space<hbm>>) target(%arg9 : memref<128x128xf32, #tpu.memory_space<vmem>>) offsets(%dma_start3A_98 : memref<128xi32, #tpu.memory_space<vmem>>) semaphore(%dma_start3A_103 : memref<!tpu.dma_semaphore, #tpu.memory_space<semaphore_mem>>)
      "tpu.region"() ({
        %run_scoped3A = tpu.sem_alloc : memref<!tpu.dma_semaphore, #tpu.memory_space<semaphore_mem>>
        %dma_start3A_120 = arith.constant 0 : i32
        %dma_start3A_121 = tpu.memref_slice %arg7[%mul3A_83, %dma_start3A_120] : memref<40x128xi32, #tpu.memory_space<vmem>> -> memref<1x128xi32, #tpu.memory_space<vmem>>
        %dma_start3A_122 = tpu.memref_squeeze %dma_start3A_121 : memref<1x128xi32, #tpu.memory_space<vmem>> -> memref<128xi32, #tpu.memory_space<vmem>>
        %dma_start3A_123 = arith.constant 0 : i32
        %dma_start3A_124 = arith.constant 0 : i32
        %dma_start3A_125 = tpu.memref_slice %arg10[%dma_start3A_123, %dma_start3A_124] : memref<10240x128xf32, #tpu.memory_space<vmem_shared>> -> memref<10240x128xf32, #tpu.memory_space<vmem_shared>>
        tpu.enqueue_indirect_dma source(%arg8 : memref<128x128xf32, #tpu.memory_space<vmem>>) target(%dma_start3A_125 : memref<10240x128xf32, #tpu.memory_space<vmem_shared>>) offsets(%dma_start3A_122 : memref<128xi32, #tpu.memory_space<vmem>>) semaphore(%run_scoped3A : memref<!tpu.dma_semaphore, #tpu.memory_space<semaphore_mem>>) {add = true}
        %dma_wait3A_126 = arith.constant 0 : i32
        %dma_wait3A_127 = tpu.memref_slice %arg7[%mul3A_83, %dma_wait3A_126] : memref<40x128xi32, #tpu.memory_space<vmem>> -> memref<1x128xi32, #tpu.memory_space<vmem>>
        %dma_wait3A_128 = tpu.memref_squeeze %dma_wait3A_127 : memref<1x128xi32, #tpu.memory_space<vmem>> -> memref<128xi32, #tpu.memory_space<vmem>>
        %dma_wait3A_129 = arith.constant 0 : i32
        %dma_wait3A_130 = arith.constant 0 : i32
        %dma_wait3A_131 = tpu.memref_slice %arg10[%dma_wait3A_129, %dma_wait3A_130] : memref<10240x128xf32, #tpu.memory_space<vmem_shared>> -> memref<10240x128xf32, #tpu.memory_space<vmem_shared>>
        tpu.wait_indirect_dma semaphore(%run_scoped3A : memref<!tpu.dma_semaphore, #tpu.memory_space<semaphore_mem>>) src(%arg8 : memref<128x128xf32, #tpu.memory_space<vmem>>) dst(%dma_wait3A_131 : memref<10240x128xf32, #tpu.memory_space<vmem_shared>>)
        tpu.yield
      }) : () -> ()
      %dma_wait3A_104 = arith.constant 0 : i32
      %dma_wait3A_105 = arith.constant 1 : i32
      %dma_wait3A_106 = arith.constant 0 : i32
      %dma_wait3A_107 = tpu.memref_slice %arg6[%dma_wait3A_104, %dma_wait3A_106] : memref<40x128xi32, #tpu.memory_space<vmem>> -> memref<1x128xi32, #tpu.memory_space<vmem>>
      %dma_wait3A_108 = tpu.memref_squeeze %dma_wait3A_107 : memref<1x128xi32, #tpu.memory_space<vmem>> -> memref<128xi32, #tpu.memory_space<vmem>>
      %dma_wait3A_109 = arith.constant 0 : i32
      %dma_wait3A_110 = arith.constant 0 : i32
      %dma_wait3A_111 = tpu.memref_slice %arg2[%dma_wait3A_109, %dma_wait3A_110] : memref<10000x128xf32, #tpu.memory_space<hbm>> -> memref<10000x128xf32, #tpu.memory_space<hbm>>
      %dma_wait3A_112 = tpu.memref_slice %arg11[%dma_wait3A_105] : memref<2x!tpu.dma_semaphore, #tpu.memory_space<semaphore_mem>> -> memref<1x!tpu.dma_semaphore, #tpu.memory_space<semaphore_mem>>
      %dma_wait3A_113 = tpu.memref_squeeze %dma_wait3A_112 : memref<1x!tpu.dma_semaphore, #tpu.memory_space<semaphore_mem>> -> memref<!tpu.dma_semaphore, #tpu.memory_space<semaphore_mem>>
      tpu.wait_indirect_dma semaphore(%dma_wait3A_113 : memref<!tpu.dma_semaphore, #tpu.memory_space<semaphore_mem>>) src(%dma_wait3A_111 : memref<10000x128xf32, #tpu.memory_space<hbm>>) dst(%arg9 : memref<128x128xf32, #tpu.memory_space<vmem>>)
      %add3A_114 = arith.constant 2 : i32
      %add3A_115 = arith.addi %mul3A_83, %add3A_114 : i32
      %lt3A = arith.constant 40 : i32
      %lt3A_116 = arith.cmpi slt, %add3A_115, %lt3A : i32
      %convert_element_type3A = arith.extui %lt3A_116 : i1 to i32
      %cond3A = arith.constant 0 : i32
      %cond3A_117 = arith.cmpi ne, %convert_element_type3A, %cond3A : i32
      scf.if %cond3A_117 {
        %add3A_120 = arith.constant 2 : i32
        %add3A_121 = arith.addi %mul3A_83, %add3A_120 : i32
        %dma_start3A_122 = arith.constant 0 : i32
        %dma_start3A_123 = arith.constant 0 : i32
        %dma_start3A_124 = tpu.memref_slice %arg6[%add3A_121, %dma_start3A_123] : memref<40x128xi32, #tpu.memory_space<vmem>> -> memref<1x128xi32, #tpu.memory_space<vmem>>
        %dma_start3A_125 = tpu.memref_squeeze %dma_start3A_124 : memref<1x128xi32, #tpu.memory_space<vmem>> -> memref<128xi32, #tpu.memory_space<vmem>>
        %dma_start3A_126 = arith.constant 0 : i32
        %dma_start3A_127 = arith.constant 0 : i32
        %dma_start3A_128 = tpu.memref_slice %arg2[%dma_start3A_126, %dma_start3A_127] : memref<10000x128xf32, #tpu.memory_space<hbm>> -> memref<10000x128xf32, #tpu.memory_space<hbm>>
        %dma_start3A_129 = tpu.memref_slice %arg11[%dma_start3A_122] : memref<2x!tpu.dma_semaphore, #tpu.memory_space<semaphore_mem>> -> memref<1x!tpu.dma_semaphore, #tpu.memory_space<semaphore_mem>>
        %dma_start3A_130 = tpu.memref_squeeze %dma_start3A_129 : memref<1x!tpu.dma_semaphore, #tpu.memory_space<semaphore_mem>> -> memref<!tpu.dma_semaphore, #tpu.memory_space<semaphore_mem>>
        tpu.enqueue_indirect_dma source(%dma_start3A_128 : memref<10000x128xf32, #tpu.memory_space<hbm>>) target(%arg8 : memref<128x128xf32, #tpu.memory_space<vmem>>) offsets(%dma_start3A_125 : memref<128xi32, #tpu.memory_space<vmem>>) semaphore(%dma_start3A_130 : memref<!tpu.dma_semaphore, #tpu.memory_space<semaphore_mem>>)
      } else {
      }
      %add3A_118 = arith.constant 1 : i32
      %add3A_119 = arith.addi %mul3A_83, %add3A_118 : i32
      "tpu.region"() ({
        %run_scoped3A = tpu.sem_alloc : memref<!tpu.dma_semaphore, #tpu.memory_space<semaphore_mem>>
        %dma_start3A_120 = arith.constant 0 : i32
        %dma_start3A_121 = tpu.memref_slice %arg7[%add3A_119, %dma_start3A_120] : memref<40x128xi32, #tpu.memory_space<vmem>> -> memref<1x128xi32, #tpu.memory_space<vmem>>
        %dma_start3A_122 = tpu.memref_squeeze %dma_start3A_121 : memref<1x128xi32, #tpu.memory_space<vmem>> -> memref<128xi32, #tpu.memory_space<vmem>>
        %dma_start3A_123 = arith.constant 0 : i32
        %dma_start3A_124 = arith.constant 0 : i32
        %dma_start3A_125 = tpu.memref_slice %arg10[%dma_start3A_123, %dma_start3A_124] : memref<10240x128xf32, #tpu.memory_space<vmem_shared>> -> memref<10240x128xf32, #tpu.memory_space<vmem_shared>>
        tpu.enqueue_indirect_dma source(%arg9 : memref<128x128xf32, #tpu.memory_space<vmem>>) target(%dma_start3A_125 : memref<10240x128xf32, #tpu.memory_space<vmem_shared>>) offsets(%dma_start3A_122 : memref<128xi32, #tpu.memory_space<vmem>>) semaphore(%run_scoped3A : memref<!tpu.dma_semaphore, #tpu.memory_space<semaphore_mem>>) {add = true}
        %dma_wait3A_126 = arith.constant 0 : i32
        %dma_wait3A_127 = tpu.memref_slice %arg7[%add3A_119, %dma_wait3A_126] : memref<40x128xi32, #tpu.memory_space<vmem>> -> memref<1x128xi32, #tpu.memory_space<vmem>>
        %dma_wait3A_128 = tpu.memref_squeeze %dma_wait3A_127 : memref<1x128xi32, #tpu.memory_space<vmem>> -> memref<128xi32, #tpu.memory_space<vmem>>
        %dma_wait3A_129 = arith.constant 0 : i32
        %dma_wait3A_130 = arith.constant 0 : i32
        %dma_wait3A_131 = tpu.memref_slice %arg10[%dma_wait3A_129, %dma_wait3A_130] : memref<10240x128xf32, #tpu.memory_space<vmem_shared>> -> memref<10240x128xf32, #tpu.memory_space<vmem_shared>>
        tpu.wait_indirect_dma semaphore(%run_scoped3A : memref<!tpu.dma_semaphore, #tpu.memory_space<semaphore_mem>>) src(%arg9 : memref<128x128xf32, #tpu.memory_space<vmem>>) dst(%dma_wait3A_131 : memref<10240x128xf32, #tpu.memory_space<vmem_shared>>)
        tpu.yield
      }) : () -> ()
    }
    %scan3A_36 = arith.constant 20 : i32
    %add3A_37 = arith.constant 40 : i32
    %add3A_38 = arith.addi %mul3A_2, %add3A_37 : i32
    "tpu.region"() ({
      %run_scoped3A = tpu.sem_alloc : memref<!tpu.dma_semaphore, #tpu.memory_space<semaphore_mem>>
      %dma_start3A_77 = arith.constant 0 : i32
      %dma_start3A_78 = tpu.memref_slice %arg3[%add3A_38, %dma_start3A_77] : memref<2560x128xi32, #tpu.memory_space<hbm>> -> memref<40x128xi32, #tpu.memory_space<hbm>>
      %dma_start3A_79 = arith.constant 0 : i32
      %dma_start3A_80 = tpu.memref_slice %arg3[%add3A_38, %dma_start3A_79] : memref<2560x128xi32, #tpu.memory_space<hbm>> -> memref<40x128xi32, #tpu.memory_space<hbm>>
      tpu.enqueue_dma source(%dma_start3A_80 : memref<40x128xi32, #tpu.memory_space<hbm>>) target(%arg6 : memref<40x128xi32, #tpu.memory_space<vmem>>) target_semaphore(%run_scoped3A : memref<!tpu.dma_semaphore, #tpu.memory_space<semaphore_mem>>)
      %dma_wait3A = arith.constant 0 : i32
      %dma_wait3A_81 = tpu.memref_slice %arg3[%add3A_38, %dma_wait3A] : memref<2560x128xi32, #tpu.memory_space<hbm>> -> memref<40x128xi32, #tpu.memory_space<hbm>>
      %dma_wait3A_82 = arith.constant 0 : i32
      %dma_wait3A_83 = tpu.memref_slice %arg3[%add3A_38, %dma_wait3A_82] : memref<2560x128xi32, #tpu.memory_space<hbm>> -> memref<40x128xi32, #tpu.memory_space<hbm>>
      tpu.wait_dma2 semaphore(%run_scoped3A : memref<!tpu.dma_semaphore, #tpu.memory_space<semaphore_mem>>) src(%dma_wait3A_83 : memref<40x128xi32, #tpu.memory_space<hbm>>) dst(%arg6 : memref<40x128xi32, #tpu.memory_space<vmem>>)
      tpu.yield
    }) : () -> ()
    %add3A_39 = arith.constant 40 : i32
    %add3A_40 = arith.addi %mul3A_2, %add3A_39 : i32
    "tpu.region"() ({
      %run_scoped3A = tpu.sem_alloc : memref<!tpu.dma_semaphore, #tpu.memory_space<semaphore_mem>>
      %dma_start3A_77 = arith.constant 0 : i32
      %dma_start3A_78 = tpu.memref_slice %arg4[%add3A_40, %dma_start3A_77] : memref<2560x128xi32, #tpu.memory_space<hbm>> -> memref<40x128xi32, #tpu.memory_space<hbm>>
      %dma_start3A_79 = arith.constant 0 : i32
      %dma_start3A_80 = tpu.memref_slice %arg4[%add3A_40, %dma_start3A_79] : memref<2560x128xi32, #tpu.memory_space<hbm>> -> memref<40x128xi32, #tpu.memory_space<hbm>>
      tpu.enqueue_dma source(%dma_start3A_80 : memref<40x128xi32, #tpu.memory_space<hbm>>) target(%arg7 : memref<40x128xi32, #tpu.memory_space<vmem>>) target_semaphore(%run_scoped3A : memref<!tpu.dma_semaphore, #tpu.memory_space<semaphore_mem>>)
      %dma_wait3A = arith.constant 0 : i32
      %dma_wait3A_81 = tpu.memref_slice %arg4[%add3A_40, %dma_wait3A] : memref<2560x128xi32, #tpu.memory_space<hbm>> -> memref<40x128xi32, #tpu.memory_space<hbm>>
      %dma_wait3A_82 = arith.constant 0 : i32
      %dma_wait3A_83 = tpu.memref_slice %arg4[%add3A_40, %dma_wait3A_82] : memref<2560x128xi32, #tpu.memory_space<hbm>> -> memref<40x128xi32, #tpu.memory_space<hbm>>
      tpu.wait_dma2 semaphore(%run_scoped3A : memref<!tpu.dma_semaphore, #tpu.memory_space<semaphore_mem>>) src(%dma_wait3A_83 : memref<40x128xi32, #tpu.memory_space<hbm>>) dst(%arg7 : memref<40x128xi32, #tpu.memory_space<vmem>>)
      tpu.yield
    }) : () -> ()
    %dma_start3A_41 = arith.constant 0 : i32
    %dma_start3A_42 = arith.constant 0 : i32
    %dma_start3A_43 = arith.constant 0 : i32
    %dma_start3A_44 = tpu.memref_slice %arg6[%dma_start3A_41, %dma_start3A_43] : memref<40x128xi32, #tpu.memory_space<vmem>> -> memref<1x128xi32, #tpu.memory_space<vmem>>
    %dma_start3A_45 = tpu.memref_squeeze %dma_start3A_44 : memref<1x128xi32, #tpu.memory_space<vmem>> -> memref<128xi32, #tpu.memory_space<vmem>>
    %dma_start3A_46 = arith.constant 0 : i32
    %dma_start3A_47 = arith.constant 0 : i32
    %dma_start3A_48 = tpu.memref_slice %arg2[%dma_start3A_46, %dma_start3A_47] : memref<10000x128xf32, #tpu.memory_space<hbm>> -> memref<10000x128xf32, #tpu.memory_space<hbm>>
    %dma_start3A_49 = tpu.memref_slice %arg11[%dma_start3A_42] : memref<2x!tpu.dma_semaphore, #tpu.memory_space<semaphore_mem>> -> memref<1x!tpu.dma_semaphore, #tpu.memory_space<semaphore_mem>>
    %dma_start3A_50 = tpu.memref_squeeze %dma_start3A_49 : memref<1x!tpu.dma_semaphore, #tpu.memory_space<semaphore_mem>> -> memref<!tpu.dma_semaphore, #tpu.memory_space<semaphore_mem>>
    tpu.enqueue_indirect_dma source(%dma_start3A_48 : memref<10000x128xf32, #tpu.memory_space<hbm>>) target(%arg8 : memref<128x128xf32, #tpu.memory_space<vmem>>) offsets(%dma_start3A_45 : memref<128xi32, #tpu.memory_space<vmem>>) semaphore(%dma_start3A_50 : memref<!tpu.dma_semaphore, #tpu.memory_space<semaphore_mem>>)
    %scan3A_51 = arith.constant 0 : i32
    %scan3A_52 = arith.constant 20 : i32
    %scan3A_53 = arith.addi %scan3A_51, %scan3A_52 : i32
    %scan3A_54 = arith.constant 1 : i32
    scf.for %scan3A_77 = %scan3A_51 to %scan3A_53 step %scan3A_54  : i32 {
      %mul3A_78 = arith.constant 1 : i32
      %mul3A_79 = arith.muli %scan3A_77, %mul3A_78 : i32
      %add3A_80 = arith.constant 0 : i32
      %add3A_81 = arith.addi %add3A_80, %mul3A_79 : i32
      %mul3A_82 = arith.constant 2 : i32
      %mul3A_83 = arith.muli %add3A_81, %mul3A_82 : i32
      %dma_wait3A = arith.constant 0 : i32
      %dma_wait3A_84 = arith.constant 0 : i32
      %dma_wait3A_85 = arith.constant 0 : i32
      %dma_wait3A_86 = tpu.memref_slice %arg6[%dma_wait3A, %dma_wait3A_85] : memref<40x128xi32, #tpu.memory_space<vmem>> -> memref<1x128xi32, #tpu.memory_space<vmem>>
      %dma_wait3A_87 = tpu.memref_squeeze %dma_wait3A_86 : memref<1x128xi32, #tpu.memory_space<vmem>> -> memref<128xi32, #tpu.memory_space<vmem>>
      %dma_wait3A_88 = arith.constant 0 : i32
      %dma_wait3A_89 = arith.constant 0 : i32
      %dma_wait3A_90 = tpu.memref_slice %arg2[%dma_wait3A_88, %dma_wait3A_89] : memref<10000x128xf32, #tpu.memory_space<hbm>> -> memref<10000x128xf32, #tpu.memory_space<hbm>>
      %dma_wait3A_91 = tpu.memref_slice %arg11[%dma_wait3A_84] : memref<2x!tpu.dma_semaphore, #tpu.memory_space<semaphore_mem>> -> memref<1x!tpu.dma_semaphore, #tpu.memory_space<semaphore_mem>>
      %dma_wait3A_92 = tpu.memref_squeeze %dma_wait3A_91 : memref<1x!tpu.dma_semaphore, #tpu.memory_space<semaphore_mem>> -> memref<!tpu.dma_semaphore, #tpu.memory_space<semaphore_mem>>
      tpu.wait_indirect_dma semaphore(%dma_wait3A_92 : memref<!tpu.dma_semaphore, #tpu.memory_space<semaphore_mem>>) src(%dma_wait3A_90 : memref<10000x128xf32, #tpu.memory_space<hbm>>) dst(%arg8 : memref<128x128xf32, #tpu.memory_space<vmem>>)
      %add3A_93 = arith.constant 1 : i32
      %add3A_94 = arith.addi %mul3A_83, %add3A_93 : i32
      %dma_start3A_95 = arith.constant 1 : i32
      %dma_start3A_96 = arith.constant 0 : i32
      %dma_start3A_97 = tpu.memref_slice %arg6[%add3A_94, %dma_start3A_96] : memref<40x128xi32, #tpu.memory_space<vmem>> -> memref<1x128xi32, #tpu.memory_space<vmem>>
      %dma_start3A_98 = tpu.memref_squeeze %dma_start3A_97 : memref<1x128xi32, #tpu.memory_space<vmem>> -> memref<128xi32, #tpu.memory_space<vmem>>
      %dma_start3A_99 = arith.constant 0 : i32
      %dma_start3A_100 = arith.constant 0 : i32
      %dma_start3A_101 = tpu.memref_slice %arg2[%dma_start3A_99, %dma_start3A_100] : memref<10000x128xf32, #tpu.memory_space<hbm>> -> memref<10000x128xf32, #tpu.memory_space<hbm>>
      %dma_start3A_102 = tpu.memref_slice %arg11[%dma_start3A_95] : memref<2x!tpu.dma_semaphore, #tpu.memory_space<semaphore_mem>> -> memref<1x!tpu.dma_semaphore, #tpu.memory_space<semaphore_mem>>
      %dma_start3A_103 = tpu.memref_squeeze %dma_start3A_102 : memref<1x!tpu.dma_semaphore, #tpu.memory_space<semaphore_mem>> -> memref<!tpu.dma_semaphore, #tpu.memory_space<semaphore_mem>>
      tpu.enqueue_indirect_dma source(%dma_start3A_101 : memref<10000x128xf32, #tpu.memory_space<hbm>>) target(%arg9 : memref<128x128xf32, #tpu.memory_space<vmem>>) offsets(%dma_start3A_98 : memref<128xi32, #tpu.memory_space<vmem>>) semaphore(%dma_start3A_103 : memref<!tpu.dma_semaphore, #tpu.memory_space<semaphore_mem>>)
      "tpu.region"() ({
        %run_scoped3A = tpu.sem_alloc : memref<!tpu.dma_semaphore, #tpu.memory_space<semaphore_mem>>
        %dma_start3A_120 = arith.constant 0 : i32
        %dma_start3A_121 = tpu.memref_slice %arg7[%mul3A_83, %dma_start3A_120] : memref<40x128xi32, #tpu.memory_space<vmem>> -> memref<1x128xi32, #tpu.memory_space<vmem>>
        %dma_start3A_122 = tpu.memref_squeeze %dma_start3A_121 : memref<1x128xi32, #tpu.memory_space<vmem>> -> memref<128xi32, #tpu.memory_space<vmem>>
        %dma_start3A_123 = arith.constant 0 : i32
        %dma_start3A_124 = arith.constant 0 : i32
        %dma_start3A_125 = tpu.memref_slice %arg10[%dma_start3A_123, %dma_start3A_124] : memref<10240x128xf32, #tpu.memory_space<vmem_shared>> -> memref<10240x128xf32, #tpu.memory_space<vmem_shared>>
        tpu.enqueue_indirect_dma source(%arg8 : memref<128x128xf32, #tpu.memory_space<vmem>>) target(%dma_start3A_125 : memref<10240x128xf32, #tpu.memory_space<vmem_shared>>) offsets(%dma_start3A_122 : memref<128xi32, #tpu.memory_space<vmem>>) semaphore(%run_scoped3A : memref<!tpu.dma_semaphore, #tpu.memory_space<semaphore_mem>>) {add = true}
        %dma_wait3A_126 = arith.constant 0 : i32
        %dma_wait3A_127 = tpu.memref_slice %arg7[%mul3A_83, %dma_wait3A_126] : memref<40x128xi32, #tpu.memory_space<vmem>> -> memref<1x128xi32, #tpu.memory_space<vmem>>
        %dma_wait3A_128 = tpu.memref_squeeze %dma_wait3A_127 : memref<1x128xi32, #tpu.memory_space<vmem>> -> memref<128xi32, #tpu.memory_space<vmem>>
        %dma_wait3A_129 = arith.constant 0 : i32
        %dma_wait3A_130 = arith.constant 0 : i32
        %dma_wait3A_131 = tpu.memref_slice %arg10[%dma_wait3A_129, %dma_wait3A_130] : memref<10240x128xf32, #tpu.memory_space<vmem_shared>> -> memref<10240x128xf32, #tpu.memory_space<vmem_shared>>
        tpu.wait_indirect_dma semaphore(%run_scoped3A : memref<!tpu.dma_semaphore, #tpu.memory_space<semaphore_mem>>) src(%arg8 : memref<128x128xf32, #tpu.memory_space<vmem>>) dst(%dma_wait3A_131 : memref<10240x128xf32, #tpu.memory_space<vmem_shared>>)
        tpu.yield
      }) : () -> ()
      %dma_wait3A_104 = arith.constant 0 : i32
      %dma_wait3A_105 = arith.constant 1 : i32
      %dma_wait3A_106 = arith.constant 0 : i32
      %dma_wait3A_107 = tpu.memref_slice %arg6[%dma_wait3A_104, %dma_wait3A_106] : memref<40x128xi32, #tpu.memory_space<vmem>> -> memref<1x128xi32, #tpu.memory_space<vmem>>
      %dma_wait3A_108 = tpu.memref_squeeze %dma_wait3A_107 : memref<1x128xi32, #tpu.memory_space<vmem>> -> memref<128xi32, #tpu.memory_space<vmem>>
      %dma_wait3A_109 = arith.constant 0 : i32
      %dma_wait3A_110 = arith.constant 0 : i32
      %dma_wait3A_111 = tpu.memref_slice %arg2[%dma_wait3A_109, %dma_wait3A_110] : memref<10000x128xf32, #tpu.memory_space<hbm>> -> memref<10000x128xf32, #tpu.memory_space<hbm>>
      %dma_wait3A_112 = tpu.memref_slice %arg11[%dma_wait3A_105] : memref<2x!tpu.dma_semaphore, #tpu.memory_space<semaphore_mem>> -> memref<1x!tpu.dma_semaphore, #tpu.memory_space<semaphore_mem>>
      %dma_wait3A_113 = tpu.memref_squeeze %dma_wait3A_112 : memref<1x!tpu.dma_semaphore, #tpu.memory_space<semaphore_mem>> -> memref<!tpu.dma_semaphore, #tpu.memory_space<semaphore_mem>>
      tpu.wait_indirect_dma semaphore(%dma_wait3A_113 : memref<!tpu.dma_semaphore, #tpu.memory_space<semaphore_mem>>) src(%dma_wait3A_111 : memref<10000x128xf32, #tpu.memory_space<hbm>>) dst(%arg9 : memref<128x128xf32, #tpu.memory_space<vmem>>)
      %add3A_114 = arith.constant 2 : i32
      %add3A_115 = arith.addi %mul3A_83, %add3A_114 : i32
      %lt3A = arith.constant 40 : i32
      %lt3A_116 = arith.cmpi slt, %add3A_115, %lt3A : i32
      %convert_element_type3A = arith.extui %lt3A_116 : i1 to i32
      %cond3A = arith.constant 0 : i32
      %cond3A_117 = arith.cmpi ne, %convert_element_type3A, %cond3A : i32
      scf.if %cond3A_117 {
        %add3A_120 = arith.constant 2 : i32
        %add3A_121 = arith.addi %mul3A_83, %add3A_120 : i32
        %dma_start3A_122 = arith.constant 0 : i32
        %dma_start3A_123 = arith.constant 0 : i32
        %dma_start3A_124 = tpu.memref_slice %arg6[%add3A_121, %dma_start3A_123] : memref<40x128xi32, #tpu.memory_space<vmem>> -> memref<1x128xi32, #tpu.memory_space<vmem>>
        %dma_start3A_125 = tpu.memref_squeeze %dma_start3A_124 : memref<1x128xi32, #tpu.memory_space<vmem>> -> memref<128xi32, #tpu.memory_space<vmem>>
        %dma_start3A_126 = arith.constant 0 : i32
        %dma_start3A_127 = arith.constant 0 : i32
        %dma_start3A_128 = tpu.memref_slice %arg2[%dma_start3A_126, %dma_start3A_127] : memref<10000x128xf32, #tpu.memory_space<hbm>> -> memref<10000x128xf32, #tpu.memory_space<hbm>>
        %dma_start3A_129 = tpu.memref_slice %arg11[%dma_start3A_122] : memref<2x!tpu.dma_semaphore, #tpu.memory_space<semaphore_mem>> -> memref<1x!tpu.dma_semaphore, #tpu.memory_space<semaphore_mem>>
        %dma_start3A_130 = tpu.memref_squeeze %dma_start3A_129 : memref<1x!tpu.dma_semaphore, #tpu.memory_space<semaphore_mem>> -> memref<!tpu.dma_semaphore, #tpu.memory_space<semaphore_mem>>
        tpu.enqueue_indirect_dma source(%dma_start3A_128 : memref<10000x128xf32, #tpu.memory_space<hbm>>) target(%arg8 : memref<128x128xf32, #tpu.memory_space<vmem>>) offsets(%dma_start3A_125 : memref<128xi32, #tpu.memory_space<vmem>>) semaphore(%dma_start3A_130 : memref<!tpu.dma_semaphore, #tpu.memory_space<semaphore_mem>>)
      } else {
      }
      %add3A_118 = arith.constant 1 : i32
      %add3A_119 = arith.addi %mul3A_83, %add3A_118 : i32
      "tpu.region"() ({
        %run_scoped3A = tpu.sem_alloc : memref<!tpu.dma_semaphore, #tpu.memory_space<semaphore_mem>>
        %dma_start3A_120 = arith.constant 0 : i32
        %dma_start3A_121 = tpu.memref_slice %arg7[%add3A_119, %dma_start3A_120] : memref<40x128xi32, #tpu.memory_space<vmem>> -> memref<1x128xi32, #tpu.memory_space<vmem>>
        %dma_start3A_122 = tpu.memref_squeeze %dma_start3A_121 : memref<1x128xi32, #tpu.memory_space<vmem>> -> memref<128xi32, #tpu.memory_space<vmem>>
        %dma_start3A_123 = arith.constant 0 : i32
        %dma_start3A_124 = arith.constant 0 : i32
        %dma_start3A_125 = tpu.memref_slice %arg10[%dma_start3A_123, %dma_start3A_124] : memref<10240x128xf32, #tpu.memory_space<vmem_shared>> -> memref<10240x128xf32, #tpu.memory_space<vmem_shared>>
        tpu.enqueue_indirect_dma source(%arg9 : memref<128x128xf32, #tpu.memory_space<vmem>>) target(%dma_start3A_125 : memref<10240x128xf32, #tpu.memory_space<vmem_shared>>) offsets(%dma_start3A_122 : memref<128xi32, #tpu.memory_space<vmem>>) semaphore(%run_scoped3A : memref<!tpu.dma_semaphore, #tpu.memory_space<semaphore_mem>>) {add = true}
        %dma_wait3A_126 = arith.constant 0 : i32
        %dma_wait3A_127 = tpu.memref_slice %arg7[%add3A_119, %dma_wait3A_126] : memref<40x128xi32, #tpu.memory_space<vmem>> -> memref<1x128xi32, #tpu.memory_space<vmem>>
        %dma_wait3A_128 = tpu.memref_squeeze %dma_wait3A_127 : memref<1x128xi32, #tpu.memory_space<vmem>> -> memref<128xi32, #tpu.memory_space<vmem>>
        %dma_wait3A_129 = arith.constant 0 : i32
        %dma_wait3A_130 = arith.constant 0 : i32
        %dma_wait3A_131 = tpu.memref_slice %arg10[%dma_wait3A_129, %dma_wait3A_130] : memref<10240x128xf32, #tpu.memory_space<vmem_shared>> -> memref<10240x128xf32, #tpu.memory_space<vmem_shared>>
        tpu.wait_indirect_dma semaphore(%run_scoped3A : memref<!tpu.dma_semaphore, #tpu.memory_space<semaphore_mem>>) src(%arg9 : memref<128x128xf32, #tpu.memory_space<vmem>>) dst(%dma_wait3A_131 : memref<10240x128xf32, #tpu.memory_space<vmem_shared>>)
        tpu.yield
      }) : () -> ()
    }
    %scan3A_55 = arith.constant 20 : i32
    %barrier3A_56 = arith.constant 0 : index
    tpu.barrier barrier_id(%barrier3A_56)
    %add3A_57 = arith.constant 0 : i32
    %add3A_58 = arith.addi %mul3A_8, %add3A_57 : i32
    %add3A_59 = arith.constant 0 : i32
    %add3A_60 = arith.addi %mul3A_8, %add3A_59 : i32
    "tpu.region"() ({
      %run_scoped3A = tpu.sem_alloc : memref<!tpu.dma_semaphore, #tpu.memory_space<semaphore_mem>>
      %dma_start3A_77 = arith.constant 0 : i32
      %dma_start3A_78 = tpu.memref_slice %arg5[%arg0, %add3A_60, %dma_start3A_77] : memref<2x10240x128xf32, #tpu.memory_space<hbm>> -> memref<1x128x128xf32, #tpu.memory_space<hbm>>
      %dma_start3A_79 = tpu.memref_squeeze %dma_start3A_78 : memref<1x128x128xf32, #tpu.memory_space<hbm>> -> memref<128x128xf32, #tpu.memory_space<hbm>>
      %dma_start3A_80 = arith.constant 0 : i32
      %dma_start3A_81 = tpu.memref_slice %arg10[%add3A_58, %dma_start3A_80] : memref<10240x128xf32, #tpu.memory_space<vmem_shared>> -> memref<128x128xf32, #tpu.memory_space<vmem_shared>>
      tpu.enqueue_dma source(%dma_start3A_81 : memref<128x128xf32, #tpu.memory_space<vmem_shared>>) target(%dma_start3A_79 : memref<128x128xf32, #tpu.memory_space<hbm>>) target_semaphore(%run_scoped3A : memref<!tpu.dma_semaphore, #tpu.memory_space<semaphore_mem>>)
      %dma_wait3A = arith.constant 0 : i32
      %dma_wait3A_82 = tpu.memref_slice %arg5[%arg0, %add3A_60, %dma_wait3A] : memref<2x10240x128xf32, #tpu.memory_space<hbm>> -> memref<1x128x128xf32, #tpu.memory_space<hbm>>
      %dma_wait3A_83 = tpu.memref_squeeze %dma_wait3A_82 : memref<1x128x128xf32, #tpu.memory_space<hbm>> -> memref<128x128xf32, #tpu.memory_space<hbm>>
      %dma_wait3A_84 = arith.constant 0 : i32
      %dma_wait3A_85 = tpu.memref_slice %arg10[%add3A_58, %dma_wait3A_84] : memref<10240x128xf32, #tpu.memory_space<vmem_shared>> -> memref<128x128xf32, #tpu.memory_space<vmem_shared>>
      tpu.wait_dma2 semaphore(%run_scoped3A : memref<!tpu.dma_semaphore, #tpu.memory_space<semaphore_mem>>) src(%dma_wait3A_85 : memref<128x128xf32, #tpu.memory_space<vmem_shared>>) dst(%dma_wait3A_83 : memref<128x128xf32, #tpu.memory_space<hbm>>)
      tpu.yield
    }) : () -> ()
    %add3A_61 = arith.constant 128 : i32
    %add3A_62 = arith.addi %mul3A_8, %add3A_61 : i32
    %add3A_63 = arith.constant 128 : i32
    %add3A_64 = arith.addi %mul3A_8, %add3A_63 : i32
    "tpu.region"() ({
      %run_scoped3A = tpu.sem_alloc : memref<!tpu.dma_semaphore, #tpu.memory_space<semaphore_mem>>
      %dma_start3A_77 = arith.constant 0 : i32
      %dma_start3A_78 = tpu.memref_slice %arg5[%arg0, %add3A_64, %dma_start3A_77] : memref<2x10240x128xf32, #tpu.memory_space<hbm>> -> memref<1x128x128xf32, #tpu.memory_space<hbm>>
      %dma_start3A_79 = tpu.memref_squeeze %dma_start3A_78 : memref<1x128x128xf32, #tpu.memory_space<hbm>> -> memref<128x128xf32, #tpu.memory_space<hbm>>
      %dma_start3A_80 = arith.constant 0 : i32
      %dma_start3A_81 = tpu.memref_slice %arg10[%add3A_62, %dma_start3A_80] : memref<10240x128xf32, #tpu.memory_space<vmem_shared>> -> memref<128x128xf32, #tpu.memory_space<vmem_shared>>
      tpu.enqueue_dma source(%dma_start3A_81 : memref<128x128xf32, #tpu.memory_space<vmem_shared>>) target(%dma_start3A_79 : memref<128x128xf32, #tpu.memory_space<hbm>>) target_semaphore(%run_scoped3A : memref<!tpu.dma_semaphore, #tpu.memory_space<semaphore_mem>>)
      %dma_wait3A = arith.constant 0 : i32
      %dma_wait3A_82 = tpu.memref_slice %arg5[%arg0, %add3A_64, %dma_wait3A] : memref<2x10240x128xf32, #tpu.memory_space<hbm>> -> memref<1x128x128xf32, #tpu.memory_space<hbm>>
      %dma_wait3A_83 = tpu.memref_squeeze %dma_wait3A_82 : memref<1x128x128xf32, #tpu.memory_space<hbm>> -> memref<128x128xf32, #tpu.memory_space<hbm>>
      %dma_wait3A_84 = arith.constant 0 : i32
      %dma_wait3A_85 = tpu.memref_slice %arg10[%add3A_62, %dma_wait3A_84] : memref<10240x128xf32, #tpu.memory_space<vmem_shared>> -> memref<128x128xf32, #tpu.memory_space<vmem_shared>>
      tpu.wait_dma2 semaphore(%run_scoped3A : memref<!tpu.dma_semaphore, #tpu.memory_space<semaphore_mem>>) src(%dma_wait3A_85 : memref<128x128xf32, #tpu.memory_space<vmem_shared>>) dst(%dma_wait3A_83 : memref<128x128xf32, #tpu.memory_space<hbm>>)
      tpu.yield
    }) : () -> ()
    %add3A_65 = arith.constant 256 : i32
    %add3A_66 = arith.addi %mul3A_8, %add3A_65 : i32
    %add3A_67 = arith.constant 256 : i32
    %add3A_68 = arith.addi %mul3A_8, %add3A_67 : i32
    "tpu.region"() ({
      %run_scoped3A = tpu.sem_alloc : memref<!tpu.dma_semaphore, #tpu.memory_space<semaphore_mem>>
      %dma_start3A_77 = arith.constant 0 : i32
      %dma_start3A_78 = tpu.memref_slice %arg5[%arg0, %add3A_68, %dma_start3A_77] : memref<2x10240x128xf32, #tpu.memory_space<hbm>> -> memref<1x128x128xf32, #tpu.memory_space<hbm>>
      %dma_start3A_79 = tpu.memref_squeeze %dma_start3A_78 : memref<1x128x128xf32, #tpu.memory_space<hbm>> -> memref<128x128xf32, #tpu.memory_space<hbm>>
      %dma_start3A_80 = arith.constant 0 : i32
      %dma_start3A_81 = tpu.memref_slice %arg10[%add3A_66, %dma_start3A_80] : memref<10240x128xf32, #tpu.memory_space<vmem_shared>> -> memref<128x128xf32, #tpu.memory_space<vmem_shared>>
      tpu.enqueue_dma source(%dma_start3A_81 : memref<128x128xf32, #tpu.memory_space<vmem_shared>>) target(%dma_start3A_79 : memref<128x128xf32, #tpu.memory_space<hbm>>) target_semaphore(%run_scoped3A : memref<!tpu.dma_semaphore, #tpu.memory_space<semaphore_mem>>)
      %dma_wait3A = arith.constant 0 : i32
      %dma_wait3A_82 = tpu.memref_slice %arg5[%arg0, %add3A_68, %dma_wait3A] : memref<2x10240x128xf32, #tpu.memory_space<hbm>> -> memref<1x128x128xf32, #tpu.memory_space<hbm>>
      %dma_wait3A_83 = tpu.memref_squeeze %dma_wait3A_82 : memref<1x128x128xf32, #tpu.memory_space<hbm>> -> memref<128x128xf32, #tpu.memory_space<hbm>>
      %dma_wait3A_84 = arith.constant 0 : i32
      %dma_wait3A_85 = tpu.memref_slice %arg10[%add3A_66, %dma_wait3A_84] : memref<10240x128xf32, #tpu.memory_space<vmem_shared>> -> memref<128x128xf32, #tpu.memory_space<vmem_shared>>
      tpu.wait_dma2 semaphore(%run_scoped3A : memref<!tpu.dma_semaphore, #tpu.memory_space<semaphore_mem>>) src(%dma_wait3A_85 : memref<128x128xf32, #tpu.memory_space<vmem_shared>>) dst(%dma_wait3A_83 : memref<128x128xf32, #tpu.memory_space<hbm>>)
      tpu.yield
    }) : () -> ()
    %add3A_69 = arith.constant 384 : i32
    %add3A_70 = arith.addi %mul3A_8, %add3A_69 : i32
    %add3A_71 = arith.constant 384 : i32
    %add3A_72 = arith.addi %mul3A_8, %add3A_71 : i32
    "tpu.region"() ({
      %run_scoped3A = tpu.sem_alloc : memref<!tpu.dma_semaphore, #tpu.memory_space<semaphore_mem>>
      %dma_start3A_77 = arith.constant 0 : i32
      %dma_start3A_78 = tpu.memref_slice %arg5[%arg0, %add3A_72, %dma_start3A_77] : memref<2x10240x128xf32, #tpu.memory_space<hbm>> -> memref<1x128x128xf32, #tpu.memory_space<hbm>>
      %dma_start3A_79 = tpu.memref_squeeze %dma_start3A_78 : memref<1x128x128xf32, #tpu.memory_space<hbm>> -> memref<128x128xf32, #tpu.memory_space<hbm>>
      %dma_start3A_80 = arith.constant 0 : i32
      %dma_start3A_81 = tpu.memref_slice %arg10[%add3A_70, %dma_start3A_80] : memref<10240x128xf32, #tpu.memory_space<vmem_shared>> -> memref<128x128xf32, #tpu.memory_space<vmem_shared>>
      tpu.enqueue_dma source(%dma_start3A_81 : memref<128x128xf32, #tpu.memory_space<vmem_shared>>) target(%dma_start3A_79 : memref<128x128xf32, #tpu.memory_space<hbm>>) target_semaphore(%run_scoped3A : memref<!tpu.dma_semaphore, #tpu.memory_space<semaphore_mem>>)
      %dma_wait3A = arith.constant 0 : i32
      %dma_wait3A_82 = tpu.memref_slice %arg5[%arg0, %add3A_72, %dma_wait3A] : memref<2x10240x128xf32, #tpu.memory_space<hbm>> -> memref<1x128x128xf32, #tpu.memory_space<hbm>>
      %dma_wait3A_83 = tpu.memref_squeeze %dma_wait3A_82 : memref<1x128x128xf32, #tpu.memory_space<hbm>> -> memref<128x128xf32, #tpu.memory_space<hbm>>
      %dma_wait3A_84 = arith.constant 0 : i32
      %dma_wait3A_85 = tpu.memref_slice %arg10[%add3A_70, %dma_wait3A_84] : memref<10240x128xf32, #tpu.memory_space<vmem_shared>> -> memref<128x128xf32, #tpu.memory_space<vmem_shared>>
      tpu.wait_dma2 semaphore(%run_scoped3A : memref<!tpu.dma_semaphore, #tpu.memory_space<semaphore_mem>>) src(%dma_wait3A_85 : memref<128x128xf32, #tpu.memory_space<vmem_shared>>) dst(%dma_wait3A_83 : memref<128x128xf32, #tpu.memory_space<hbm>>)
      tpu.yield
    }) : () -> ()
    %add3A_73 = arith.constant 512 : i32
    %add3A_74 = arith.addi %mul3A_8, %add3A_73 : i32
    %add3A_75 = arith.constant 512 : i32
    %add3A_76 = arith.addi %mul3A_8, %add3A_75 : i32
    "tpu.region"() ({
      %run_scoped3A = tpu.sem_alloc : memref<!tpu.dma_semaphore, #tpu.memory_space<semaphore_mem>>
      %dma_start3A_77 = arith.constant 0 : i32
      %dma_start3A_78 = tpu.memref_slice %arg5[%arg0, %add3A_76, %dma_start3A_77] : memref<2x10240x128xf32, #tpu.memory_space<hbm>> -> memref<1x128x128xf32, #tpu.memory_space<hbm>>
      %dma_start3A_79 = tpu.memref_squeeze %dma_start3A_78 : memref<1x128x128xf32, #tpu.memory_space<hbm>> -> memref<128x128xf32, #tpu.memory_space<hbm>>
      %dma_start3A_80 = arith.constant 0 : i32
      %dma_start3A_81 = tpu.memref_slice %arg10[%add3A_74, %dma_start3A_80] : memref<10240x128xf32, #tpu.memory_space<vmem_shared>> -> memref<128x128xf32, #tpu.memory_space<vmem_shared>>
      tpu.enqueue_dma source(%dma_start3A_81 : memref<128x128xf32, #tpu.memory_space<vmem_shared>>) target(%dma_start3A_79 : memref<128x128xf32, #tpu.memory_space<hbm>>) target_semaphore(%run_scoped3A : memref<!tpu.dma_semaphore, #tpu.memory_space<semaphore_mem>>)
      %dma_wait3A = arith.constant 0 : i32
      %dma_wait3A_82 = tpu.memref_slice %arg5[%arg0, %add3A_76, %dma_wait3A] : memref<2x10240x128xf32, #tpu.memory_space<hbm>> -> memref<1x128x128xf32, #tpu.memory_space<hbm>>
      %dma_wait3A_83 = tpu.memref_squeeze %dma_wait3A_82 : memref<1x128x128xf32, #tpu.memory_space<hbm>> -> memref<128x128xf32, #tpu.memory_space<hbm>>
      %dma_wait3A_84 = arith.constant 0 : i32
      %dma_wait3A_85 = tpu.memref_slice %arg10[%add3A_74, %dma_wait3A_84] : memref<10240x128xf32, #tpu.memory_space<vmem_shared>> -> memref<128x128xf32, #tpu.memory_space<vmem_shared>>
      tpu.wait_dma2 semaphore(%run_scoped3A : memref<!tpu.dma_semaphore, #tpu.memory_space<semaphore_mem>>) src(%dma_wait3A_85 : memref<128x128xf32, #tpu.memory_space<vmem_shared>>) dst(%dma_wait3A_83 : memref<128x128xf32, #tpu.memory_space<hbm>>)
      tpu.yield
    }) : () -> ()
    return
  }
}

module attributes {stable_mosaic.version = 14 : i64} {
  func.func @body(%arg0: i32, %arg1: memref<1000x128xf32, #tpu.memory_space<vmem>>, %arg2: memref<1000x32xf32, #tpu.memory_space<vmem>>, %arg3: memref<128x128xf32, #tpu.memory_space<vmem>>, %arg4: memref<1000x128xf32, #tpu.memory_space<vmem>>) attributes {dimension_semantics = [#tpu.dimension_semantics<arbitrary>], iteration_bounds = array<i64: 10>, scalar_prefetch = 0 : i64, scratch_operands = 0 : i64, tpu.core_type = #tpu.core_type<tc>, window_params = [{transform_indices = @transform_0, window_bounds = array<i64: 1000, 128>}, {transform_indices = @transform_1, window_bounds = array<i64: 1000, 32>}, {pipeline_mode = #tpu.pipeline_mode<synchronous>, transform_indices = @transform_2, window_bounds = array<i64: 128, 128>}, {transform_indices = @transform_3, window_bounds = array<i64: 1000, 128>}]} {
    %get3A = arith.constant 0 : index
    %get3A_0 = arith.constant 0 : index
    %get3A_1 = vector.load %arg2[%get3A, %get3A_0] : memref<1000x32xf32, #tpu.memory_space<vmem>>, vector<1000x32xf32>
    %reduce_sum3A = arith.constant dense<0.000000e+00> : vector<1000xf32>
    %reduce_sum3A_2 = vector.multi_reduction <add>, %get3A_1, %reduce_sum3A [1] : vector<1000x32xf32> to vector<1000xf32>
    %broadcast_in_dim3A = vector.shape_cast %reduce_sum3A_2 : vector<1000xf32> to vector<1000x1xf32>
    %max3A = arith.constant 1.000000e+00 : f32
    %max3A_3 = vector.broadcast %max3A : f32 to vector<1000x1xf32>
    %max3A_4 = arith.maximumf %broadcast_in_dim3A, %max3A_3 : vector<1000x1xf32>
    %rsqrt3A = math.rsqrt %max3A_4 : vector<1000x1xf32>
    %get3A_5 = arith.constant 0 : index
    %get3A_6 = arith.constant 0 : index
    %get3A_7 = vector.load %arg1[%get3A_5, %get3A_6] : memref<1000x128xf32, #tpu.memory_space<vmem>>, vector<1000x128xf32>
    %mul3A = vector.broadcast %rsqrt3A : vector<1000x1xf32> to vector<1000x128xf32>
    %mul3A_8 = arith.mulf %get3A_7, %mul3A : vector<1000x128xf32>
    %get3A_9 = arith.constant 0 : index
    %get3A_10 = arith.constant 0 : index
    %get3A_11 = vector.load %arg3[%get3A_9, %get3A_10] : memref<128x128xf32, #tpu.memory_space<vmem>>, vector<128x128xf32>
    %dot_general3A = arith.constant dense<0.000000e+00> : vector<1000x128xf32>
    %dot_general3A_12 = tpu.matmul %mul3A_8, %get3A_11, %dot_general3A {dimension_numbers = #tpu.dot_dimension_numbers<[1], [0], [0], [1], [0, 0, 1, 1], [], []>, transpose_lhs_hint = false} : vector<1000x128xf32>, vector<128x128xf32>, vector<1000x128xf32> -> vector<1000x128xf32>
    %swap3A = arith.constant 0 : index
    %swap3A_13 = arith.constant 0 : index
    %swap3A_14 = vector.load %arg4[%swap3A, %swap3A_13] : memref<1000x128xf32, #tpu.memory_space<vmem>>, vector<1000x128xf32>
    tpu.vector_store %arg4[%swap3A, %swap3A_13], %dot_general3A_12 {strides = array<i32>} : memref<1000x128xf32, #tpu.memory_space<vmem>>, vector<1000x128xf32>,
    return
  }
  func.func @transform_0(%arg0: i32) -> (i32, i32) {
    %c0_i32 = arith.constant 0 : i32
    %c0_i32_0 = arith.constant 0 : i32
    return %arg0, %c0_i32 : i32, i32
  }
  func.func @transform_1(%arg0: i32) -> (i32, i32) {
    %c0_i32 = arith.constant 0 : i32
    %c0_i32_0 = arith.constant 0 : i32
    return %arg0, %c0_i32 : i32, i32
  }
  func.func @transform_2(%arg0: i32) -> (i32, i32) {
    %c0_i32 = arith.constant 0 : i32
    %c0_i32_0 = arith.constant 0 : i32
    %c0_i32_1 = arith.constant 0 : i32
    return %c0_i32, %c0_i32_0 : i32, i32
  }
  func.func @transform_3(%arg0: i32) -> (i32, i32) {
    %c0_i32 = arith.constant 0 : i32
    %c0_i32_0 = arith.constant 0 : i32
    return %arg0, %c0_i32 : i32, i32
  }
}

module attributes {stable_mosaic.version = 14 : i64} {
  func.func @body(%arg0: i32, %arg1: memref<2x1000x128xf32, #tpu.memory_space<vmem>>, %arg2: memref<1000x32xf32, #tpu.memory_space<vmem>>, %arg3: memref<1x128xf32, #tpu.memory_space<vmem>>, %arg4: memref<1000x128xf32, #tpu.memory_space<vmem>>) attributes {dimension_semantics = [#tpu.dimension_semantics<arbitrary>], iteration_bounds = array<i64: 10>, scalar_prefetch = 0 : i64, scratch_operands = 0 : i64, tpu.core_type = #tpu.core_type<tc>, window_params = [{transform_indices = @transform_0, window_bounds = array<i64: 2, 1000, 128>}, {transform_indices = @transform_1, window_bounds = array<i64: 1000, 32>}, {pipeline_mode = #tpu.pipeline_mode<synchronous>, transform_indices = @transform_2, window_bounds = array<i64: 1, 128>}, {transform_indices = @transform_3, window_bounds = array<i64: 1000, 128>}]} {
    %get3A = arith.constant 0 : index
    %get3A_0 = arith.constant 0 : index
    %get3A_1 = vector.load %arg2[%get3A, %get3A_0] : memref<1000x32xf32, #tpu.memory_space<vmem>>, vector<1000x32xf32>
    %reduce_sum3A = arith.constant dense<0.000000e+00> : vector<1000xf32>
    %reduce_sum3A_2 = vector.multi_reduction <add>, %get3A_1, %reduce_sum3A [1] : vector<1000x32xf32> to vector<1000xf32>
    %broadcast_in_dim3A = vector.shape_cast %reduce_sum3A_2 : vector<1000xf32> to vector<1000x1xf32>
    %max3A = arith.constant 1.000000e+00 : f32
    %max3A_3 = vector.broadcast %max3A : f32 to vector<1000x1xf32>
    %max3A_4 = arith.maximumf %broadcast_in_dim3A, %max3A_3 : vector<1000x1xf32>
    %rsqrt3A = math.rsqrt %max3A_4 : vector<1000x1xf32>
    %get3A_5 = arith.constant 0 : index
    %get3A_6 = arith.constant 0 : index
    %get3A_7 = arith.constant 0 : index
    %get3A_8 = vector.load %arg1[%get3A_5, %get3A_6, %get3A_7] : memref<2x1000x128xf32, #tpu.memory_space<vmem>>, vector<1x1000x128xf32>
    %get3A_9 = vector.shape_cast %get3A_8 : vector<1x1000x128xf32> to vector<1000x128xf32>
    %get3A_10 = arith.constant 1 : index
    %get3A_11 = arith.constant 0 : index
    %get3A_12 = arith.constant 0 : index
    %get3A_13 = vector.load %arg1[%get3A_10, %get3A_11, %get3A_12] : memref<2x1000x128xf32, #tpu.memory_space<vmem>>, vector<1x1000x128xf32>
    %get3A_14 = vector.shape_cast %get3A_13 : vector<1x1000x128xf32> to vector<1000x128xf32>
    %add3A = arith.addf %get3A_9, %get3A_14 : vector<1000x128xf32>
    %get3A_15 = arith.constant 0 : index
    %get3A_16 = arith.constant 0 : index
    %get3A_17 = vector.load %arg3[%get3A_15, %get3A_16] : memref<1x128xf32, #tpu.memory_space<vmem>>, vector<1x128xf32>
    %add3A_18 = vector.broadcast %get3A_17 : vector<1x128xf32> to vector<1000x128xf32>
    %add3A_19 = arith.addf %add3A, %add3A_18 : vector<1000x128xf32>
    %mul3A = vector.broadcast %rsqrt3A : vector<1000x1xf32> to vector<1000x128xf32>
    %mul3A_20 = arith.mulf %add3A_19, %mul3A : vector<1000x128xf32>
    %swap3A = arith.constant 0 : index
    %swap3A_21 = arith.constant 0 : index
    %swap3A_22 = vector.load %arg4[%swap3A, %swap3A_21] : memref<1000x128xf32, #tpu.memory_space<vmem>>, vector<1000x128xf32>
    tpu.vector_store %arg4[%swap3A, %swap3A_21], %mul3A_20 {strides = array<i32>} : memref<1000x128xf32, #tpu.memory_space<vmem>>, vector<1000x128xf32>,
    return
  }
  func.func @transform_0(%arg0: i32) -> (i32, i32, i32) {
    %c0_i32 = arith.constant 0 : i32
    %c0_i32_0 = arith.constant 0 : i32
    %c0_i32_1 = arith.constant 0 : i32
    return %c0_i32, %arg0, %c0_i32_0 : i32, i32, i32
  }
  func.func @transform_1(%arg0: i32) -> (i32, i32) {
    %c0_i32 = arith.constant 0 : i32
    %c0_i32_0 = arith.constant 0 : i32
    return %arg0, %c0_i32 : i32, i32
  }
  func.func @transform_2(%arg0: i32) -> (i32, i32) {
    %c0_i32 = arith.constant 0 : i32
    %c0_i32_0 = arith.constant 0 : i32
    %c0_i32_1 = arith.constant 0 : i32
    return %c0_i32, %c0_i32_0 : i32, i32
  }
  func.func @transform_3(%arg0: i32) -> (i32, i32) {
    %c0_i32 = arith.constant 0 : i32
    %c0_i32_0 = arith.constant 0 : i32
    return %arg0, %c0_i32 : i32, i32
  }
}

module attributes {stable_mosaic.version = 14 : i64} {
  func.func @body(%arg0: i32, %arg1: memref<2x1000x128xf32, #tpu.memory_space<vmem>>, %arg2: memref<1000x32xf32, #tpu.memory_space<vmem>>, %arg3: memref<1000x32xf32, #tpu.memory_space<vmem>>, %arg4: memref<1x128xf32, #tpu.memory_space<vmem>>, %arg5: memref<1x128xf32, #tpu.memory_space<vmem>>, %arg6: memref<1x128xf32, #tpu.memory_space<vmem>>, %arg7: memref<1x1xf32, #tpu.memory_space<smem>>, %arg8: memref<128x128xf32, #tpu.memory_space<vmem>>, %arg9: memref<1000x128xf32, #tpu.memory_space<vmem>>) attributes {dimension_semantics = [#tpu.dimension_semantics<arbitrary>], iteration_bounds = array<i64: 10>, scalar_prefetch = 0 : i64, scratch_operands = 0 : i64, tpu.core_type = #tpu.core_type<tc>, window_params = [{transform_indices = @transform_0, window_bounds = array<i64: 2, 1000, 128>}, {transform_indices = @transform_1, window_bounds = array<i64: 1000, 32>}, {transform_indices = @transform_2, window_bounds = array<i64: 1000, 32>}, {pipeline_mode = #tpu.pipeline_mode<synchronous>, transform_indices = @transform_3, window_bounds = array<i64: 1, 128>}, {pipeline_mode = #tpu.pipeline_mode<synchronous>, transform_indices = @transform_4, window_bounds = array<i64: 1, 128>}, {pipeline_mode = #tpu.pipeline_mode<synchronous>, transform_indices = @transform_5, window_bounds = array<i64: 1, 128>}, {transform_indices = @transform_6, window_bounds = array<i64: 1, 1>}, {pipeline_mode = #tpu.pipeline_mode<synchronous>, transform_indices = @transform_7, window_bounds = array<i64: 128, 128>}, {transform_indices = @transform_8, window_bounds = array<i64: 1000, 128>}]} {
    %get3A = arith.constant 0 : index
    %get3A_0 = arith.constant 0 : index
    %get3A_1 = vector.load %arg2[%get3A, %get3A_0] : memref<1000x32xf32, #tpu.memory_space<vmem>>, vector<1000x32xf32>
    %reduce_sum3A = arith.constant dense<0.000000e+00> : vector<1000xf32>
    %reduce_sum3A_2 = vector.multi_reduction <add>, %get3A_1, %reduce_sum3A [1] : vector<1000x32xf32> to vector<1000xf32>
    %broadcast_in_dim3A = vector.shape_cast %reduce_sum3A_2 : vector<1000xf32> to vector<1000x1xf32>
    %max3A = arith.constant 1.000000e+00 : f32
    %max3A_3 = vector.broadcast %max3A : f32 to vector<1000x1xf32>
    %max3A_4 = arith.maximumf %broadcast_in_dim3A, %max3A_3 : vector<1000x1xf32>
    %rsqrt3A = math.rsqrt %max3A_4 : vector<1000x1xf32>
    %get3A_5 = arith.constant 0 : index
    %get3A_6 = arith.constant 0 : index
    %get3A_7 = arith.constant 0 : index
    %get3A_8 = vector.load %arg1[%get3A_5, %get3A_6, %get3A_7] : memref<2x1000x128xf32, #tpu.memory_space<vmem>>, vector<1x1000x128xf32>
    %get3A_9 = vector.shape_cast %get3A_8 : vector<1x1000x128xf32> to vector<1000x128xf32>
    %get3A_10 = arith.constant 1 : index
    %get3A_11 = arith.constant 0 : index
    %get3A_12 = arith.constant 0 : index
    %get3A_13 = vector.load %arg1[%get3A_10, %get3A_11, %get3A_12] : memref<2x1000x128xf32, #tpu.memory_space<vmem>>, vector<1x1000x128xf32>
    %get3A_14 = vector.shape_cast %get3A_13 : vector<1x1000x128xf32> to vector<1000x128xf32>
    %add3A = arith.addf %get3A_9, %get3A_14 : vector<1000x128xf32>
    %get3A_15 = arith.constant 0 : index
    %get3A_16 = arith.constant 0 : index
    %get3A_17 = vector.load %arg4[%get3A_15, %get3A_16] : memref<1x128xf32, #tpu.memory_space<vmem>>, vector<1x128xf32>
    %add3A_18 = vector.broadcast %get3A_17 : vector<1x128xf32> to vector<1000x128xf32>
    %add3A_19 = arith.addf %add3A, %add3A_18 : vector<1000x128xf32>
    %mul3A = vector.broadcast %rsqrt3A : vector<1000x1xf32> to vector<1000x128xf32>
    %mul3A_20 = arith.mulf %add3A_19, %mul3A : vector<1000x128xf32>
    %reduce_sum3A_21 = arith.constant dense<0.000000e+00> : vector<1000xf32>
    %reduce_sum3A_22 = vector.multi_reduction <add>, %mul3A_20, %reduce_sum3A_21 [1] : vector<1000x128xf32> to vector<1000xf32>
    %broadcast_in_dim3A_23 = vector.shape_cast %reduce_sum3A_22 : vector<1000xf32> to vector<1000x1xf32>
    %div3A = arith.constant 1.280000e+02 : f32
    %div3A_24 = vector.broadcast %div3A : f32 to vector<1000x1xf32>
    %div3A_25 = arith.divf %broadcast_in_dim3A_23, %div3A_24 : vector<1000x1xf32>
    %sub3A = vector.broadcast %div3A_25 : vector<1000x1xf32> to vector<1000x128xf32>
    %sub3A_26 = arith.subf %mul3A_20, %sub3A : vector<1000x128xf32>
    %integer_pow3A = arith.mulf %sub3A_26, %sub3A_26 : vector<1000x128xf32>
    %reduce_sum3A_27 = arith.constant dense<0.000000e+00> : vector<1000xf32>
    %reduce_sum3A_28 = vector.multi_reduction <add>, %integer_pow3A, %reduce_sum3A_27 [1] : vector<1000x128xf32> to vector<1000xf32>
    %broadcast_in_dim3A_29 = vector.shape_cast %reduce_sum3A_28 : vector<1000xf32> to vector<1000x1xf32>
    %div3A_30 = arith.constant 1.280000e+02 : f32
    %div3A_31 = vector.broadcast %div3A_30 : f32 to vector<1000x1xf32>
    %div3A_32 = arith.divf %broadcast_in_dim3A_29, %div3A_31 : vector<1000x1xf32>
    %sub3A_33 = vector.broadcast %div3A_25 : vector<1000x1xf32> to vector<1000x128xf32>
    %sub3A_34 = arith.subf %mul3A_20, %sub3A_33 : vector<1000x128xf32>
    %add3A_35 = arith.constant 9.99999974E-6 : f32
    %add3A_36 = vector.broadcast %add3A_35 : f32 to vector<1000x1xf32>
    %add3A_37 = arith.addf %div3A_32, %add3A_36 : vector<1000x1xf32>
    %rsqrt3A_38 = math.rsqrt %add3A_37 : vector<1000x1xf32>
    %mul3A_39 = vector.broadcast %rsqrt3A_38 : vector<1000x1xf32> to vector<1000x128xf32>
    %mul3A_40 = arith.mulf %sub3A_34, %mul3A_39 : vector<1000x128xf32>
    %get3A_41 = arith.constant 0 : index
    %get3A_42 = arith.constant 0 : index
    %get3A_43 = vector.load %arg5[%get3A_41, %get3A_42] : memref<1x128xf32, #tpu.memory_space<vmem>>, vector<1x128xf32>
    %mul3A_44 = vector.broadcast %get3A_43 : vector<1x128xf32> to vector<1000x128xf32>
    %mul3A_45 = arith.mulf %mul3A_40, %mul3A_44 : vector<1000x128xf32>
    %get3A_46 = arith.constant 0 : index
    %get3A_47 = arith.constant 0 : index
    %get3A_48 = vector.load %arg6[%get3A_46, %get3A_47] : memref<1x128xf32, #tpu.memory_space<vmem>>, vector<1x128xf32>
    %add3A_49 = vector.broadcast %get3A_48 : vector<1x128xf32> to vector<1000x128xf32>
    %add3A_50 = arith.addf %mul3A_45, %add3A_49 : vector<1000x128xf32>
    %gt3A = arith.constant 0.000000e+00 : f32
    %gt3A_51 = vector.broadcast %gt3A : f32 to vector<1000x128xf32>
    %gt3A_52 = arith.cmpf ogt, %add3A_50, %gt3A_51 : vector<1000x128xf32>
    %get3A_53 = arith.constant 0 : index
    %get3A_54 = arith.constant 0 : index
    %get3A_55 = memref.load %arg7[%get3A_53, %get3A_54] : memref<1x1xf32, #tpu.memory_space<smem>>
    %mul3A_56 = vector.broadcast %get3A_55 : f32 to vector<1000x128xf32>
    %mul3A_57 = arith.mulf %mul3A_56, %add3A_50 : vector<1000x128xf32>
    %select_n3A = arith.select %gt3A_52, %add3A_50, %mul3A_57 : vector<1000x128xi1>, vector<1000x128xf32>
    %get3A_58 = arith.constant 0 : index
    %get3A_59 = arith.constant 0 : index
    %get3A_60 = vector.load %arg3[%get3A_58, %get3A_59] : memref<1000x32xf32, #tpu.memory_space<vmem>>, vector<1000x32xf32>
    %reduce_sum3A_61 = arith.constant dense<0.000000e+00> : vector<1000xf32>
    %reduce_sum3A_62 = vector.multi_reduction <add>, %get3A_60, %reduce_sum3A_61 [1] : vector<1000x32xf32> to vector<1000xf32>
    %broadcast_in_dim3A_63 = vector.shape_cast %reduce_sum3A_62 : vector<1000xf32> to vector<1000x1xf32>
    %max3A_64 = arith.constant 1.000000e+00 : f32
    %max3A_65 = vector.broadcast %max3A_64 : f32 to vector<1000x1xf32>
    %max3A_66 = arith.maximumf %broadcast_in_dim3A_63, %max3A_65 : vector<1000x1xf32>
    %rsqrt3A_67 = math.rsqrt %max3A_66 : vector<1000x1xf32>
    %mul3A_68 = vector.broadcast %rsqrt3A_67 : vector<1000x1xf32> to vector<1000x128xf32>
    %mul3A_69 = arith.mulf %select_n3A, %mul3A_68 : vector<1000x128xf32>
    %get3A_70 = arith.constant 0 : index
    %get3A_71 = arith.constant 0 : index
    %get3A_72 = vector.load %arg8[%get3A_70, %get3A_71] : memref<128x128xf32, #tpu.memory_space<vmem>>, vector<128x128xf32>
    %dot_general3A = arith.constant dense<0.000000e+00> : vector<1000x128xf32>
    %dot_general3A_73 = tpu.matmul %mul3A_69, %get3A_72, %dot_general3A {dimension_numbers = #tpu.dot_dimension_numbers<[1], [0], [0], [1], [0, 0, 1, 1], [], []>, transpose_lhs_hint = false} : vector<1000x128xf32>, vector<128x128xf32>, vector<1000x128xf32> -> vector<1000x128xf32>
    %swap3A = arith.constant 0 : index
    %swap3A_74 = arith.constant 0 : index
    %swap3A_75 = vector.load %arg9[%swap3A, %swap3A_74] : memref<1000x128xf32, #tpu.memory_space<vmem>>, vector<1000x128xf32>
    tpu.vector_store %arg9[%swap3A, %swap3A_74], %dot_general3A_73 {strides = array<i32>} : memref<1000x128xf32, #tpu.memory_space<vmem>>, vector<1000x128xf32>,
    return
  }
  func.func @transform_0(%arg0: i32) -> (i32, i32, i32) {
    %c0_i32 = arith.constant 0 : i32
    %c0_i32_0 = arith.constant 0 : i32
    %c0_i32_1 = arith.constant 0 : i32
    return %c0_i32, %arg0, %c0_i32_0 : i32, i32, i32
  }
  func.func @transform_1(%arg0: i32) -> (i32, i32) {
    %c0_i32 = arith.constant 0 : i32
    %c0_i32_0 = arith.constant 0 : i32
    return %arg0, %c0_i32 : i32, i32
  }
  func.func @transform_2(%arg0: i32) -> (i32, i32) {
    %c0_i32 = arith.constant 0 : i32
    %c0_i32_0 = arith.constant 0 : i32
    return %arg0, %c0_i32 : i32, i32
  }
  func.func @transform_3(%arg0: i32) -> (i32, i32) {
    %c0_i32 = arith.constant 0 : i32
    %c0_i32_0 = arith.constant 0 : i32
    %c0_i32_1 = arith.constant 0 : i32
    return %c0_i32, %c0_i32_0 : i32, i32
  }
  func.func @transform_4(%arg0: i32) -> (i32, i32) {
    %c0_i32 = arith.constant 0 : i32
    %c0_i32_0 = arith.constant 0 : i32
    %c0_i32_1 = arith.constant 0 : i32
    return %c0_i32, %c0_i32_0 : i32, i32
  }
  func.func @transform_5(%arg0: i32) -> (i32, i32) {
    %c0_i32 = arith.constant 0 : i32
    %c0_i32_0 = arith.constant 0 : i32
    %c0_i32_1 = arith.constant 0 : i32
    return %c0_i32, %c0_i32_0 : i32, i32
  }
  func.func @transform_6(%arg0: i32) -> (i32, i32) {
    %c0_i32 = arith.constant 0 : i32
    %c0_i32_0 = arith.constant 0 : i32
    %c0_i32_1 = arith.constant 0 : i32
    return %c0_i32, %c0_i32_0 : i32, i32
  }
  func.func @transform_7(%arg0: i32) -> (i32, i32) {
    %c0_i32 = arith.constant 0 : i32
    %c0_i32_0 = arith.constant 0 : i32
    %c0_i32_1 = arith.constant 0 : i32
    return %c0_i32, %c0_i32_0 : i32, i32
  }
  func.func @transform_8(%arg0: i32) -> (i32, i32) {
    %c0_i32 = arith.constant 0 : i32
    %c0_i32_0 = arith.constant 0 : i32
    return %arg0, %c0_i32 : i32, i32
  }
}

</mosaic_0001>

<sc_bundles>
// kernel: kernel.11.cloned.1.call-start
scs
__scs_entry_jumppad:
0x0: {  	(pc) =	sbr.rel $0x88, $3  }
0x1: {  	(tag) =	ssettag $0x0;
	lr =	simm.s32 $0x1  }
0x2: {  	[smem:$0x3F98] =	sst lr;
	_ =	strace $0xD0000000  }
0x3: {  	_ = 	snop  }
0x4: {  	_ = 	snop  }
0x5: {  	_ = 	snop  }
0x6: {  	_ = 	snop  }
0x7: {  	_ = 	snop  }
__scs_overlays_trampoline_lowered:
0x8: {  	[smem:$0x3FA7] =	sst s0  }
0x9: {  	[smem:$0x3FA8] =	sst s1  }
0xa: {  	[smem:$0x3FA9] =	sst s2  }
0xb: {  	[smem:$0x3FAA] =	sst s3  }
0xc: {  	[smem:$0x3FAB] =	sst s4  }
0xd: {  	[smem:$0x3FAC] =	sst s5  }
0xe: {  	[smem:$0x3FAD] =	sst s6  }
0xf: {  	[smem:$0x3FAE] =	sst s7  }
0x10: {  	[smem:$0x3FAF] =	sst s8  }
0x11: {  	[smem:$0x3FB0] =	sst s9;
	s0 =	simm.s32 @!p0 $0x0  }
0x12: {  	s1 =	sld [smem:$0x3F96];
	s0 =	simm.s32 @p0 $0x1  }
0x13: {  	[smem:$0x3FB1] =	sst s0;
	s0 =	simm.s32 @!p1 $0x0  }
0x14: {  	s2 =	sld [smem:$0x3F95];
	s0 =	simm.s32 @p1 $0x1  }
0x15: {  	[smem:$0x3FB2] =	sst s0;
	s0 =	simm.s32 @!p2 $0x0  }
0x16: {  	s3 =	sld [smem:$0x3FDB];
	s0 =	simm.s32 @p2 $0x1  }
0x17: {  	s4 =	simm.s32 $0x1BF5;
	[smem:$0x3FB4] =	sst s0  }
0x18: {  	s0 =	sld [smem:$0x3F97];
	_ =	swait.ge [sflag:s4], $0x0  }
0x19: {  	s7 =	sld [smem:$0x3F98]  }
0x1a: {  	s8 =	sadd.s32 $0xFFFFE003, lr  }
0x1b: {  	s9 =	sadd.s32 $0xFFFFFEF7, lr;
	s5 =	simm.s32 $0xFFFFFFFF;
	p2 =	slt.u32 s8, $0xFFFFF086  }
0x1c: {  	p1 =	slt.u32 s9, $0xF7A;
	s5 =	simm.s32 @!p2 $0x0  }
0x1d: {  	s5 =	simm.s32 @p1 $0x1;
	p0 =	seq.s32 s7, s2  }
0x1e: {  	s7 =	smul.u32 @!p0 $0xF7A, s2;
	p2 =	seq.s32 @!p0 s5, $0x0  }
0x1f: {  	s9 =	smul.u32 $0xF7A, s1;
	s8 =	simm.s32 @!p0 $0x1BF5;
	p2 =	por !p2, p0  }
0x20: {  	[sflag:s8] =	ssyncset.s32 @!p0 $0xFFFFF086;
	s6 =	sadd.s32 @!p0 s3, s7;
	s7 =	simm.s32 @!p0 $0x108  }
0x21: {  	s3 =	sadd.s32 s3, s9;
	s6 =	sadd.s32 @!p0 $0x88, s6;
	s7 =	simm.s32 @p2 $0x1082  }
0x22: {  	[simem:s7], [sflag:s8] =	dma.local @!p0 [hbm:s6], $0xF7A  }
0x23: {  	s9 =	sor.u32 $0xD0000000, s2;
	s6 =	simm.s32 $0x108;
	_ =	swait.ge @!p0 [sflag:s8], $0x0  }
0x24: {  	s3 =	sadd.s32 $0x88, s3;
	s6 =	simm.s32 @!p1 $0x1082;
	[sflag:s4] =	ssyncset.s32 $0xFFFFF086  }
0x25: {  	[simem:s6], [sflag:s4] =	dma.local [hbm:s3], $0xF7A  }
0x26: {  	[smem:$0x3F98] =	sst s1;
	(tag) =	ssettag s2;
	_ =	strace s9  }
0x27: {  	s1 =	sld [smem:$0x3FA8]  }
0x28: {  	s2 =	sld [smem:$0x3FA9]  }
0x29: {  	s4 =	sld [smem:$0x3FAB]  }
0x2a: {  	p0 =	seq.s32 s5, $0x0;
	s5 =	sld [smem:$0x3FAC]  }
0x2b: {  	s6 =	sld [smem:$0x3FAD]  }
0x2c: {  	s7 =	sld [smem:$0x3FAE]  }
0x2d: {  	s3 =	simm.s32 $0x108;
	s8 =	sld [smem:$0x3FAF]  }
0x2e: {  	s3 =	simm.s32 @!p0 $0x1082;
	s9 =	sld [smem:$0x3FB0]  }
0x2f: {  	lr =	sadd.s32 s0, s3;
	s0 =	sld [smem:$0x3FA7]  }
0x30: {  	s3 =	sld [smem:$0x3FAA]  }
0x31: {  	[smem:$0x3FB3] =	sst s10  }
0x32: {  	s10 =	sld [smem:$0x3FB1];
	_ =	sdelay $0x3  }
0x33: {  	p0 =	seq.s32 s10, $0x1;
	s10 =	sld [smem:$0x3FB3];
	_ =	sdelay $0x3  }
0x34: {  	[smem:$0x3FB3] =	sst s10  }
0x35: {  	s10 =	sld [smem:$0x3FB2];
	_ =	sdelay $0x3  }
0x36: {  	p1 =	seq.s32 s10, $0x1;
	s10 =	sld [smem:$0x3FB3];
	_ =	sdelay $0x3  }
0x37: {  	[smem:$0x3FB3] =	sst s10  }
0x38: {  	s10 =	sld [smem:$0x3FB4]  }
0x39: {  	_ = 	snop;
	(pc) =	sbr.ind lr, $3  }
0x3a: {  	_ = 	snop  }
0x3b: {  	_ = 	snop  }
0x3c: {  	p2 =	seq.s32 s10, $0x1;
	s10 =	sld [smem:$0x3FB3]  }
0x3d: {  	_ =	shalt  }
0x3e: {  	_ =	shalt  }
0x3f: {  	_ =	shalt  }
0x40: {  	_ =	shalt  }
0x41: {  	_ =	shalt  }
0x42: {  	_ =	shalt  }
0x43: {  	_ =	shalt  }
0x44: {  	_ =	shalt  }
0x45: {  	_ =	shalt  }
0x46: {  	_ =	shalt  }
0x47: {  	_ =	shalt  }
0x48: {  	_ =	shalt  }
0x49: {  	_ =	shalt  }
0x4a: {  	_ =	shalt  }
0x4b: {  	_ =	shalt  }
0x4c: {  	_ =	shalt  }
0x4d: {  	_ =	shalt  }
0x4e: {  	_ =	shalt  }
0x4f: {  	_ =	shalt  }
0x50: {  	_ =	shalt  }
0x51: {  	_ =	shalt  }
0x52: {  	_ =	shalt  }
0x53: {  	_ =	shalt  }
0x54: {  	_ =	shalt  }
0x55: {  	_ =	shalt  }
0x56: {  	_ =	shalt  }
0x57: {  	_ =	shalt  }
0x58: {  	_ =	shalt  }
0x59: {  	_ =	shalt  }
0x5a: {  	_ =	shalt  }
0x5b: {  	_ =	shalt  }
0x5c: {  	_ =	shalt  }
0x5d: {  	_ =	shalt  }
0x5e: {  	_ =	shalt  }
0x5f: {  	_ =	shalt  }
0x60: {  	_ =	shalt  }
0x61: {  	_ =	shalt  }
0x62: {  	_ =	shalt  }
0x63: {  	_ =	shalt  }
0x64: {  	_ =	shalt  }
0x65: {  	_ =	shalt  }
0x66: {  	_ =	shalt  }
0x67: {  	_ =	shalt  }
0x68: {  	_ =	shalt  }
0x69: {  	_ =	shalt  }
0x6a: {  	_ =	shalt  }
0x6b: {  	_ =	shalt  }
0x6c: {  	_ =	shalt  }
0x6d: {  	_ =	shalt  }
0x6e: {  	_ =	shalt  }
0x6f: {  	_ =	shalt  }
0x70: {  	_ =	shalt  }
0x71: {  	_ =	shalt  }
0x72: {  	_ =	shalt  }
0x73: {  	_ =	shalt  }
0x74: {  	_ =	shalt  }
0x75: {  	_ =	shalt  }
0x76: {  	_ =	shalt  }
0x77: {  	_ =	shalt  }
0x78: {  	_ =	shalt  }
0x79: {  	_ =	shalt  }
0x7a: {  	_ =	shalt  }
0x7b: {  	_ =	shalt  }
0x7c: {  	_ =	shalt  }
0x7d: {  	_ =	shalt  }
0x7e: {  	_ =	shalt  }
0x7f: {  	_ =	shalt  }
0x80: {  	_ =	shalt  }
0x81: {  	_ =	shalt  }
0x82: {  	_ =	shalt  }
0x83: {  	_ =	shalt  }
0x84: {  	_ =	shalt  }
0x85: {  	_ =	shalt  }
0x86: {  	_ =	shalt  }
0x87: {  	_ =	shalt  }
.Lfunc_end0:
.L_simem_size_0:
called_computation.1_lowered:
.L_overlay_start_0:
0x88: {  	s2 =	sld [smem:$0x3FD9]  }
0x89: {  	s3 =	sld [smem:$0x3FFE];
	_ =	sdelay $0x1  }
0x8a: {  	s1 =	srdreg.scid  }
0x8b: {  	s0 =	sand.u32 $0x1, s1  }
0x8c: {  	s17 =	sshll.u32 s0, $0xA;
	s2 =	sadd.s32 s3, s2  }
0x8d: {  	s2 =	sadd.s32 s2, s17  }
0x8e: {  	[smem:$0x3FBF] =	sst s2  }
0x8f: {  	_ = 	snop  }
0x90: {  	s2 =	sld [smem:$0x3FD0];
	(tm) =	ssettm $0x1  }
0x91: {  	s18 =	sld [smem:$0x3FFB];
	_ =	sdelay $0x3  }
0x92: {  	_ =	strace s18  }
0x93: {  	s3 =	sld [smem:$0x3FFC];
	_ =	sdelay $0x3  }
0x94: {  	_ =	strace s3  }
0x95: {  	s3 =	sld [smem:$0x3FFD];
	_ =	sdelay $0x3  }
0x96: {  	_ =	strace s3  }
0x97: {  	_ =	strace $0x8FFFFFFF  }
0x98: {  	s19 =	sld [smem:$0x3FDB];
	_ =	sdelay $0x1  }
0x99: {  	s4 =	simm.s32 $_scs_section_size  }
0x9a: {  	s5 =	simm.s32 $_size__tile_overlayer_lowered;
	s6 =	simm.s32 $_tile_overlayer_lowered  }
0x9b: {  	s22 =	simm.s32 $0x1BFF;
	s21 =	sshll.u32 s6, $0x1;
	s3 =	sadd.s32 s4, s19  }
0x9c: {  	s7 =	simm.s32 $0x0;
	s20 =	sshll.u32 s5, $0x1;
	s5 =	sadd.s32 s21, s3  }
0x9d: {  	[timem:s7], [sflag:s22] =	dma.local [hbm:s5], s20  }
0x9e: {  	_ =	swait.ge [sflag:s22], s20  }
0x9f: {  	s4 =	ssub.s32 $0x0, s20;
	[sflag:s22] =	ssyncset.done $0x0  }
0xa0: {  	[sflag:s22] =	ssyncadd.s32 s4;
	_ =	sdelay $0x1  }
0xa1: {  	s23 =	simm.s32 $0x1B8B  }
0xa2: {  	_ =	swait.ge [sflag:s23], $0x1  }
0xa3: {  	[sflag:s23] =	ssyncset.done $0x0  }
0xa4: {  	s25 =	simm.s32 $0x1B8E;
	s24 =	sld [smem:$0x3FFE];
	[sflag:s23] =	ssyncadd.s32 $0xFFFFFFFF  }
0xa5: {  	s26 =	simm.s32 $execute0_lowered;
	[smem:$0x3FD2] =	sst s25  }
0xa6: {  	s5 =	sshll.u32 s26, $0x1;
	_ =	strace $0x80000049;
	[dreg:$0x1] =	wrdreg $0xFFFFFFFF  }
0xa7: {  	s28 =	simm.s32 $_size_execute0_lowered;
	s3 =	sadd.s32 s3, s5;
	[dreg:$0x0] =	wrdreg $0x0  }
0xa8: {  	s5 =	sshll.u32 s28, $0x1;
	[dreg:$0x2] =	wrdreg s3  }
0xa9: {  	[dreg:$0x3] =	wrdreg s5  }
0xaa: {  	[dreg:$0x4] =	wrdreg $0xC0  }
0xab: {  	_ =	task [dreg:s7], $0x5FFFF  }
0xac: {  	[dreg:$0x1] =	wrdreg $0xFFFFFFFF  }
0xad: {  	[dreg:$0x0] =	wrdreg $0x60  }
0xae: {  	[dreg:$0x2] =	wrdreg s2  }
0xaf: {  	[dreg:$0x3] =	wrdreg s24  }
0xb0: {  	[dreg:$0x4] =	wrdreg $0xA8000  }
0xb1: {  	[dreg:$0x5] =	wrdreg $0x9  }
0xb2: {  	_ =	task.clear_ibuf [dreg:s7], $0x6FFFF;
	_ =	strace $0x90000049  }
0xb3: {  	s29 =	simm.s32 $0x9;
	_ =	strace $0x8000004B  }
0xb4: {  	_ =	swait.ge [sflag:s29], $0x1  }
0xb5: {  	[sflag:s29] =	ssyncadd.s32 $0xFFFFFFFF  }
0xb6: {  	_ =	strace $0x9000004B  }
0xb7: {  	_ =	sfence  }
0xb8: {  	s30 =	sld [smem:$0x0];
	_ =	sdelay $0x2  }
0xb9: {  	s31 =	sshll.u32 s1, $0xD;
	s1 =	sshrl.u32 s1, $0x2  }
0xba: {  	s3 =	sand.u32 $0x4000, s31;
	s1 =	sadd.s32 s1, s30  }
0xbb: {  	s0 =	sor.u32 s3, s0;
	s1 =	sshll.u32 s1, $0x11  }
0xbc: {  	s0 =	sor.u32 s1, s0  }
0xbd: {  	s0 =	sadd.s32 $0x8F2B, s0  }
0xbe: {  	[sflag:s0] =	ssyncadd.remote.s32 $0x1  }
0xbf: {  	_ =	sfence.sel $0xFFFF  }
0xc0: {  	[dreg:$0x0] =	wrdreg $0xFFFFFFFF;
	(pc) =	sbr.abs _section_cstart, $3  }
0xc1: {  	[dreg:$0x1] =	wrdreg $0xFFFFFFFF  }
0xc2: {  	_ =	task.clear_ibuf [dreg:s7], $0x2FFFF;
	_ =	strace $0x9FFFFFFF  }
0xc3: {  	(tm) =	ssettm $0x7FFFFFFF  }
tec
execute0_lowered:
.L_overlay_start_1:
0x0: {  	(tag) =	ssettag $0x1  }
0x1: {  	s1 =	rddreg [dreg:$0x0]  }
0x2: {  	s0 =	rddreg [dreg:$0x1]  }
0x3: {  	s2 =	rddreg [dreg:$0x2];
	s3 =	simm.s32 $0x0  }
0x4: {  	s5 =	srdreg.scid;
	s4 =	stileid.u32;
	s22 =	simm.s32 $0x1400  }
0x5: {  	s23 =	simm.s32 $0x80;
	s24 =	simm.s32 $0x1;
	s25 =	simm.s32 $0x6800  }
0x6: {  	s28 =	simm.s32 $0x1380;
	s29 =	simm.s32 $0x2700;
	s30 =	simm.s32 $0x2780  }
0x7: {  	[smem:$0x7FF] =	sst s3;
	s12 =	sadd.s32 $0x2600, s0;
	s9 =	sand.u32 $0x1, s5  }
0x8: {  	s13 =	sadd.s32 $0xC600, s0;
	s6 =	smul.u32 $0x50000, s4;
	s0 =	sadd.s32 $0x2A600, s0  }
0x9: {  	s14 =	smul.u32 $0x14000, s4;
	s26 =	sshll.u32 s4, $0x1;
	_ =	strace $0x8000004A  }
0xa: {  	s5 =	ssub.s32 $0x2, s9;
	s8 =	sor.u32 s9, s26;
	s21 =	smul.u32 $0x140000, s9  }
0xb: {  	s26 =	simm.s32 $0x2;
	s7 =	sshrl.u32 s5, $0x1;
	s6 =	sshrl.u32 s6, $0x2  }
0xc: {  	s15 =	sadd.s32 $0x4000, s14;
	s16 =	sadd.s32 $0x8000, s14;
	s11 =	smul.u32 $0x500, s8  }
0xd: {  	s17 =	sadd.s32 $0xC000, s14;
	s18 =	smul.u32 $0x2800, s8;
	s20 =	sadd.s32 $0x10000, s14  }
0xe: {  	s19 =	ssub.s32 s5, s7;
	s5 =	sadd.s32 s6, s2;
	s6 =	sadd.s32 s15, s2  }
0xf: {  	s7 =	sadd.s32 s16, s2;
	s8 =	sadd.s32 s17, s2;
	s9 =	sadd.s32 s20, s2  }
0x10: {  	s14 =	sadd.s32 s14, s21;
	s15 =	sadd.s32 s21, s15;
	s16 =	sadd.s32 s21, s16  }
0x11: {  	s17 =	sadd.s32 s21, s17;
	s31 =	sadd.s32 s21, s20;
	s20 =	simm.s32 $0x2800  }
0x12: {  	s21 =	simm.s32 $0x3;
	s10 =	sadd.s32 s12, s11;
	s18 =	sshrl.u32 s18, $0x3  }
0x13: {  	s11 =	sadd.s32 s13, s11;
	s14 =	sshrl.u32 s14, $0x3;
	s15 =	sshrl.u32 s15, $0x3  }
0x14: {  	s16 =	sshrl.u32 s16, $0x3;
	s17 =	sshrl.u32 s17, $0x3;
	s19 =	smax.u32 s19, $0x1  }
0x15: {  	s18 =	sadd.s32 $0x280, s18;
	s14 =	sadd.s32 s0, s14;
	s15 =	sadd.s32 s0, s15  }
0x16: {  	s12 =	sadd.s32 s12, s18;
	s13 =	sadd.s32 s13, s18;
	s18 =	sshrl.u32 s31, $0x3  }
0x17: {  	v0 =	vimm.f32 $0.0e+00;
	s16 =	sadd.s32 s0, s16;
	s17 =	sadd.s32 s0, s17;
	s18 =	sadd.s32 s0, s18  }
.LBB2_1:
0x18: {  	s31 =	simm.s32 $0x0;
	s0 =	simm.s32 $0x200  }
.LBB2_2:
0x19: {  	p0 =	sne.s32 s0, $0xFE00;
	[tilespmem:s31+$0x2870] =	vst v0  }
0x1a: {  	[tilespmem:s31+$0x2800] =	vst v0  }
0x1b: {  	[tilespmem:s31+$0x2810] =	vst v0  }
.Ltmp0:
0x1c: {  	[tilespmem:s31+$0x2820] =	vst v0;
	(pc) =	sbr.rel @p0 .LBB2_2-.Ltmp0, $4  }
0x1d: {  	[tilespmem:s31+$0x2830] =	vst v0  }
0x1e: {  	[tilespmem:s31+$0x2840] =	vst v0  }
0x1f: {  	[tilespmem:s31+$0x2850] =	vst v0  }
0x20: {  	[tilespmem:s31+$0x2860] =	vst v0;
	s31 =	sshra.s32 s0, $0x2;
	s0 =	sadd.s32 $0x200, s0  }
0x21: {  	[tilespmem:s31+$0x2870] =	vst v0  }
0x22: {  	[tilespmem:s31+$0x2800] =	vst v0  }
0x23: {  	[tilespmem:s31+$0x2810] =	vst v0  }
0x24: {  	[tilespmem:s31+$0x2820] =	vst v0  }
0x25: {  	[tilespmem:s31+$0x2830] =	vst v0  }
0x26: {  	[tilespmem:s31+$0x2840] =	vst v0  }
0x27: {  	[tilespmem:s31+$0x2850] =	vst v0  }
0x28: {  	[tilespmem:s31+$0x2860] =	vst v0  }
0x29: {  	[spmem:s5] =	stream.linear.scatter [tilespmem:s20], [sflag:$0x3], $0x4000, $0x38;
	[tilespmem:$0x1E800] =	vst v63  }
0x2a: {  	_ =	swait.ge [sflag:s21], $0x4000  }
0x2b: {  	[sflag:s21] =	ssyncset.done $0x0  }
0x2c: {  	[sflag:s21] =	ssyncadd.s32 $0xFFFFC000  }
0x2d: {  	[spmem:s6] =	stream.linear.scatter [tilespmem:s20], [sflag:$0x3], $0x4000, $0x38;
	[tilespmem:$0x1E800] =	vst v63  }
0x2e: {  	_ =	swait.ge [sflag:s21], $0x4000  }
0x2f: {  	[sflag:s21] =	ssyncset.done $0x0  }
0x30: {  	[sflag:s21] =	ssyncadd.s32 $0xFFFFC000  }
0x31: {  	[spmem:s7] =	stream.linear.scatter [tilespmem:s20], [sflag:$0x3], $0x4000, $0x38;
	[tilespmem:$0x1E800] =	vst v63  }
0x32: {  	_ =	swait.ge [sflag:s21], $0x4000  }
0x33: {  	[sflag:s21] =	ssyncset.done $0x0  }
0x34: {  	[sflag:s21] =	ssyncadd.s32 $0xFFFFC000  }
0x35: {  	[spmem:s8] =	stream.linear.scatter [tilespmem:s20], [sflag:$0x3], $0x4000, $0x38;
	[tilespmem:$0x1E800] =	vst v63  }
0x36: {  	_ =	swait.ge [sflag:s21], $0x4000  }
0x37: {  	[sflag:s21] =	ssyncset.done $0x0  }
0x38: {  	[sflag:s21] =	ssyncadd.s32 $0xFFFFC000  }
0x39: {  	[spmem:s9] =	stream.linear.scatter [tilespmem:s20], [sflag:$0x3], $0x4000, $0x38;
	[tilespmem:$0x1E800] =	vst v63  }
0x3a: {  	_ =	swait.ge [sflag:s21], $0x4000  }
0x3b: {  	[sflag:s21] =	ssyncset.done $0x0  }
0x3c: {  	[sflag:s21] =	ssyncadd.s32 $0xFFFFC000  }
0x3d: {  	s0 =	simm.s32 $0x0;
	[bflag:$0x0] =	sbarrier.arrive $0xFFFF  }
0x3e: {  	[tilespmem:s0], [sflag:$0x3] =	stream.linear.gather [hbm4b:s10+s0], $0x1400, $0x38;
	[tilespmem:$0x1E800] =	vst v63  }
0x3f: {  	_ =	swait.ge [sflag:s21], $0x1400  }
0x40: {  	[sflag:s21] =	ssyncset.done $0x0  }
0x41: {  	[sflag:s21] =	ssyncadd.s32 $0xFFFFEC00  }
0x42: {  	[tilespmem:s22], [sflag:$0x3] =	stream.linear.gather [hbm4b:s11+s0], $0x1400, $0x38;
	[tilespmem:$0x1E800] =	vst v63  }
0x43: {  	_ =	swait.ge [sflag:s21], $0x1400  }
0x44: {  	[sflag:s21] =	ssyncset.done $0x0  }
0x45: {  	[sflag:s21] =	ssyncadd.s32 $0xFFFFEC00  }
0x46: {  	[tilespmem:s20], [sflag:$0x1] =	stream.indirect.gather [hbm4b:s1+s23], $0x80, s0, s23, $0xb8;
	[tilespmem:$0x1E800] =	vst v63  }
0x47: {  	_ =	swait.ge [sflag:s24], $0x4000  }
0x48: {  	[sflag:s24] =	ssyncset.done $0x0  }
0x49: {  	s4 =	simm.s32 $0x80;
	[sflag:s24] =	ssyncadd.s32 $0xFFFFC000  }
0x4a: {  	[tilespmem:s25], [sflag:$0x2] =	stream.indirect.gather [hbm4b:s1+s23], $0x80, s4, s23, $0xb8;
	[tilespmem:$0x1E800] =	vst v63  }
0x4b: {  	s4 =	simm.s32 $0x1400  }
0x4c: {  	[spmem:s2] =	stream.indirect.scatter.add.f32 [tilespmem:s20], [sflag:$0x3], $0x80, s4, s23, $0xb8;
	[tilespmem:$0x1E800] =	vst v63  }
0x4d: {  	_ =	swait.ge [sflag:s21], $0x4000  }
0x4e: {  	[sflag:s21] =	ssyncset.done $0x0  }
0x4f: {  	[sflag:s21] =	ssyncadd.s32 $0xFFFFC000  }
0x50: {  	_ =	swait.ge [sflag:s26], $0x4000  }
0x51: {  	[sflag:s26] =	ssyncset.done $0x0  }
0x52: {  	s4 =	simm.s32 $0x100;
	[sflag:s26] =	ssyncadd.s32 $0xFFFFC000  }
0x53: {  	[tilespmem:s20], [sflag:$0x1] =	stream.indirect.gather [hbm4b:s1+s23], $0x80, s4, s23, $0xb8;
	[tilespmem:$0x1E800] =	vst v63  }
0x54: {  	s4 =	simm.s32 $0x1480  }
0x55: {  	[spmem:s2] =	stream.indirect.scatter.add.f32 [tilespmem:s25], [sflag:$0x3], $0x80, s4, s23, $0xb8;
	[tilespmem:$0x1E800] =	vst v63  }
0x56: {  	_ =	swait.ge [sflag:s21], $0x4000  }
0x57: {  	s31 =	simm.s32 $0x400;
	[sflag:s21] =	ssyncset.done $0x0  }
.LBB2_4:
0x58: {  	p0 =	sne.s32 s31, $0x4800  }
0x59: {  	[sflag:s21] =	ssyncadd.s32 $0xFFFFC000;
	s0 =	smov.u32 s31;
	s31 =	sadd.s32 $0x400, s31  }
0x5a: {  	_ = 	snop  }
0x5b: {  	_ =	swait.ge [sflag:s24], $0x4000  }
0x5c: {  	s0 =	sshra.s32 s0, $0x2;
	[sflag:s24] =	ssyncset.done $0x0  }
0x5d: {  	s4 =	sadd.s32 $0x80, s0;
	[sflag:s24] =	ssyncadd.s32 $0xFFFFC000  }
0x5e: {  	[tilespmem:s25], [sflag:$0x2] =	stream.indirect.gather [hbm4b:s1+s23], $0x80, s4, s23, $0xb8;
	[tilespmem:$0x1E800] =	vst v63  }
0x5f: {  	s4 =	sadd.s32 $0x1400, s0  }
0x60: {  	[spmem:s2] =	stream.indirect.scatter.add.f32 [tilespmem:s20], [sflag:$0x3], $0x80, s4, s23, $0xb8;
	[tilespmem:$0x1E800] =	vst v63  }
0x61: {  	_ =	swait.ge [sflag:s21], $0x4000  }
0x62: {  	[sflag:s21] =	ssyncset.done $0x0  }
0x63: {  	[sflag:s21] =	ssyncadd.s32 $0xFFFFC000  }
0x64: {  	_ =	swait.ge [sflag:s26], $0x4000  }
0x65: {  	[sflag:s26] =	ssyncset.done $0x0  }
0x66: {  	s4 =	sadd.s32 $0x100, s0;
	[sflag:s26] =	ssyncadd.s32 $0xFFFFC000  }
0x67: {  	[tilespmem:s20], [sflag:$0x1] =	stream.indirect.gather [hbm4b:s1+s23], $0x80, s4, s23, $0xb8;
	[tilespmem:$0x1E800] =	vst v63  }
.Ltmp1:
0x68: {  	_ = 	snop;
	(pc) =	sbr.rel @p0 .LBB2_4-.Ltmp1, $4  }
0x69: {  	s0 =	sadd.s32 $0x1480, s0  }
0x6a: {  	[spmem:s2] =	stream.indirect.scatter.add.f32 [tilespmem:s25], [sflag:$0x3], $0x80, s0, s23, $0xb8;
	[tilespmem:$0x1E800] =	vst v63  }
0x6b: {  	_ =	swait.ge [sflag:s21], $0x4000  }
0x6c: {  	[sflag:s21] =	ssyncset.done $0x0  }
0x6d: {  	[sflag:s21] =	ssyncadd.s32 $0xFFFFC000  }
0x6e: {  	_ =	swait.ge [sflag:s24], $0x4000  }
0x6f: {  	[sflag:s24] =	ssyncset.done $0x0  }
0x70: {  	[sflag:s24] =	ssyncadd.s32 $0xFFFFC000  }
0x71: {  	[tilespmem:s25], [sflag:$0x2] =	stream.indirect.gather [hbm4b:s1+s23], $0x80, s28, s23, $0xb8;
	[tilespmem:$0x1E800] =	vst v63  }
0x72: {  	_ = 	snop  }
0x73: {  	[spmem:s2] =	stream.indirect.scatter.add.f32 [tilespmem:s20], [sflag:$0x3], $0x80, s29, s23, $0xb8;
	[tilespmem:$0x1E800] =	vst v63  }
0x74: {  	_ =	swait.ge [sflag:s21], $0x4000  }
0x75: {  	[sflag:s21] =	ssyncset.done $0x0  }
0x76: {  	[sflag:s21] =	ssyncadd.s32 $0xFFFFC000  }
0x77: {  	_ =	swait.ge [sflag:s26], $0x4000  }
0x78: {  	[sflag:s26] =	ssyncset.done $0x0  }
0x79: {  	[sflag:s26] =	ssyncadd.s32 $0xFFFFC000  }
0x7a: {  	[spmem:s2] =	stream.indirect.scatter.add.f32 [tilespmem:s25], [sflag:$0x3], $0x80, s30, s23, $0xb8;
	[tilespmem:$0x1E800] =	vst v63  }
0x7b: {  	_ =	swait.ge [sflag:s21], $0x4000  }
0x7c: {  	[sflag:s21] =	ssyncset.done $0x0  }
0x7d: {  	s0 =	simm.s32 $0x0;
	[sflag:s21] =	ssyncadd.s32 $0xFFFFC000  }
0x7e: {  	[tilespmem:s0], [sflag:$0x3] =	stream.linear.gather [hbm4b:s12+s0], $0x1400, $0x38;
	[tilespmem:$0x1E800] =	vst v63  }
0x7f: {  	_ =	swait.ge [sflag:s21], $0x1400  }
0x80: {  	[sflag:s21] =	ssyncset.done $0x0  }
0x81: {  	[sflag:s21] =	ssyncadd.s32 $0xFFFFEC00  }
0x82: {  	[tilespmem:s22], [sflag:$0x3] =	stream.linear.gather [hbm4b:s13+s0], $0x1400, $0x38;
	[tilespmem:$0x1E800] =	vst v63  }
0x83: {  	_ =	swait.ge [sflag:s21], $0x1400  }
0x84: {  	[sflag:s21] =	ssyncset.done $0x0  }
0x85: {  	[sflag:s21] =	ssyncadd.s32 $0xFFFFEC00  }
0x86: {  	[tilespmem:s20], [sflag:$0x1] =	stream.indirect.gather [hbm4b:s1+s23], $0x80, s0, s23, $0xb8;
	[tilespmem:$0x1E800] =	vst v63  }
0x87: {  	_ =	swait.ge [sflag:s24], $0x4000  }
0x88: {  	[sflag:s24] =	ssyncset.done $0x0  }
0x89: {  	s4 =	simm.s32 $0x80;
	[sflag:s24] =	ssyncadd.s32 $0xFFFFC000  }
0x8a: {  	[tilespmem:s25], [sflag:$0x2] =	stream.indirect.gather [hbm4b:s1+s23], $0x80, s4, s23, $0xb8;
	[tilespmem:$0x1E800] =	vst v63  }
0x8b: {  	s4 =	simm.s32 $0x1400  }
0x8c: {  	[spmem:s2] =	stream.indirect.scatter.add.f32 [tilespmem:s20], [sflag:$0x3], $0x80, s4, s23, $0xb8;
	[tilespmem:$0x1E800] =	vst v63  }
0x8d: {  	_ =	swait.ge [sflag:s21], $0x4000  }
0x8e: {  	[sflag:s21] =	ssyncset.done $0x0  }
0x8f: {  	[sflag:s21] =	ssyncadd.s32 $0xFFFFC000  }
0x90: {  	_ =	swait.ge [sflag:s26], $0x4000  }
0x91: {  	[sflag:s26] =	ssyncset.done $0x0  }
0x92: {  	s4 =	simm.s32 $0x100;
	[sflag:s26] =	ssyncadd.s32 $0xFFFFC000  }
0x93: {  	[tilespmem:s20], [sflag:$0x1] =	stream.indirect.gather [hbm4b:s1+s23], $0x80, s4, s23, $0xb8;
	[tilespmem:$0x1E800] =	vst v63  }
0x94: {  	s4 =	simm.s32 $0x1480  }
0x95: {  	[spmem:s2] =	stream.indirect.scatter.add.f32 [tilespmem:s25], [sflag:$0x3], $0x80, s4, s23, $0xb8;
	[tilespmem:$0x1E800] =	vst v63  }
0x96: {  	_ =	swait.ge [sflag:s21], $0x4000  }
0x97: {  	s31 =	simm.s32 $0x400;
	[sflag:s21] =	ssyncset.done $0x0  }
.LBB2_6:
0x98: {  	p0 =	sne.s32 s31, $0x4800  }
0x99: {  	[sflag:s21] =	ssyncadd.s32 $0xFFFFC000;
	s0 =	smov.u32 s31;
	s31 =	sadd.s32 $0x400, s31  }
0x9a: {  	_ = 	snop  }
0x9b: {  	_ =	swait.ge [sflag:s24], $0x4000  }
0x9c: {  	s0 =	sshra.s32 s0, $0x2;
	[sflag:s24] =	ssyncset.done $0x0  }
0x9d: {  	s4 =	sadd.s32 $0x80, s0;
	[sflag:s24] =	ssyncadd.s32 $0xFFFFC000  }
0x9e: {  	[tilespmem:s25], [sflag:$0x2] =	stream.indirect.gather [hbm4b:s1+s23], $0x80, s4, s23, $0xb8;
	[tilespmem:$0x1E800] =	vst v63  }
0x9f: {  	s4 =	sadd.s32 $0x1400, s0  }
0xa0: {  	[spmem:s2] =	stream.indirect.scatter.add.f32 [tilespmem:s20], [sflag:$0x3], $0x80, s4, s23, $0xb8;
	[tilespmem:$0x1E800] =	vst v63  }
0xa1: {  	_ =	swait.ge [sflag:s21], $0x4000  }
0xa2: {  	[sflag:s21] =	ssyncset.done $0x0  }
0xa3: {  	[sflag:s21] =	ssyncadd.s32 $0xFFFFC000  }
0xa4: {  	_ =	swait.ge [sflag:s26], $0x4000  }
0xa5: {  	[sflag:s26] =	ssyncset.done $0x0  }
0xa6: {  	s4 =	sadd.s32 $0x100, s0;
	[sflag:s26] =	ssyncadd.s32 $0xFFFFC000  }
0xa7: {  	[tilespmem:s20], [sflag:$0x1] =	stream.indirect.gather [hbm4b:s1+s23], $0x80, s4, s23, $0xb8;
	[tilespmem:$0x1E800] =	vst v63  }
.Ltmp2:
0xa8: {  	_ = 	snop;
	(pc) =	sbr.rel @p0 .LBB2_6-.Ltmp2, $4  }
0xa9: {  	s0 =	sadd.s32 $0x1480, s0  }
0xaa: {  	[spmem:s2] =	stream.indirect.scatter.add.f32 [tilespmem:s25], [sflag:$0x3], $0x80, s0, s23, $0xb8;
	[tilespmem:$0x1E800] =	vst v63  }
0xab: {  	_ =	swait.ge [sflag:s21], $0x4000  }
0xac: {  	[sflag:s21] =	ssyncset.done $0x0  }
0xad: {  	[sflag:s21] =	ssyncadd.s32 $0xFFFFC000  }
0xae: {  	_ =	swait.ge [sflag:s24], $0x4000  }
0xaf: {  	[sflag:s24] =	ssyncset.done $0x0  }
0xb0: {  	[sflag:s24] =	ssyncadd.s32 $0xFFFFC000  }
0xb1: {  	[tilespmem:s25], [sflag:$0x2] =	stream.indirect.gather [hbm4b:s1+s23], $0x80, s28, s23, $0xb8;
	[tilespmem:$0x1E800] =	vst v63  }
0xb2: {  	_ = 	snop  }
0xb3: {  	[spmem:s2] =	stream.indirect.scatter.add.f32 [tilespmem:s20], [sflag:$0x3], $0x80, s29, s23, $0xb8;
	[tilespmem:$0x1E800] =	vst v63  }
0xb4: {  	_ =	swait.ge [sflag:s21], $0x4000  }
0xb5: {  	[sflag:s21] =	ssyncset.done $0x0  }
0xb6: {  	[sflag:s21] =	ssyncadd.s32 $0xFFFFC000  }
0xb7: {  	_ =	swait.ge [sflag:s26], $0x4000  }
0xb8: {  	[sflag:s26] =	ssyncset.done $0x0  }
0xb9: {  	[sflag:s26] =	ssyncadd.s32 $0xFFFFC000  }
0xba: {  	[spmem:s2] =	stream.indirect.scatter.add.f32 [tilespmem:s25], [sflag:$0x3], $0x80, s30, s23, $0xb8;
	[tilespmem:$0x1E800] =	vst v63  }
0xbb: {  	_ =	swait.ge [sflag:s21], $0x4000  }
0xbc: {  	s0 =	stileid.u32;
	[sflag:s21] =	ssyncset.done $0x0  }
0xbd: {  	s0 =	sshll.u32 s0, $0x6;
	[sflag:s21] =	ssyncadd.s32 $0xFFFFC000  }
0xbe: {  	s4 =	sshrl.u32 s5, $0x3;
	s0 =	sor.u32 $0x1C03, s0;
	[bflag:$0x0] =	sbarrier.arrive $0xFFFF  }
0xbf: {  	[hbm:s14], [sflag:s0] =	dma.local [spmem:s4], $0x800  }
0xc0: {  	_ =	swait.ge [sflag:s21], $0x800  }
0xc1: {  	[sflag:s21] =	ssyncset.done $0x0  }
0xc2: {  	s31 =	sshrl.u32 s6, $0x3;
	[sflag:s21] =	ssyncadd.s32 $0xFFFFF800  }
0xc3: {  	[hbm:s15], [sflag:s0] =	dma.local [spmem:s31], $0x800  }
0xc4: {  	_ =	swait.ge [sflag:s21], $0x800  }
0xc5: {  	[sflag:s21] =	ssyncset.done $0x0  }
0xc6: {  	s31 =	sshrl.u32 s7, $0x3;
	[sflag:s21] =	ssyncadd.s32 $0xFFFFF800  }
0xc7: {  	[hbm:s16], [sflag:s0] =	dma.local [spmem:s31], $0x800  }
0xc8: {  	_ =	swait.ge [sflag:s21], $0x800  }
0xc9: {  	[sflag:s21] =	ssyncset.done $0x0  }
0xca: {  	s31 =	sshrl.u32 s8, $0x3;
	[sflag:s21] =	ssyncadd.s32 $0xFFFFF800  }
0xcb: {  	[hbm:s17], [sflag:s0] =	dma.local [spmem:s31], $0x800  }
0xcc: {  	s3 =	sadd.s32 $0x1, s3;
	_ =	swait.ge [sflag:s21], $0x800  }
0xcd: {  	p0 =	sne.s32 s3, s19;
	[sflag:s21] =	ssyncset.done $0x0  }
.Ltmp3:
0xce: {  	s31 =	sshrl.u32 s9, $0x3;
	[sflag:s21] =	ssyncadd.s32 $0xFFFFF800;
	(pc) =	sbr.rel @p0 .LBB2_1-.Ltmp3, $4  }
0xcf: {  	[hbm:s18], [sflag:s0] =	dma.local [spmem:s31], $0x800  }
0xd0: {  	_ =	swait.ge [sflag:s21], $0x800  }
0xd1: {  	[sflag:s21] =	ssyncset.done $0x0  }
0xd2: {  	[sflag:s21] =	ssyncadd.s32 $0xFFFFF800  }
0xd3: {  	_ =	sfence.sel $0x180000  }
0xd4: {  	[bflag:$0x0] =	sbarrier.arrive $0xFFFF  }
0xd5: {  	_ =	strace $0x9000004A  }
0xd6: {  	s0 =	stileid.u32;
	[bflag:$0x2] =	sbarrier.arrive $0xFFFF  }
0xd7: {  	p0 =	sne.s32 s0, $0x0;
	s0 =	rddreg [dreg:$0x3]  }
0xd8: {  	s0 =	sadd.s32 @!p0 $0x100000, s0  }
0xd9: {  	[sflag:s0] =	ssyncadd.tile.s32 @!p0 $0x1;
	_ =	shalt  }
.Lfunc_end2:
_tile_overlayer_lowered:
.L_overlay_start_2:
0xda: {  	(tag) =	ssettag $0x2  }
0xdb: {  	s0 =	rddreg [dreg:$0x0];
	s2 =	stileid.u32  }
0xdc: {  	s1 =	rddreg [dreg:$0x1];
	p0 =	sne.s32 s2, $0x0  }
0xdd: {  	s3 =	rddreg [dreg:$0x2];
	[bflag:$0x3] =	sbarrier.arrive $0xFFFF;
	s2 =	simm.s32 @!p0 $0x1C03  }
0xde: {  	[timem:s3], [sflag:s2] =	dma.local @!p0 [hbm:s0], s1  }
0xdf: {  	s0 =	simm.s32 @!p0 $0x3  }
0xe0: {  	_ =	swait.ge @!p0 [sflag:s0], s1  }
0xe1: {  	s1 =	ssub.s32 @!p0 $0x0, s1;
	[sflag:s0] =	ssyncset.done @!p0 $0x0  }
0xe2: {  	[sflag:s0] =	ssyncadd.s32 @!p0 s1  }
0xe3: {  	[bflag:$0x3] =	sbarrier.arrive $0xFFFF  }
0xe4: {  	_ =	shalt  }

// kernel: kernel.14.cloned.1.call-start
scs
__scs_entry_jumppad:
0x0: {  	(pc) =	sbr.rel $0x88, $3  }
0x1: {  	(tag) =	ssettag $0x0;
	lr =	simm.s32 $0x1  }
0x2: {  	[smem:$0x3F98] =	sst lr;
	_ =	strace $0xD0000000  }
0x3: {  	_ = 	snop  }
0x4: {  	_ = 	snop  }
0x5: {  	_ = 	snop  }
0x6: {  	_ = 	snop  }
0x7: {  	_ = 	snop  }
__scs_overlays_trampoline_lowered:
0x8: {  	[smem:$0x3FA7] =	sst s0  }
0x9: {  	[smem:$0x3FA8] =	sst s1  }
0xa: {  	[smem:$0x3FA9] =	sst s2  }
0xb: {  	[smem:$0x3FAA] =	sst s3  }
0xc: {  	[smem:$0x3FAB] =	sst s4  }
0xd: {  	[smem:$0x3FAC] =	sst s5  }
0xe: {  	[smem:$0x3FAD] =	sst s6  }
0xf: {  	[smem:$0x3FAE] =	sst s7  }
0x10: {  	[smem:$0x3FAF] =	sst s8  }
0x11: {  	[smem:$0x3FB0] =	sst s9;
	s0 =	simm.s32 @!p0 $0x0  }
0x12: {  	s1 =	sld [smem:$0x3F96];
	s0 =	simm.s32 @p0 $0x1  }
0x13: {  	[smem:$0x3FB1] =	sst s0;
	s0 =	simm.s32 @!p1 $0x0  }
0x14: {  	s2 =	sld [smem:$0x3F95];
	s0 =	simm.s32 @p1 $0x1  }
0x15: {  	[smem:$0x3FB2] =	sst s0;
	s0 =	simm.s32 @!p2 $0x0  }
0x16: {  	s3 =	sld [smem:$0x3FDB];
	s0 =	simm.s32 @p2 $0x1  }
0x17: {  	s4 =	simm.s32 $0x1BF5;
	[smem:$0x3FB4] =	sst s0  }
0x18: {  	s0 =	sld [smem:$0x3F97];
	_ =	swait.ge [sflag:s4], $0x0  }
0x19: {  	s7 =	sld [smem:$0x3F98]  }
0x1a: {  	s8 =	sadd.s32 $0xFFFFE003, lr  }
0x1b: {  	s9 =	sadd.s32 $0xFFFFFEF7, lr;
	s5 =	simm.s32 $0xFFFFFFFF;
	p2 =	slt.u32 s8, $0xFFFFF086  }
0x1c: {  	p1 =	slt.u32 s9, $0xF7A;
	s5 =	simm.s32 @!p2 $0x0  }
0x1d: {  	s5 =	simm.s32 @p1 $0x1;
	p0 =	seq.s32 s7, s2  }
0x1e: {  	s7 =	smul.u32 @!p0 $0xF7A, s2;
	p2 =	seq.s32 @!p0 s5, $0x0  }
0x1f: {  	s9 =	smul.u32 $0xF7A, s1;
	s8 =	simm.s32 @!p0 $0x1BF5;
	p2 =	por !p2, p0  }
0x20: {  	[sflag:s8] =	ssyncset.s32 @!p0 $0xFFFFF086;
	s6 =	sadd.s32 @!p0 s3, s7;
	s7 =	simm.s32 @!p0 $0x108  }
0x21: {  	s3 =	sadd.s32 s3, s9;
	s6 =	sadd.s32 @!p0 $0x88, s6;
	s7 =	simm.s32 @p2 $0x1082  }
0x22: {  	[simem:s7], [sflag:s8] =	dma.local @!p0 [hbm:s6], $0xF7A  }
0x23: {  	s9 =	sor.u32 $0xD0000000, s2;
	s6 =	simm.s32 $0x108;
	_ =	swait.ge @!p0 [sflag:s8], $0x0  }
0x24: {  	s3 =	sadd.s32 $0x88, s3;
	s6 =	simm.s32 @!p1 $0x1082;
	[sflag:s4] =	ssyncset.s32 $0xFFFFF086  }
0x25: {  	[simem:s6], [sflag:s4] =	dma.local [hbm:s3], $0xF7A  }
0x26: {  	[smem:$0x3F98] =	sst s1;
	(tag) =	ssettag s2;
	_ =	strace s9  }
0x27: {  	s1 =	sld [smem:$0x3FA8]  }
0x28: {  	s2 =	sld [smem:$0x3FA9]  }
0x29: {  	s4 =	sld [smem:$0x3FAB]  }
0x2a: {  	p0 =	seq.s32 s5, $0x0;
	s5 =	sld [smem:$0x3FAC]  }
0x2b: {  	s6 =	sld [smem:$0x3FAD]  }
0x2c: {  	s7 =	sld [smem:$0x3FAE]  }
0x2d: {  	s3 =	simm.s32 $0x108;
	s8 =	sld [smem:$0x3FAF]  }
0x2e: {  	s3 =	simm.s32 @!p0 $0x1082;
	s9 =	sld [smem:$0x3FB0]  }
0x2f: {  	lr =	sadd.s32 s0, s3;
	s0 =	sld [smem:$0x3FA7]  }
0x30: {  	s3 =	sld [smem:$0x3FAA]  }
0x31: {  	[smem:$0x3FB3] =	sst s10  }
0x32: {  	s10 =	sld [smem:$0x3FB1];
	_ =	sdelay $0x3  }
0x33: {  	p0 =	seq.s32 s10, $0x1;
	s10 =	sld [smem:$0x3FB3];
	_ =	sdelay $0x3  }
0x34: {  	[smem:$0x3FB3] =	sst s10  }
0x35: {  	s10 =	sld [smem:$0x3FB2];
	_ =	sdelay $0x3  }
0x36: {  	p1 =	seq.s32 s10, $0x1;
	s10 =	sld [smem:$0x3FB3];
	_ =	sdelay $0x3  }
0x37: {  	[smem:$0x3FB3] =	sst s10  }
0x38: {  	s10 =	sld [smem:$0x3FB4]  }
0x39: {  	_ = 	snop;
	(pc) =	sbr.ind lr, $3  }
0x3a: {  	_ = 	snop  }
0x3b: {  	_ = 	snop  }
0x3c: {  	p2 =	seq.s32 s10, $0x1;
	s10 =	sld [smem:$0x3FB3]  }
0x3d: {  	_ =	shalt  }
0x3e: {  	_ =	shalt  }
0x3f: {  	_ =	shalt  }
0x40: {  	_ =	shalt  }
0x41: {  	_ =	shalt  }
0x42: {  	_ =	shalt  }
0x43: {  	_ =	shalt  }
0x44: {  	_ =	shalt  }
0x45: {  	_ =	shalt  }
0x46: {  	_ =	shalt  }
0x47: {  	_ =	shalt  }
0x48: {  	_ =	shalt  }
0x49: {  	_ =	shalt  }
0x4a: {  	_ =	shalt  }
0x4b: {  	_ =	shalt  }
0x4c: {  	_ =	shalt  }
0x4d: {  	_ =	shalt  }
0x4e: {  	_ =	shalt  }
0x4f: {  	_ =	shalt  }
0x50: {  	_ =	shalt  }
0x51: {  	_ =	shalt  }
0x52: {  	_ =	shalt  }
0x53: {  	_ =	shalt  }
0x54: {  	_ =	shalt  }
0x55: {  	_ =	shalt  }
0x56: {  	_ =	shalt  }
0x57: {  	_ =	shalt  }
0x58: {  	_ =	shalt  }
0x59: {  	_ =	shalt  }
0x5a: {  	_ =	shalt  }
0x5b: {  	_ =	shalt  }
0x5c: {  	_ =	shalt  }
0x5d: {  	_ =	shalt  }
0x5e: {  	_ =	shalt  }
0x5f: {  	_ =	shalt  }
0x60: {  	_ =	shalt  }
0x61: {  	_ =	shalt  }
0x62: {  	_ =	shalt  }
0x63: {  	_ =	shalt  }
0x64: {  	_ =	shalt  }
0x65: {  	_ =	shalt  }
0x66: {  	_ =	shalt  }
0x67: {  	_ =	shalt  }
0x68: {  	_ =	shalt  }
0x69: {  	_ =	shalt  }
0x6a: {  	_ =	shalt  }
0x6b: {  	_ =	shalt  }
0x6c: {  	_ =	shalt  }
0x6d: {  	_ =	shalt  }
0x6e: {  	_ =	shalt  }
0x6f: {  	_ =	shalt  }
0x70: {  	_ =	shalt  }
0x71: {  	_ =	shalt  }
0x72: {  	_ =	shalt  }
0x73: {  	_ =	shalt  }
0x74: {  	_ =	shalt  }
0x75: {  	_ =	shalt  }
0x76: {  	_ =	shalt  }
0x77: {  	_ =	shalt  }
0x78: {  	_ =	shalt  }
0x79: {  	_ =	shalt  }
0x7a: {  	_ =	shalt  }
0x7b: {  	_ =	shalt  }
0x7c: {  	_ =	shalt  }
0x7d: {  	_ =	shalt  }
0x7e: {  	_ =	shalt  }
0x7f: {  	_ =	shalt  }
0x80: {  	_ =	shalt  }
0x81: {  	_ =	shalt  }
0x82: {  	_ =	shalt  }
0x83: {  	_ =	shalt  }
0x84: {  	_ =	shalt  }
0x85: {  	_ =	shalt  }
0x86: {  	_ =	shalt  }
0x87: {  	_ =	shalt  }
.Lfunc_end0:
.L_simem_size_0:
called_computation.2_lowered:
.L_overlay_start_0:
0x88: {  	s2 =	sld [smem:$0x3FD9]  }
0x89: {  	s3 =	sld [smem:$0x3FFE];
	_ =	sdelay $0x1  }
0x8a: {  	s1 =	srdreg.scid  }
0x8b: {  	s0 =	sand.u32 $0x1, s1  }
0x8c: {  	s17 =	sshll.u32 s0, $0xA;
	s2 =	sadd.s32 s3, s2  }
0x8d: {  	s2 =	sadd.s32 s2, s17  }
0x8e: {  	[smem:$0x3FBF] =	sst s2  }
0x8f: {  	_ = 	snop  }
0x90: {  	s2 =	sld [smem:$0x3FD0];
	(tm) =	ssettm $0x1  }
0x91: {  	s18 =	sld [smem:$0x3FFB];
	_ =	sdelay $0x3  }
0x92: {  	_ =	strace s18  }
0x93: {  	s3 =	sld [smem:$0x3FFC];
	_ =	sdelay $0x3  }
0x94: {  	_ =	strace s3  }
0x95: {  	s3 =	sld [smem:$0x3FFD];
	_ =	sdelay $0x3  }
0x96: {  	_ =	strace s3  }
0x97: {  	_ =	strace $0x8FFFFFFF  }
0x98: {  	s19 =	sld [smem:$0x3FDB];
	_ =	sdelay $0x1  }
0x99: {  	s4 =	simm.s32 $_scs_section_size  }
0x9a: {  	s5 =	simm.s32 $_size__tile_overlayer_lowered;
	s6 =	simm.s32 $_tile_overlayer_lowered  }
0x9b: {  	s22 =	simm.s32 $0x1BFF;
	s21 =	sshll.u32 s6, $0x1;
	s3 =	sadd.s32 s4, s19  }
0x9c: {  	s7 =	simm.s32 $0x0;
	s20 =	sshll.u32 s5, $0x1;
	s5 =	sadd.s32 s21, s3  }
0x9d: {  	[timem:s7], [sflag:s22] =	dma.local [hbm:s5], s20  }
0x9e: {  	_ =	swait.ge [sflag:s22], s20  }
0x9f: {  	s4 =	ssub.s32 $0x0, s20;
	[sflag:s22] =	ssyncset.done $0x0  }
0xa0: {  	[sflag:s22] =	ssyncadd.s32 s4;
	_ =	sdelay $0x1  }
0xa1: {  	s23 =	simm.s32 $0x1B8B  }
0xa2: {  	_ =	swait.ge [sflag:s23], $0x1  }
0xa3: {  	[sflag:s23] =	ssyncset.done $0x0  }
0xa4: {  	s25 =	simm.s32 $0x1B8E;
	s24 =	sld [smem:$0x3FFE];
	[sflag:s23] =	ssyncadd.s32 $0xFFFFFFFF  }
0xa5: {  	s26 =	simm.s32 $execute0_lowered;
	[smem:$0x3FD2] =	sst s25  }
0xa6: {  	s5 =	sshll.u32 s26, $0x1;
	_ =	strace $0x8000004C;
	[dreg:$0x1] =	wrdreg $0xFFFFFFFF  }
0xa7: {  	s28 =	simm.s32 $_size_execute0_lowered;
	s3 =	sadd.s32 s3, s5;
	[dreg:$0x0] =	wrdreg $0x0  }
0xa8: {  	s5 =	sshll.u32 s28, $0x1;
	[dreg:$0x2] =	wrdreg s3  }
0xa9: {  	[dreg:$0x3] =	wrdreg s5  }
0xaa: {  	[dreg:$0x4] =	wrdreg $0xC0  }
0xab: {  	_ =	task [dreg:s7], $0x5FFFF  }
0xac: {  	[dreg:$0x1] =	wrdreg $0xFFFFFFFF  }
0xad: {  	[dreg:$0x0] =	wrdreg $0x60  }
0xae: {  	[dreg:$0x2] =	wrdreg s2  }
0xaf: {  	[dreg:$0x3] =	wrdreg s24  }
0xb0: {  	[dreg:$0x4] =	wrdreg $0xA8000  }
0xb1: {  	[dreg:$0x5] =	wrdreg $0x9  }
0xb2: {  	_ =	task.clear_ibuf [dreg:s7], $0x6FFFF;
	_ =	strace $0x9000004C  }
0xb3: {  	s29 =	simm.s32 $0x9;
	_ =	strace $0x8000004E  }
0xb4: {  	_ =	swait.ge [sflag:s29], $0x1  }
0xb5: {  	[sflag:s29] =	ssyncadd.s32 $0xFFFFFFFF  }
0xb6: {  	_ =	strace $0x9000004E  }
0xb7: {  	_ =	sfence  }
0xb8: {  	s30 =	sld [smem:$0x0];
	_ =	sdelay $0x2  }
0xb9: {  	s31 =	sshll.u32 s1, $0xD;
	s1 =	sshrl.u32 s1, $0x2  }
0xba: {  	s3 =	sand.u32 $0x4000, s31;
	s1 =	sadd.s32 s1, s30  }
0xbb: {  	s0 =	sor.u32 s3, s0;
	s1 =	sshll.u32 s1, $0x11  }
0xbc: {  	s0 =	sor.u32 s1, s0  }
0xbd: {  	s0 =	sadd.s32 $0x8F2B, s0  }
0xbe: {  	[sflag:s0] =	ssyncadd.remote.s32 $0x1  }
0xbf: {  	_ =	sfence.sel $0xFFFF  }
0xc0: {  	[dreg:$0x0] =	wrdreg $0xFFFFFFFF;
	(pc) =	sbr.abs _section_cstart, $3  }
0xc1: {  	[dreg:$0x1] =	wrdreg $0xFFFFFFFF  }
0xc2: {  	_ =	task.clear_ibuf [dreg:s7], $0x2FFFF;
	_ =	strace $0x9FFFFFFF  }
0xc3: {  	(tm) =	ssettm $0x7FFFFFFF  }
tec
execute0_lowered:
.L_overlay_start_1:
0x0: {  	(tag) =	ssettag $0x1  }
0x1: {  	s1 =	rddreg [dreg:$0x0]  }
0x2: {  	s0 =	rddreg [dreg:$0x1]  }
0x3: {  	s2 =	rddreg [dreg:$0x2];
	s3 =	simm.s32 $0x0  }
0x4: {  	s5 =	srdreg.scid;
	s4 =	stileid.u32;
	s22 =	simm.s32 $0x1400  }
0x5: {  	s23 =	simm.s32 $0x80;
	s24 =	simm.s32 $0x1;
	s25 =	simm.s32 $0x6800  }
0x6: {  	s28 =	simm.s32 $0x1380;
	s29 =	simm.s32 $0x2700;
	s30 =	simm.s32 $0x2780  }
0x7: {  	[smem:$0x7FF] =	sst s3;
	s12 =	sadd.s32 $0x2600, s0;
	s9 =	sand.u32 $0x1, s5  }
0x8: {  	s13 =	sadd.s32 $0xC600, s0;
	s6 =	smul.u32 $0x50000, s4;
	s0 =	sadd.s32 $0x16600, s0  }
0x9: {  	s14 =	smul.u32 $0x14000, s4;
	s26 =	sshll.u32 s4, $0x1;
	_ =	strace $0x8000004D  }
0xa: {  	s5 =	ssub.s32 $0x2, s9;
	s8 =	sor.u32 s9, s26;
	s21 =	smul.u32 $0x140000, s9  }
0xb: {  	s26 =	simm.s32 $0x2;
	s7 =	sshrl.u32 s5, $0x1;
	s6 =	sshrl.u32 s6, $0x2  }
0xc: {  	s15 =	sadd.s32 $0x4000, s14;
	s16 =	sadd.s32 $0x8000, s14;
	s11 =	smul.u32 $0x500, s8  }
0xd: {  	s17 =	sadd.s32 $0xC000, s14;
	s18 =	smul.u32 $0x2800, s8;
	s20 =	sadd.s32 $0x10000, s14  }
0xe: {  	s19 =	ssub.s32 s5, s7;
	s5 =	sadd.s32 s6, s2;
	s6 =	sadd.s32 s15, s2  }
0xf: {  	s7 =	sadd.s32 s16, s2;
	s8 =	sadd.s32 s17, s2;
	s9 =	sadd.s32 s20, s2  }
0x10: {  	s14 =	sadd.s32 s14, s21;
	s15 =	sadd.s32 s21, s15;
	s16 =	sadd.s32 s21, s16  }
0x11: {  	s17 =	sadd.s32 s21, s17;
	s31 =	sadd.s32 s21, s20;
	s20 =	simm.s32 $0x2800  }
0x12: {  	s21 =	simm.s32 $0x3;
	s10 =	sadd.s32 s12, s11;
	s18 =	sshrl.u32 s18, $0x3  }
0x13: {  	s11 =	sadd.s32 s13, s11;
	s14 =	sshrl.u32 s14, $0x3;
	s15 =	sshrl.u32 s15, $0x3  }
0x14: {  	s16 =	sshrl.u32 s16, $0x3;
	s17 =	sshrl.u32 s17, $0x3;
	s19 =	smax.u32 s19, $0x1  }
0x15: {  	s18 =	sadd.s32 $0x280, s18;
	s14 =	sadd.s32 s0, s14;
	s15 =	sadd.s32 s0, s15  }
0x16: {  	s12 =	sadd.s32 s12, s18;
	s13 =	sadd.s32 s13, s18;
	s18 =	sshrl.u32 s31, $0x3  }
0x17: {  	v0 =	vimm.f32 $0.0e+00;
	s16 =	sadd.s32 s0, s16;
	s17 =	sadd.s32 s0, s17;
	s18 =	sadd.s32 s0, s18  }
.LBB2_1:
0x18: {  	s31 =	simm.s32 $0x0;
	s0 =	simm.s32 $0x200  }
.LBB2_2:
0x19: {  	p0 =	sne.s32 s0, $0xFE00;
	[tilespmem:s31+$0x2870] =	vst v0  }
0x1a: {  	[tilespmem:s31+$0x2800] =	vst v0  }
0x1b: {  	[tilespmem:s31+$0x2810] =	vst v0  }
.Ltmp0:
0x1c: {  	[tilespmem:s31+$0x2820] =	vst v0;
	(pc) =	sbr.rel @p0 .LBB2_2-.Ltmp0, $4  }
0x1d: {  	[tilespmem:s31+$0x2830] =	vst v0  }
0x1e: {  	[tilespmem:s31+$0x2840] =	vst v0  }
0x1f: {  	[tilespmem:s31+$0x2850] =	vst v0  }
0x20: {  	[tilespmem:s31+$0x2860] =	vst v0;
	s31 =	sshra.s32 s0, $0x2;
	s0 =	sadd.s32 $0x200, s0  }
0x21: {  	[tilespmem:s31+$0x2870] =	vst v0  }
0x22: {  	[tilespmem:s31+$0x2800] =	vst v0  }
0x23: {  	[tilespmem:s31+$0x2810] =	vst v0  }
0x24: {  	[tilespmem:s31+$0x2820] =	vst v0  }
0x25: {  	[tilespmem:s31+$0x2830] =	vst v0  }
0x26: {  	[tilespmem:s31+$0x2840] =	vst v0  }
0x27: {  	[tilespmem:s31+$0x2850] =	vst v0  }
0x28: {  	[tilespmem:s31+$0x2860] =	vst v0  }
0x29: {  	[spmem:s5] =	stream.linear.scatter [tilespmem:s20], [sflag:$0x3], $0x4000, $0x38;
	[tilespmem:$0x1E800] =	vst v63  }
0x2a: {  	_ =	swait.ge [sflag:s21], $0x4000  }
0x2b: {  	[sflag:s21] =	ssyncset.done $0x0  }
0x2c: {  	[sflag:s21] =	ssyncadd.s32 $0xFFFFC000  }
0x2d: {  	[spmem:s6] =	stream.linear.scatter [tilespmem:s20], [sflag:$0x3], $0x4000, $0x38;
	[tilespmem:$0x1E800] =	vst v63  }
0x2e: {  	_ =	swait.ge [sflag:s21], $0x4000  }
0x2f: {  	[sflag:s21] =	ssyncset.done $0x0  }
0x30: {  	[sflag:s21] =	ssyncadd.s32 $0xFFFFC000  }
0x31: {  	[spmem:s7] =	stream.linear.scatter [tilespmem:s20], [sflag:$0x3], $0x4000, $0x38;
	[tilespmem:$0x1E800] =	vst v63  }
0x32: {  	_ =	swait.ge [sflag:s21], $0x4000  }
0x33: {  	[sflag:s21] =	ssyncset.done $0x0  }
0x34: {  	[sflag:s21] =	ssyncadd.s32 $0xFFFFC000  }
0x35: {  	[spmem:s8] =	stream.linear.scatter [tilespmem:s20], [sflag:$0x3], $0x4000, $0x38;
	[tilespmem:$0x1E800] =	vst v63  }
0x36: {  	_ =	swait.ge [sflag:s21], $0x4000  }
0x37: {  	[sflag:s21] =	ssyncset.done $0x0  }
0x38: {  	[sflag:s21] =	ssyncadd.s32 $0xFFFFC000  }
0x39: {  	[spmem:s9] =	stream.linear.scatter [tilespmem:s20], [sflag:$0x3], $0x4000, $0x38;
	[tilespmem:$0x1E800] =	vst v63  }
0x3a: {  	_ =	swait.ge [sflag:s21], $0x4000  }
0x3b: {  	[sflag:s21] =	ssyncset.done $0x0  }
0x3c: {  	[sflag:s21] =	ssyncadd.s32 $0xFFFFC000  }
0x3d: {  	s0 =	simm.s32 $0x0;
	[bflag:$0x0] =	sbarrier.arrive $0xFFFF  }
0x3e: {  	[tilespmem:s0], [sflag:$0x3] =	stream.linear.gather [hbm4b:s10+s0], $0x1400, $0x38;
	[tilespmem:$0x1E800] =	vst v63  }
0x3f: {  	_ =	swait.ge [sflag:s21], $0x1400  }
0x40: {  	[sflag:s21] =	ssyncset.done $0x0  }
0x41: {  	[sflag:s21] =	ssyncadd.s32 $0xFFFFEC00  }
0x42: {  	[tilespmem:s22], [sflag:$0x3] =	stream.linear.gather [hbm4b:s11+s0], $0x1400, $0x38;
	[tilespmem:$0x1E800] =	vst v63  }
0x43: {  	_ =	swait.ge [sflag:s21], $0x1400  }
0x44: {  	[sflag:s21] =	ssyncset.done $0x0  }
0x45: {  	[sflag:s21] =	ssyncadd.s32 $0xFFFFEC00  }
0x46: {  	[tilespmem:s20], [sflag:$0x1] =	stream.indirect.gather [hbm4b:s1+s23], $0x80, s0, s23, $0xb8;
	[tilespmem:$0x1E800] =	vst v63  }
0x47: {  	_ =	swait.ge [sflag:s24], $0x4000  }
0x48: {  	[sflag:s24] =	ssyncset.done $0x0  }
0x49: {  	s4 =	simm.s32 $0x80;
	[sflag:s24] =	ssyncadd.s32 $0xFFFFC000  }
0x4a: {  	[tilespmem:s25], [sflag:$0x2] =	stream.indirect.gather [hbm4b:s1+s23], $0x80, s4, s23, $0xb8;
	[tilespmem:$0x1E800] =	vst v63  }
0x4b: {  	s4 =	simm.s32 $0x1400  }
0x4c: {  	[spmem:s2] =	stream.indirect.scatter.add.f32 [tilespmem:s20], [sflag:$0x3], $0x80, s4, s23, $0xb8;
	[tilespmem:$0x1E800] =	vst v63  }
0x4d: {  	_ =	swait.ge [sflag:s21], $0x4000  }
0x4e: {  	[sflag:s21] =	ssyncset.done $0x0  }
0x4f: {  	[sflag:s21] =	ssyncadd.s32 $0xFFFFC000  }
0x50: {  	_ =	swait.ge [sflag:s26], $0x4000  }
0x51: {  	[sflag:s26] =	ssyncset.done $0x0  }
0x52: {  	s4 =	simm.s32 $0x100;
	[sflag:s26] =	ssyncadd.s32 $0xFFFFC000  }
0x53: {  	[tilespmem:s20], [sflag:$0x1] =	stream.indirect.gather [hbm4b:s1+s23], $0x80, s4, s23, $0xb8;
	[tilespmem:$0x1E800] =	vst v63  }
0x54: {  	s4 =	simm.s32 $0x1480  }
0x55: {  	[spmem:s2] =	stream.indirect.scatter.add.f32 [tilespmem:s25], [sflag:$0x3], $0x80, s4, s23, $0xb8;
	[tilespmem:$0x1E800] =	vst v63  }
0x56: {  	_ =	swait.ge [sflag:s21], $0x4000  }
0x57: {  	s31 =	simm.s32 $0x400;
	[sflag:s21] =	ssyncset.done $0x0  }
.LBB2_4:
0x58: {  	p0 =	sne.s32 s31, $0x4800  }
0x59: {  	[sflag:s21] =	ssyncadd.s32 $0xFFFFC000;
	s0 =	smov.u32 s31;
	s31 =	sadd.s32 $0x400, s31  }
0x5a: {  	_ = 	snop  }
0x5b: {  	_ =	swait.ge [sflag:s24], $0x4000  }
0x5c: {  	s0 =	sshra.s32 s0, $0x2;
	[sflag:s24] =	ssyncset.done $0x0  }
0x5d: {  	s4 =	sadd.s32 $0x80, s0;
	[sflag:s24] =	ssyncadd.s32 $0xFFFFC000  }
0x5e: {  	[tilespmem:s25], [sflag:$0x2] =	stream.indirect.gather [hbm4b:s1+s23], $0x80, s4, s23, $0xb8;
	[tilespmem:$0x1E800] =	vst v63  }
0x5f: {  	s4 =	sadd.s32 $0x1400, s0  }
0x60: {  	[spmem:s2] =	stream.indirect.scatter.add.f32 [tilespmem:s20], [sflag:$0x3], $0x80, s4, s23, $0xb8;
	[tilespmem:$0x1E800] =	vst v63  }
0x61: {  	_ =	swait.ge [sflag:s21], $0x4000  }
0x62: {  	[sflag:s21] =	ssyncset.done $0x0  }
0x63: {  	[sflag:s21] =	ssyncadd.s32 $0xFFFFC000  }
0x64: {  	_ =	swait.ge [sflag:s26], $0x4000  }
0x65: {  	[sflag:s26] =	ssyncset.done $0x0  }
0x66: {  	s4 =	sadd.s32 $0x100, s0;
	[sflag:s26] =	ssyncadd.s32 $0xFFFFC000  }
0x67: {  	[tilespmem:s20], [sflag:$0x1] =	stream.indirect.gather [hbm4b:s1+s23], $0x80, s4, s23, $0xb8;
	[tilespmem:$0x1E800] =	vst v63  }
.Ltmp1:
0x68: {  	_ = 	snop;
	(pc) =	sbr.rel @p0 .LBB2_4-.Ltmp1, $4  }
0x69: {  	s0 =	sadd.s32 $0x1480, s0  }
0x6a: {  	[spmem:s2] =	stream.indirect.scatter.add.f32 [tilespmem:s25], [sflag:$0x3], $0x80, s0, s23, $0xb8;
	[tilespmem:$0x1E800] =	vst v63  }
0x6b: {  	_ =	swait.ge [sflag:s21], $0x4000  }
0x6c: {  	[sflag:s21] =	ssyncset.done $0x0  }
0x6d: {  	[sflag:s21] =	ssyncadd.s32 $0xFFFFC000  }
0x6e: {  	_ =	swait.ge [sflag:s24], $0x4000  }
0x6f: {  	[sflag:s24] =	ssyncset.done $0x0  }
0x70: {  	[sflag:s24] =	ssyncadd.s32 $0xFFFFC000  }
0x71: {  	[tilespmem:s25], [sflag:$0x2] =	stream.indirect.gather [hbm4b:s1+s23], $0x80, s28, s23, $0xb8;
	[tilespmem:$0x1E800] =	vst v63  }
0x72: {  	_ = 	snop  }
0x73: {  	[spmem:s2] =	stream.indirect.scatter.add.f32 [tilespmem:s20], [sflag:$0x3], $0x80, s29, s23, $0xb8;
	[tilespmem:$0x1E800] =	vst v63  }
0x74: {  	_ =	swait.ge [sflag:s21], $0x4000  }
0x75: {  	[sflag:s21] =	ssyncset.done $0x0  }
0x76: {  	[sflag:s21] =	ssyncadd.s32 $0xFFFFC000  }
0x77: {  	_ =	swait.ge [sflag:s26], $0x4000  }
0x78: {  	[sflag:s26] =	ssyncset.done $0x0  }
0x79: {  	[sflag:s26] =	ssyncadd.s32 $0xFFFFC000  }
0x7a: {  	[spmem:s2] =	stream.indirect.scatter.add.f32 [tilespmem:s25], [sflag:$0x3], $0x80, s30, s23, $0xb8;
	[tilespmem:$0x1E800] =	vst v63  }
0x7b: {  	_ =	swait.ge [sflag:s21], $0x4000  }
0x7c: {  	[sflag:s21] =	ssyncset.done $0x0  }
0x7d: {  	s0 =	simm.s32 $0x0;
	[sflag:s21] =	ssyncadd.s32 $0xFFFFC000  }
0x7e: {  	[tilespmem:s0], [sflag:$0x3] =	stream.linear.gather [hbm4b:s12+s0], $0x1400, $0x38;
	[tilespmem:$0x1E800] =	vst v63  }
0x7f: {  	_ =	swait.ge [sflag:s21], $0x1400  }
0x80: {  	[sflag:s21] =	ssyncset.done $0x0  }
0x81: {  	[sflag:s21] =	ssyncadd.s32 $0xFFFFEC00  }
0x82: {  	[tilespmem:s22], [sflag:$0x3] =	stream.linear.gather [hbm4b:s13+s0], $0x1400, $0x38;
	[tilespmem:$0x1E800] =	vst v63  }
0x83: {  	_ =	swait.ge [sflag:s21], $0x1400  }
0x84: {  	[sflag:s21] =	ssyncset.done $0x0  }
0x85: {  	[sflag:s21] =	ssyncadd.s32 $0xFFFFEC00  }
0x86: {  	[tilespmem:s20], [sflag:$0x1] =	stream.indirect.gather [hbm4b:s1+s23], $0x80, s0, s23, $0xb8;
	[tilespmem:$0x1E800] =	vst v63  }
0x87: {  	_ =	swait.ge [sflag:s24], $0x4000  }
0x88: {  	[sflag:s24] =	ssyncset.done $0x0  }
0x89: {  	s4 =	simm.s32 $0x80;
	[sflag:s24] =	ssyncadd.s32 $0xFFFFC000  }
0x8a: {  	[tilespmem:s25], [sflag:$0x2] =	stream.indirect.gather [hbm4b:s1+s23], $0x80, s4, s23, $0xb8;
	[tilespmem:$0x1E800] =	vst v63  }
0x8b: {  	s4 =	simm.s32 $0x1400  }
0x8c: {  	[spmem:s2] =	stream.indirect.scatter.add.f32 [tilespmem:s20], [sflag:$0x3], $0x80, s4, s23, $0xb8;
	[tilespmem:$0x1E800] =	vst v63  }
0x8d: {  	_ =	swait.ge [sflag:s21], $0x4000  }
0x8e: {  	[sflag:s21] =	ssyncset.done $0x0  }
0x8f: {  	[sflag:s21] =	ssyncadd.s32 $0xFFFFC000  }
0x90: {  	_ =	swait.ge [sflag:s26], $0x4000  }
0x91: {  	[sflag:s26] =	ssyncset.done $0x0  }
0x92: {  	s4 =	simm.s32 $0x100;
	[sflag:s26] =	ssyncadd.s32 $0xFFFFC000  }
0x93: {  	[tilespmem:s20], [sflag:$0x1] =	stream.indirect.gather [hbm4b:s1+s23], $0x80, s4, s23, $0xb8;
	[tilespmem:$0x1E800] =	vst v63  }
0x94: {  	s4 =	simm.s32 $0x1480  }
0x95: {  	[spmem:s2] =	stream.indirect.scatter.add.f32 [tilespmem:s25], [sflag:$0x3], $0x80, s4, s23, $0xb8;
	[tilespmem:$0x1E800] =	vst v63  }
0x96: {  	_ =	swait.ge [sflag:s21], $0x4000  }
0x97: {  	s31 =	simm.s32 $0x400;
	[sflag:s21] =	ssyncset.done $0x0  }
.LBB2_6:
0x98: {  	p0 =	sne.s32 s31, $0x4800  }
0x99: {  	[sflag:s21] =	ssyncadd.s32 $0xFFFFC000;
	s0 =	smov.u32 s31;
	s31 =	sadd.s32 $0x400, s31  }
0x9a: {  	_ = 	snop  }
0x9b: {  	_ =	swait.ge [sflag:s24], $0x4000  }
0x9c: {  	s0 =	sshra.s32 s0, $0x2;
	[sflag:s24] =	ssyncset.done $0x0  }
0x9d: {  	s4 =	sadd.s32 $0x80, s0;
	[sflag:s24] =	ssyncadd.s32 $0xFFFFC000  }
0x9e: {  	[tilespmem:s25], [sflag:$0x2] =	stream.indirect.gather [hbm4b:s1+s23], $0x80, s4, s23, $0xb8;
	[tilespmem:$0x1E800] =	vst v63  }
0x9f: {  	s4 =	sadd.s32 $0x1400, s0  }
0xa0: {  	[spmem:s2] =	stream.indirect.scatter.add.f32 [tilespmem:s20], [sflag:$0x3], $0x80, s4, s23, $0xb8;
	[tilespmem:$0x1E800] =	vst v63  }
0xa1: {  	_ =	swait.ge [sflag:s21], $0x4000  }
0xa2: {  	[sflag:s21] =	ssyncset.done $0x0  }
0xa3: {  	[sflag:s21] =	ssyncadd.s32 $0xFFFFC000  }
0xa4: {  	_ =	swait.ge [sflag:s26], $0x4000  }
0xa5: {  	[sflag:s26] =	ssyncset.done $0x0  }
0xa6: {  	s4 =	sadd.s32 $0x100, s0;
	[sflag:s26] =	ssyncadd.s32 $0xFFFFC000  }
0xa7: {  	[tilespmem:s20], [sflag:$0x1] =	stream.indirect.gather [hbm4b:s1+s23], $0x80, s4, s23, $0xb8;
	[tilespmem:$0x1E800] =	vst v63  }
.Ltmp2:
0xa8: {  	_ = 	snop;
	(pc) =	sbr.rel @p0 .LBB2_6-.Ltmp2, $4  }
0xa9: {  	s0 =	sadd.s32 $0x1480, s0  }
0xaa: {  	[spmem:s2] =	stream.indirect.scatter.add.f32 [tilespmem:s25], [sflag:$0x3], $0x80, s0, s23, $0xb8;
	[tilespmem:$0x1E800] =	vst v63  }
0xab: {  	_ =	swait.ge [sflag:s21], $0x4000  }
0xac: {  	[sflag:s21] =	ssyncset.done $0x0  }
0xad: {  	[sflag:s21] =	ssyncadd.s32 $0xFFFFC000  }
0xae: {  	_ =	swait.ge [sflag:s24], $0x4000  }
0xaf: {  	[sflag:s24] =	ssyncset.done $0x0  }
0xb0: {  	[sflag:s24] =	ssyncadd.s32 $0xFFFFC000  }
0xb1: {  	[tilespmem:s25], [sflag:$0x2] =	stream.indirect.gather [hbm4b:s1+s23], $0x80, s28, s23, $0xb8;
	[tilespmem:$0x1E800] =	vst v63  }
0xb2: {  	_ = 	snop  }
0xb3: {  	[spmem:s2] =	stream.indirect.scatter.add.f32 [tilespmem:s20], [sflag:$0x3], $0x80, s29, s23, $0xb8;
	[tilespmem:$0x1E800] =	vst v63  }
0xb4: {  	_ =	swait.ge [sflag:s21], $0x4000  }
0xb5: {  	[sflag:s21] =	ssyncset.done $0x0  }
0xb6: {  	[sflag:s21] =	ssyncadd.s32 $0xFFFFC000  }
0xb7: {  	_ =	swait.ge [sflag:s26], $0x4000  }
0xb8: {  	[sflag:s26] =	ssyncset.done $0x0  }
0xb9: {  	[sflag:s26] =	ssyncadd.s32 $0xFFFFC000  }
0xba: {  	[spmem:s2] =	stream.indirect.scatter.add.f32 [tilespmem:s25], [sflag:$0x3], $0x80, s30, s23, $0xb8;
	[tilespmem:$0x1E800] =	vst v63  }
0xbb: {  	_ =	swait.ge [sflag:s21], $0x4000  }
0xbc: {  	s0 =	stileid.u32;
	[sflag:s21] =	ssyncset.done $0x0  }
0xbd: {  	s0 =	sshll.u32 s0, $0x6;
	[sflag:s21] =	ssyncadd.s32 $0xFFFFC000  }
0xbe: {  	s4 =	sshrl.u32 s5, $0x3;
	s0 =	sor.u32 $0x1C03, s0;
	[bflag:$0x0] =	sbarrier.arrive $0xFFFF  }
0xbf: {  	[hbm:s14], [sflag:s0] =	dma.local [spmem:s4], $0x800  }
0xc0: {  	_ =	swait.ge [sflag:s21], $0x800  }
0xc1: {  	[sflag:s21] =	ssyncset.done $0x0  }
0xc2: {  	s31 =	sshrl.u32 s6, $0x3;
	[sflag:s21] =	ssyncadd.s32 $0xFFFFF800  }
0xc3: {  	[hbm:s15], [sflag:s0] =	dma.local [spmem:s31], $0x800  }
0xc4: {  	_ =	swait.ge [sflag:s21], $0x800  }
0xc5: {  	[sflag:s21] =	ssyncset.done $0x0  }
0xc6: {  	s31 =	sshrl.u32 s7, $0x3;
	[sflag:s21] =	ssyncadd.s32 $0xFFFFF800  }
0xc7: {  	[hbm:s16], [sflag:s0] =	dma.local [spmem:s31], $0x800  }
0xc8: {  	_ =	swait.ge [sflag:s21], $0x800  }
0xc9: {  	[sflag:s21] =	ssyncset.done $0x0  }
0xca: {  	s31 =	sshrl.u32 s8, $0x3;
	[sflag:s21] =	ssyncadd.s32 $0xFFFFF800  }
0xcb: {  	[hbm:s17], [sflag:s0] =	dma.local [spmem:s31], $0x800  }
0xcc: {  	s3 =	sadd.s32 $0x1, s3;
	_ =	swait.ge [sflag:s21], $0x800  }
0xcd: {  	p0 =	sne.s32 s3, s19;
	[sflag:s21] =	ssyncset.done $0x0  }
.Ltmp3:
0xce: {  	s31 =	sshrl.u32 s9, $0x3;
	[sflag:s21] =	ssyncadd.s32 $0xFFFFF800;
	(pc) =	sbr.rel @p0 .LBB2_1-.Ltmp3, $4  }
0xcf: {  	[hbm:s18], [sflag:s0] =	dma.local [spmem:s31], $0x800  }
0xd0: {  	_ =	swait.ge [sflag:s21], $0x800  }
0xd1: {  	[sflag:s21] =	ssyncset.done $0x0  }
0xd2: {  	[sflag:s21] =	ssyncadd.s32 $0xFFFFF800  }
0xd3: {  	_ =	sfence.sel $0x180000  }
0xd4: {  	[bflag:$0x0] =	sbarrier.arrive $0xFFFF  }
0xd5: {  	_ =	strace $0x9000004D  }
0xd6: {  	s0 =	stileid.u32;
	[bflag:$0x2] =	sbarrier.arrive $0xFFFF  }
0xd7: {  	p0 =	sne.s32 s0, $0x0;
	s0 =	rddreg [dreg:$0x3]  }
0xd8: {  	s0 =	sadd.s32 @!p0 $0x100000, s0  }
0xd9: {  	[sflag:s0] =	ssyncadd.tile.s32 @!p0 $0x1;
	_ =	shalt  }
.Lfunc_end2:
_tile_overlayer_lowered:
.L_overlay_start_2:
0xda: {  	(tag) =	ssettag $0x2  }
0xdb: {  	s0 =	rddreg [dreg:$0x0];
	s2 =	stileid.u32  }
0xdc: {  	s1 =	rddreg [dreg:$0x1];
	p0 =	sne.s32 s2, $0x0  }
0xdd: {  	s3 =	rddreg [dreg:$0x2];
	[bflag:$0x3] =	sbarrier.arrive $0xFFFF;
	s2 =	simm.s32 @!p0 $0x1C03  }
0xde: {  	[timem:s3], [sflag:s2] =	dma.local @!p0 [hbm:s0], s1  }
0xdf: {  	s0 =	simm.s32 @!p0 $0x3  }
0xe0: {  	_ =	swait.ge @!p0 [sflag:s0], s1  }
0xe1: {  	s1 =	ssub.s32 @!p0 $0x0, s1;
	[sflag:s0] =	ssyncset.done @!p0 $0x0  }
0xe2: {  	[sflag:s0] =	ssyncadd.s32 @!p0 s1  }
0xe3: {  	[bflag:$0x3] =	sbarrier.arrive $0xFFFF  }
0xe4: {  	_ =	shalt  }

// kernel: kernel.8.cloned.1.call-start
scs
__scs_entry_jumppad:
0x0: {  	(pc) =	sbr.rel $0x88, $3  }
0x1: {  	(tag) =	ssettag $0x0;
	lr =	simm.s32 $0x1  }
0x2: {  	[smem:$0x3F98] =	sst lr;
	_ =	strace $0xD0000000  }
0x3: {  	_ = 	snop  }
0x4: {  	_ = 	snop  }
0x5: {  	_ = 	snop  }
0x6: {  	_ = 	snop  }
0x7: {  	_ = 	snop  }
__scs_overlays_trampoline_lowered:
0x8: {  	[smem:$0x3FA7] =	sst s0  }
0x9: {  	[smem:$0x3FA8] =	sst s1  }
0xa: {  	[smem:$0x3FA9] =	sst s2  }
0xb: {  	[smem:$0x3FAA] =	sst s3  }
0xc: {  	[smem:$0x3FAB] =	sst s4  }
0xd: {  	[smem:$0x3FAC] =	sst s5  }
0xe: {  	[smem:$0x3FAD] =	sst s6  }
0xf: {  	[smem:$0x3FAE] =	sst s7  }
0x10: {  	[smem:$0x3FAF] =	sst s8  }
0x11: {  	[smem:$0x3FB0] =	sst s9;
	s0 =	simm.s32 @!p0 $0x0  }
0x12: {  	s1 =	sld [smem:$0x3F96];
	s0 =	simm.s32 @p0 $0x1  }
0x13: {  	[smem:$0x3FB1] =	sst s0;
	s0 =	simm.s32 @!p1 $0x0  }
0x14: {  	s2 =	sld [smem:$0x3F95];
	s0 =	simm.s32 @p1 $0x1  }
0x15: {  	[smem:$0x3FB2] =	sst s0;
	s0 =	simm.s32 @!p2 $0x0  }
0x16: {  	s3 =	sld [smem:$0x3FDB];
	s0 =	simm.s32 @p2 $0x1  }
0x17: {  	s4 =	simm.s32 $0x1BF5;
	[smem:$0x3FB4] =	sst s0  }
0x18: {  	s0 =	sld [smem:$0x3F97];
	_ =	swait.ge [sflag:s4], $0x0  }
0x19: {  	s7 =	sld [smem:$0x3F98]  }
0x1a: {  	s8 =	sadd.s32 $0xFFFFE003, lr  }
0x1b: {  	s9 =	sadd.s32 $0xFFFFFEF7, lr;
	s5 =	simm.s32 $0xFFFFFFFF;
	p2 =	slt.u32 s8, $0xFFFFF086  }
0x1c: {  	p1 =	slt.u32 s9, $0xF7A;
	s5 =	simm.s32 @!p2 $0x0  }
0x1d: {  	s5 =	simm.s32 @p1 $0x1;
	p0 =	seq.s32 s7, s2  }
0x1e: {  	s7 =	smul.u32 @!p0 $0xF7A, s2;
	p2 =	seq.s32 @!p0 s5, $0x0  }
0x1f: {  	s9 =	smul.u32 $0xF7A, s1;
	s8 =	simm.s32 @!p0 $0x1BF5;
	p2 =	por !p2, p0  }
0x20: {  	[sflag:s8] =	ssyncset.s32 @!p0 $0xFFFFF086;
	s6 =	sadd.s32 @!p0 s3, s7;
	s7 =	simm.s32 @!p0 $0x108  }
0x21: {  	s3 =	sadd.s32 s3, s9;
	s6 =	sadd.s32 @!p0 $0x88, s6;
	s7 =	simm.s32 @p2 $0x1082  }
0x22: {  	[simem:s7], [sflag:s8] =	dma.local @!p0 [hbm:s6], $0xF7A  }
0x23: {  	s9 =	sor.u32 $0xD0000000, s2;
	s6 =	simm.s32 $0x108;
	_ =	swait.ge @!p0 [sflag:s8], $0x0  }
0x24: {  	s3 =	sadd.s32 $0x88, s3;
	s6 =	simm.s32 @!p1 $0x1082;
	[sflag:s4] =	ssyncset.s32 $0xFFFFF086  }
0x25: {  	[simem:s6], [sflag:s4] =	dma.local [hbm:s3], $0xF7A  }
0x26: {  	[smem:$0x3F98] =	sst s1;
	(tag) =	ssettag s2;
	_ =	strace s9  }
0x27: {  	s1 =	sld [smem:$0x3FA8]  }
0x28: {  	s2 =	sld [smem:$0x3FA9]  }
0x29: {  	s4 =	sld [smem:$0x3FAB]  }
0x2a: {  	p0 =	seq.s32 s5, $0x0;
	s5 =	sld [smem:$0x3FAC]  }
0x2b: {  	s6 =	sld [smem:$0x3FAD]  }
0x2c: {  	s7 =	sld [smem:$0x3FAE]  }
0x2d: {  	s3 =	simm.s32 $0x108;
	s8 =	sld [smem:$0x3FAF]  }
0x2e: {  	s3 =	simm.s32 @!p0 $0x1082;
	s9 =	sld [smem:$0x3FB0]  }
0x2f: {  	lr =	sadd.s32 s0, s3;
	s0 =	sld [smem:$0x3FA7]  }
0x30: {  	s3 =	sld [smem:$0x3FAA]  }
0x31: {  	[smem:$0x3FB3] =	sst s10  }
0x32: {  	s10 =	sld [smem:$0x3FB1];
	_ =	sdelay $0x3  }
0x33: {  	p0 =	seq.s32 s10, $0x1;
	s10 =	sld [smem:$0x3FB3];
	_ =	sdelay $0x3  }
0x34: {  	[smem:$0x3FB3] =	sst s10  }
0x35: {  	s10 =	sld [smem:$0x3FB2];
	_ =	sdelay $0x3  }
0x36: {  	p1 =	seq.s32 s10, $0x1;
	s10 =	sld [smem:$0x3FB3];
	_ =	sdelay $0x3  }
0x37: {  	[smem:$0x3FB3] =	sst s10  }
0x38: {  	s10 =	sld [smem:$0x3FB4]  }
0x39: {  	_ = 	snop;
	(pc) =	sbr.ind lr, $3  }
0x3a: {  	_ = 	snop  }
0x3b: {  	_ = 	snop  }
0x3c: {  	p2 =	seq.s32 s10, $0x1;
	s10 =	sld [smem:$0x3FB3]  }
0x3d: {  	_ =	shalt  }
0x3e: {  	_ =	shalt  }
0x3f: {  	_ =	shalt  }
0x40: {  	_ =	shalt  }
0x41: {  	_ =	shalt  }
0x42: {  	_ =	shalt  }
0x43: {  	_ =	shalt  }
0x44: {  	_ =	shalt  }
0x45: {  	_ =	shalt  }
0x46: {  	_ =	shalt  }
0x47: {  	_ =	shalt  }
0x48: {  	_ =	shalt  }
0x49: {  	_ =	shalt  }
0x4a: {  	_ =	shalt  }
0x4b: {  	_ =	shalt  }
0x4c: {  	_ =	shalt  }
0x4d: {  	_ =	shalt  }
0x4e: {  	_ =	shalt  }
0x4f: {  	_ =	shalt  }
0x50: {  	_ =	shalt  }
0x51: {  	_ =	shalt  }
0x52: {  	_ =	shalt  }
0x53: {  	_ =	shalt  }
0x54: {  	_ =	shalt  }
0x55: {  	_ =	shalt  }
0x56: {  	_ =	shalt  }
0x57: {  	_ =	shalt  }
0x58: {  	_ =	shalt  }
0x59: {  	_ =	shalt  }
0x5a: {  	_ =	shalt  }
0x5b: {  	_ =	shalt  }
0x5c: {  	_ =	shalt  }
0x5d: {  	_ =	shalt  }
0x5e: {  	_ =	shalt  }
0x5f: {  	_ =	shalt  }
0x60: {  	_ =	shalt  }
0x61: {  	_ =	shalt  }
0x62: {  	_ =	shalt  }
0x63: {  	_ =	shalt  }
0x64: {  	_ =	shalt  }
0x65: {  	_ =	shalt  }
0x66: {  	_ =	shalt  }
0x67: {  	_ =	shalt  }
0x68: {  	_ =	shalt  }
0x69: {  	_ =	shalt  }
0x6a: {  	_ =	shalt  }
0x6b: {  	_ =	shalt  }
0x6c: {  	_ =	shalt  }
0x6d: {  	_ =	shalt  }
0x6e: {  	_ =	shalt  }
0x6f: {  	_ =	shalt  }
0x70: {  	_ =	shalt  }
0x71: {  	_ =	shalt  }
0x72: {  	_ =	shalt  }
0x73: {  	_ =	shalt  }
0x74: {  	_ =	shalt  }
0x75: {  	_ =	shalt  }
0x76: {  	_ =	shalt  }
0x77: {  	_ =	shalt  }
0x78: {  	_ =	shalt  }
0x79: {  	_ =	shalt  }
0x7a: {  	_ =	shalt  }
0x7b: {  	_ =	shalt  }
0x7c: {  	_ =	shalt  }
0x7d: {  	_ =	shalt  }
0x7e: {  	_ =	shalt  }
0x7f: {  	_ =	shalt  }
0x80: {  	_ =	shalt  }
0x81: {  	_ =	shalt  }
0x82: {  	_ =	shalt  }
0x83: {  	_ =	shalt  }
0x84: {  	_ =	shalt  }
0x85: {  	_ =	shalt  }
0x86: {  	_ =	shalt  }
0x87: {  	_ =	shalt  }
.Lfunc_end0:
.L_simem_size_0:
called_computation_lowered:
.L_overlay_start_0:
0x88: {  	s2 =	sld [smem:$0x3FD9]  }
0x89: {  	s3 =	sld [smem:$0x3FFE];
	_ =	sdelay $0x1  }
0x8a: {  	s1 =	srdreg.scid  }
0x8b: {  	s0 =	sand.u32 $0x1, s1  }
0x8c: {  	s17 =	sshll.u32 s0, $0xA;
	s2 =	sadd.s32 s3, s2  }
0x8d: {  	s2 =	sadd.s32 s2, s17  }
0x8e: {  	[smem:$0x3FBF] =	sst s2  }
0x8f: {  	_ = 	snop  }
0x90: {  	s2 =	sld [smem:$0x3FD0];
	(tm) =	ssettm $0x1  }
0x91: {  	s18 =	sld [smem:$0x3FFB];
	_ =	sdelay $0x3  }
0x92: {  	_ =	strace s18  }
0x93: {  	s3 =	sld [smem:$0x3FFC];
	_ =	sdelay $0x3  }
0x94: {  	_ =	strace s3  }
0x95: {  	s3 =	sld [smem:$0x3FFD];
	_ =	sdelay $0x3  }
0x96: {  	_ =	strace s3  }
0x97: {  	_ =	strace $0x8FFFFFFF  }
0x98: {  	s19 =	sld [smem:$0x3FDB];
	_ =	sdelay $0x1  }
0x99: {  	s4 =	simm.s32 $_scs_section_size  }
0x9a: {  	s5 =	simm.s32 $_size__tile_overlayer_lowered;
	s6 =	simm.s32 $_tile_overlayer_lowered  }
0x9b: {  	s22 =	simm.s32 $0x1BFF;
	s21 =	sshll.u32 s6, $0x1;
	s3 =	sadd.s32 s4, s19  }
0x9c: {  	s7 =	simm.s32 $0x0;
	s20 =	sshll.u32 s5, $0x1;
	s5 =	sadd.s32 s21, s3  }
0x9d: {  	[timem:s7], [sflag:s22] =	dma.local [hbm:s5], s20  }
0x9e: {  	_ =	swait.ge [sflag:s22], s20  }
0x9f: {  	s4 =	ssub.s32 $0x0, s20;
	[sflag:s22] =	ssyncset.done $0x0  }
0xa0: {  	[sflag:s22] =	ssyncadd.s32 s4;
	_ =	sdelay $0x1  }
0xa1: {  	s23 =	simm.s32 $0x1B8B  }
0xa2: {  	_ =	swait.ge [sflag:s23], $0x1  }
0xa3: {  	[sflag:s23] =	ssyncset.done $0x0  }
0xa4: {  	s25 =	simm.s32 $0x1B8E;
	s24 =	sld [smem:$0x3FFE];
	[sflag:s23] =	ssyncadd.s32 $0xFFFFFFFF  }
0xa5: {  	s26 =	simm.s32 $execute0_lowered;
	[smem:$0x3FD2] =	sst s25  }
0xa6: {  	s5 =	sshll.u32 s26, $0x1;
	_ =	strace $0x80000046;
	[dreg:$0x1] =	wrdreg $0xFFFFFFFF  }
0xa7: {  	s28 =	simm.s32 $_size_execute0_lowered;
	s3 =	sadd.s32 s3, s5;
	[dreg:$0x0] =	wrdreg $0x0  }
0xa8: {  	s5 =	sshll.u32 s28, $0x1;
	[dreg:$0x2] =	wrdreg s3  }
0xa9: {  	[dreg:$0x3] =	wrdreg s5  }
0xaa: {  	[dreg:$0x4] =	wrdreg $0xC0  }
0xab: {  	_ =	task [dreg:s7], $0x5FFFF  }
0xac: {  	[dreg:$0x1] =	wrdreg $0xFFFFFFFF  }
0xad: {  	[dreg:$0x0] =	wrdreg $0x60  }
0xae: {  	[dreg:$0x2] =	wrdreg s2  }
0xaf: {  	[dreg:$0x3] =	wrdreg s24  }
0xb0: {  	[dreg:$0x4] =	wrdreg $0x9  }
0xb1: {  	_ =	task.clear_ibuf [dreg:s7], $0x5FFFF;
	_ =	strace $0x90000046  }
0xb2: {  	s29 =	simm.s32 $0x9;
	_ =	strace $0x80000048  }
0xb3: {  	_ =	swait.ge [sflag:s29], $0x1  }
0xb4: {  	[sflag:s29] =	ssyncadd.s32 $0xFFFFFFFF  }
0xb5: {  	_ =	strace $0x90000048  }
0xb6: {  	_ =	sfence  }
0xb7: {  	s30 =	sld [smem:$0x0];
	_ =	sdelay $0x2  }
0xb8: {  	s31 =	sshll.u32 s1, $0xD;
	s1 =	sshrl.u32 s1, $0x2  }
0xb9: {  	s3 =	sand.u32 $0x4000, s31;
	s1 =	sadd.s32 s1, s30  }
0xba: {  	s0 =	sor.u32 s3, s0;
	s1 =	sshll.u32 s1, $0x11  }
0xbb: {  	s0 =	sor.u32 s1, s0  }
0xbc: {  	s0 =	sadd.s32 $0x8F2B, s0  }
0xbd: {  	[sflag:s0] =	ssyncadd.remote.s32 $0x1  }
0xbe: {  	_ =	sfence.sel $0xFFFF  }
0xbf: {  	[dreg:$0x0] =	wrdreg $0xFFFFFFFF;
	(pc) =	sbr.abs _section_cstart, $3  }
0xc0: {  	[dreg:$0x1] =	wrdreg $0xFFFFFFFF  }
0xc1: {  	_ =	task.clear_ibuf [dreg:s7], $0x2FFFF;
	_ =	strace $0x9FFFFFFF  }
0xc2: {  	(tm) =	ssettm $0x7FFFFFFF  }
0xc3: {  	_ =	shalt  }
tec
execute0_lowered:
.L_overlay_start_1:
0x0: {  	(tag) =	ssettag $0x1  }
0x1: {  	s3 =	rddreg [dreg:$0x0];
	s1 =	srdreg.scid  }
0x2: {  	s0 =	stileid.u32;
	s4 =	rddreg [dreg:$0x1];
	s2 =	simm.s32 $0x0  }
0x3: {  	s9 =	simm.s32 $0x2800;
	s5 =	sand.u32 $0x1, s1;
	s6 =	sshll.u32 s0, $0x1  }
0x4: {  	s10 =	simm.s32 $0x5000;
	s11 =	simm.s32 $0x7800;
	s6 =	sor.u32 s5, s6  }
0x5: {  	s1 =	rddreg [dreg:$0x2];
	s5 =	ssub.s32 $0x2, s5;
	s6 =	smul.u32 $0x500, s6  }
0x6: {  	s12 =	simm.s32 $0x0;
	[smem:$0x7FF] =	sst s2;
	s7 =	sshrl.u32 s5, $0x1  }
0x7: {  	_ =	strace $0x80000047;
	s7 =	ssub.s32 s5, s7;
	s8 =	sadd.s32 s6, s4  }
0x8: {  	s3 =	sadd.s32 s3, s6;
	s7 =	smax.u32 s7, $0x1;
	s4 =	sadd.s32 $0xC600, s8  }
0x9: {  	v0 =	vimm.f32 $0.0e+00;
	v1 =	vimm.f32 $1.000000000e+00;
	s5 =	sadd.s32 $0x16600, s8;
	s6 =	sadd.s32 $0x20600, s8;
	s8 =	simm.s32 $0x1  }
.LBB2_1:
0xa: {  	[tilespmem:s2], [sflag:$0x1] =	stream.linear.gather [hbm4b:s3+s2], $0x2800, $0x38;
	[tilespmem:$0xA000] =	vst v63  }
0xb: {  	_ =	swait.ge [sflag:s8], $0x2800  }
0xc: {  	[sflag:s8] =	ssyncset.done $0x0  }
0xd: {  	[sflag:s8] =	ssyncadd.s32 $0xFFFFD800  }
0xe: {  	[tilespmem:s9], [sflag:$0x1] =	stream.linear.gather [hbm4b:s4+s2], $0x2800, $0x38;
	[tilespmem:$0xA000] =	vst v63  }
0xf: {  	_ =	swait.ge [sflag:s8], $0x2800  }
0x10: {  	[sflag:s8] =	ssyncset.done $0x0  }
0x11: {  	s13 =	simm.s32 $0x0;
	[sflag:s8] =	ssyncadd.s32 $0xFFFFD800  }
.LBB2_2:
0x12: {  	p0 =	sne.s32 s13, $0x9FC0  }
.Ltmp0:
0x13: {  	_ = 	snop;
	(pc) =	sbr.rel @p0 .LBB2_2-.Ltmp0, $4  }
0x14: {  	_ = 	snop  }
0x15: {  	s14 =	sshra.s32 s13, $0x2  }
0x16: {  	[tilespmem:s14+$0x5000] =	vst v0  }
0x17: {  	s13 =	sadd.s32 $0x40, s13;
	[tilespmem:s14+$0x7800] =	vst v0  }
0x18: {  	s13 =	simm.s32 $0x0  }
.LBB2_4:
0x19: {  	s14 =	sshra.s32 s13, $0x2  }
0x1a: {  	v2 =	vld [tilespmem:s14+$0x0];
	_ =	sdelay $0x7  }
0x1b: {  	[tilespmem:v2+s10+$0x0] =	vst.idx.add.f32.msk $0xffff, v1  }
0x1c: {  	v2 =	vld [tilespmem:s14+$0x2800];
	_ =	sdelay $0x7  }
0x1d: {  	[tilespmem:v2+s11+$0x0] =	vst.idx.add.f32.msk $0xffff, v1  }
0x1e: {  	v2 =	vld [tilespmem:s14+$0x10];
	_ =	sdelay $0x7  }
0x1f: {  	[tilespmem:v2+s10+$0x0] =	vst.idx.add.f32.msk $0xffff, v1  }
0x20: {  	v2 =	vld [tilespmem:s14+$0x2810];
	_ =	sdelay $0x7  }
0x21: {  	[tilespmem:v2+s11+$0x0] =	vst.idx.add.f32.msk $0xffff, v1  }
0x22: {  	v2 =	vld [tilespmem:s14+$0x20];
	_ =	sdelay $0x7  }
0x23: {  	[tilespmem:v2+s10+$0x0] =	vst.idx.add.f32.msk $0xffff, v1  }
0x24: {  	v2 =	vld [tilespmem:s14+$0x2820];
	_ =	sdelay $0x7  }
0x25: {  	[tilespmem:v2+s11+$0x0] =	vst.idx.add.f32.msk $0xffff, v1  }
0x26: {  	v2 =	vld [tilespmem:s14+$0x30];
	_ =	sdelay $0x7  }
0x27: {  	[tilespmem:v2+s10+$0x0] =	vst.idx.add.f32.msk $0xffff, v1  }
0x28: {  	v2 =	vld [tilespmem:s14+$0x2830];
	_ =	sdelay $0x7  }
0x29: {  	[tilespmem:v2+s11+$0x0] =	vst.idx.add.f32.msk $0xffff, v1  }
0x2a: {  	v2 =	vld [tilespmem:s14+$0x40];
	_ =	sdelay $0x7  }
0x2b: {  	[tilespmem:v2+s10+$0x0] =	vst.idx.add.f32.msk $0xffff, v1  }
0x2c: {  	v2 =	vld [tilespmem:s14+$0x2840];
	_ =	sdelay $0x7  }
0x2d: {  	[tilespmem:v2+s11+$0x0] =	vst.idx.add.f32.msk $0xffff, v1  }
0x2e: {  	v2 =	vld [tilespmem:s14+$0x50];
	_ =	sdelay $0x7  }
0x2f: {  	[tilespmem:v2+s10+$0x0] =	vst.idx.add.f32.msk $0xffff, v1  }
0x30: {  	v2 =	vld [tilespmem:s14+$0x2850];
	_ =	sdelay $0x7  }
0x31: {  	[tilespmem:v2+s11+$0x0] =	vst.idx.add.f32.msk $0xffff, v1  }
0x32: {  	v2 =	vld [tilespmem:s14+$0x60];
	_ =	sdelay $0x7  }
0x33: {  	[tilespmem:v2+s10+$0x0] =	vst.idx.add.f32.msk $0xffff, v1  }
0x34: {  	v2 =	vld [tilespmem:s14+$0x2860];
	_ =	sdelay $0x7  }
0x35: {  	[tilespmem:v2+s11+$0x0] =	vst.idx.add.f32.msk $0xffff, v1  }
0x36: {  	v2 =	vld [tilespmem:s14+$0x70];
	_ =	sdelay $0x7  }
0x37: {  	[tilespmem:v2+s10+$0x0] =	vst.idx.add.f32.msk $0xffff, v1  }
0x38: {  	v2 =	vld [tilespmem:s14+$0x2870];
	_ =	sdelay $0x2  }
0x39: {  	p0 =	sne.s32 s13, $0x9E00  }
.Ltmp1:
0x3a: {  	_ = 	snop;
	(pc) =	sbr.rel @p0 .LBB2_4-.Ltmp1, $2  }
0x3b: {  	_ =	sdelay $0x2  }
0x3c: {  	s13 =	sadd.s32 $0x200, s13;
	[tilespmem:v2+s11+$0x0] =	vst.idx.add.f32.msk $0xffff, v1  }
0x3d: {  	[hbm4b:s5+s2] =	stream.linear.scatter [tilespmem:s10], [sflag:$0x1], $0x2800, $0x38;
	[tilespmem:$0xA000] =	vst v63  }
0x3e: {  	s12 =	sadd.s32 $0x1, s12;
	_ =	swait.ge [sflag:s8], $0x2800  }
0x3f: {  	p0 =	sne.s32 s12, s7;
	[sflag:s8] =	ssyncset.done $0x0  }
.Ltmp2:
0x40: {  	[sflag:s8] =	ssyncadd.s32 $0xFFFFD800;
	(pc) =	sbr.rel @p0 .LBB2_1-.Ltmp2, $4  }
0x41: {  	[hbm4b:s6+s2] =	stream.linear.scatter [tilespmem:s11], [sflag:$0x1], $0x2800, $0x38;
	[tilespmem:$0xA000] =	vst v63  }
0x42: {  	_ =	swait.ge [sflag:s8], $0x2800  }
0x43: {  	[sflag:s8] =	ssyncset.done $0x0  }
0x44: {  	[sflag:s8] =	ssyncadd.s32 $0xFFFFD800  }
0x45: {  	_ =	sfence.sel $0x180000  }
0x46: {  	[bflag:$0x0] =	sbarrier.arrive $0xFFFF  }
0x47: {  	p0 =	sne.s32 s0, $0x0;
	_ =	strace $0x90000047  }
0x48: {  	s0 =	sadd.s32 @!p0 $0x100000, s1;
	[bflag:$0x2] =	sbarrier.arrive $0xFFFF  }
0x49: {  	[sflag:s0] =	ssyncadd.tile.s32 @!p0 $0x1;
	_ =	shalt  }
.Lfunc_end2:
_tile_overlayer_lowered:
.L_overlay_start_2:
0x4a: {  	(tag) =	ssettag $0x2  }
0x4b: {  	s0 =	rddreg [dreg:$0x0];
	s2 =	stileid.u32  }
0x4c: {  	s1 =	rddreg [dreg:$0x1];
	p0 =	sne.s32 s2, $0x0  }
0x4d: {  	s3 =	rddreg [dreg:$0x2];
	[bflag:$0x3] =	sbarrier.arrive $0xFFFF;
	s2 =	simm.s32 @!p0 $0x1C01  }
0x4e: {  	[timem:s3], [sflag:s2] =	dma.local @!p0 [hbm:s0], s1  }
0x4f: {  	s0 =	simm.s32 @!p0 $0x1  }
0x50: {  	_ =	swait.ge @!p0 [sflag:s0], s1  }
0x51: {  	s1 =	ssub.s32 @!p0 $0x0, s1;
	[sflag:s0] =	ssyncset.done @!p0 $0x0  }
0x52: {  	[sflag:s0] =	ssyncadd.s32 @!p0 s1  }
0x53: {  	[bflag:$0x3] =	sbarrier.arrive $0xFFFF  }
0x54: {  	_ =	shalt  }

</sc_bundles>
